<compile_context>
chip_gen: v7x
topology: tpu7x:2x2x1
jax: 0.10.2.dev20260603
libtpu: 0.0.44.dev20260713+nightly
codegen_flags: <defaults>
</compile_context>

<pallas_src>
import functools

import jax
import jax.numpy as jnp
from jax import lax
from jax.experimental import pallas as pl
from jax.experimental.pallas import tpu as pltpu
from jax.experimental.pallas import tpu_sc as plsc

NC, NS, LANES = 2, 16, 16
NW = NC * NS
CH = 128
ZR = 128
NPAD = 10240
BE = 4000


def _make_sc_gather(N, E, D):
    n_chunks = E // CH
    rows_per_tile = NPAD // NS
    mesh = plsc.VectorSubcoreMesh(core_axis_name="c", subcore_axis_name="s",
                                  num_cores=NC, num_subcores=NS)

    @functools.partial(
        pl.kernel,
        out_type=(jax.ShapeDtypeStruct((E, D), jnp.float32),
                  jax.ShapeDtypeStruct((NC, NPAD, D), jnp.float32)),
        mesh=mesh,
        scratch_types=[
            pltpu.VMEM((CH,), jnp.int32),
            pltpu.VMEM((CH,), jnp.int32),
            pltpu.VMEM((CH, D), jnp.float32),
            pltpu.VMEM((CH, D), jnp.float32),
            pltpu.VMEM_SHARED((NPAD, D), jnp.float32),
            pltpu.SemaphoreType.DMA,
        ],
    )
    def k(src_hbm, dst_hbm, x_hbm, g_hbm, m1_hbm,
          idxs_v, idxd_v, rows_s, rows_d, acc, sem):
        cid = lax.axis_index("c")
        sid = lax.axis_index("s")
        wid = sid * NC + cid
        row0 = sid * rows_per_tile

        def zrow(r, carry):
            for j in range(D // LANES):
                rows_s[r, pl.ds(j * LANES, LANES)] = jnp.zeros((LANES,), jnp.float32)
            return carry
        lax.fori_loop(0, ZR, zrow, 0)
        for t in range(rows_per_tile // ZR):
            pltpu.sync_copy(rows_s, acc.at[pl.ds(row0 + t * ZR, ZR)])
        plsc.subcore_barrier()

        nch = (n_chunks - wid + NW - 1) // NW

        def body(i, carry):
            base = (wid + i * NW) * CH
            pltpu.sync_copy(src_hbm.at[pl.ds(base, CH)], idxs_v)
            pltpu.sync_copy(dst_hbm.at[pl.ds(base, CH)], idxd_v)
            pltpu.async_copy(x_hbm.at[idxs_v], rows_s, sem).wait()
            pltpu.sync_copy(rows_s, acc.at[idxd_v], add=True)
            pltpu.async_copy(x_hbm.at[idxd_v], rows_d, sem).wait()

            def addrow(r, c2):
                for j in range(D // LANES):
                    sl = pl.ds(j * LANES, LANES)
                    rows_d[r, sl] = rows_d[r, sl] + rows_s[r, sl]
                return c2
            lax.fori_loop(0, CH, addrow, 0)
            pltpu.sync_copy(rows_d, g_hbm.at[pl.ds(base, CH)])
            return carry
        lax.fori_loop(0, nch, body, 0)

        plsc.subcore_barrier()
        pltpu.sync_copy(acc.at[pl.ds(row0, rows_per_tile)],
                        m1_hbm.at[cid, pl.ds(row0, rows_per_tile)])
    return k


def _make_sc_norm_scatter(N, E, D):
    CH = 80
    n_chunks = E // CH
    rows_per_tile = NPAD // NS
    mesh = plsc.VectorSubcoreMesh(core_axis_name="c", subcore_axis_name="s",
                                  num_cores=NC, num_subcores=NS)

    @functools.partial(
        pl.kernel,
        out_type=(jax.ShapeDtypeStruct((E, D), jnp.float32),
                  jax.ShapeDtypeStruct((NC, NPAD, D), jnp.float32)),
        mesh=mesh,
        scratch_types=[
            pltpu.VMEM((2, CH), jnp.int32),
            pltpu.VMEM((2, CH, D), jnp.float32),
            pltpu.VMEM((2, CH, D), jnp.float32),
            pltpu.VMEM((D,), jnp.float32),
            pltpu.VMEM((D,), jnp.float32),
            pltpu.VMEM_SHARED((NPAD, D), jnp.float32),
            pltpu.SemaphoreType.DMA,
            pltpu.SemaphoreType.DMA,
            pltpu.SemaphoreType.DMA,
            pltpu.SemaphoreType.DMA,
        ],
    )
    def k(dst_hbm, z_hbm, ea_hbm, sc_hbm, sh_hbm, m1_hbm, e_hbm, m_hbm,
          idx_v, rz, rea, sc_v, sh_v, acc, lsem0, lsem1, ssem0, ssem1):
        cid = lax.axis_index("c")
        sid = lax.axis_index("s")
        wid = sid * NC + cid
        row0 = sid * rows_per_tile
        lsems = (lsem0, lsem1)
        ssems = (ssem0, ssem1)

        pltpu.sync_copy(sc_hbm, sc_v)
        pltpu.sync_copy(sh_hbm, sh_v)
        pltpu.sync_copy(m1_hbm.at[cid, pl.ds(row0, rows_per_tile)],
                        acc.at[pl.ds(row0, rows_per_tile)])
        plsc.subcore_barrier()

        nch = n_chunks // NW

        def start_loads(i, b):
            base = (wid + i * NW) * CH
            pltpu.async_copy(dst_hbm.at[pl.ds(base, CH)], idx_v.at[b],
                             lsems[b])
            pltpu.async_copy(z_hbm.at[pl.ds(base, CH)], rz.at[b], lsems[b])
            pltpu.async_copy(ea_hbm.at[pl.ds(base, CH)], rea.at[b], lsems[b])

        def wait_loads(i, b):
            base = (wid + i * NW) * CH
            pltpu.make_async_copy(dst_hbm.at[pl.ds(base, CH)], idx_v.at[b],
                                  lsems[b]).wait()
            pltpu.make_async_copy(z_hbm.at[pl.ds(base, CH)], rz.at[b],
                                  lsems[b]).wait()
            pltpu.make_async_copy(ea_hbm.at[pl.ds(base, CH)], rea.at[b],
                                  lsems[b]).wait()

        start_loads(0, 0)
        scv = tuple(sc_v[pl.ds(j * LANES, LANES)] for j in range(D // LANES))
        shv = tuple(sh_v[pl.ds(j * LANES, LANES)] for j in range(D // LANES))

        def wait_stores(b):
            pltpu.make_async_copy(rz.at[b], e_hbm.at[pl.ds(0, CH)],
                                  ssems[b]).wait()

        def compute_and_store(i, b):
            def rowfn(r, c2):
                for j in range(D // LANES):
                    sl = pl.ds(j * LANES, LANES)
                    rz[b, r, sl] = (rz[b, r, sl] * scv[j] + shv[j]
                                    + rea[b, r, sl])
                return c2
            lax.fori_loop(0, CH, rowfn, 0)
            base = (wid + i * NW) * CH
            pltpu.async_copy(rz.at[b], e_hbm.at[pl.ds(base, CH)], ssems[b])
            pltpu.sync_copy(rz.at[b], acc.at[idx_v.at[b]], add=True)

        def pair(i2, carry):
            i = 2 * i2

            @pl.when(i2 >= 1)
            def _():
                wait_stores(1)
            start_loads(i + 1, 1)
            wait_loads(i, 0)
            compute_and_store(i, 0)

            wait_stores(0)
            start_loads(i + 2, 0)
            wait_loads(i + 1, 1)
            compute_and_store(i + 1, 1)
            return carry
        lax.fori_loop(0, (nch - 1) // 2, pair, 0)

        wait_stores(1)
        wait_loads(nch - 1, 0)
        compute_and_store(nch - 1, 0)
        wait_stores(0)

        plsc.subcore_barrier()
        pltpu.sync_copy(acc.at[pl.ds(row0, rows_per_tile)],
                        m_hbm.at[cid, pl.ds(row0, rows_per_tile)])
    return k


def _edge_mlp(g, ea, W1, b1, W2, b2):
    E, D = g.shape

    def body(g_ref, ea_ref, w1_ref, b1_ref, w2_ref, b2_ref,
             z_ref, s1_ref, s2_ref):
        i = pl.program_id(0)
        s = g_ref[...] + ea_ref[...]
        h = jnp.maximum(
            jnp.dot(s, w1_ref[...], preferred_element_type=jnp.float32)
            + b1_ref[...], 0.0)
        z = (jnp.dot(h, w2_ref[...], preferred_element_type=jnp.float32)
             + b2_ref[...])
        z_ref[...] = z
        ps1 = jnp.sum(z, axis=0, keepdims=True)
        ps2 = jnp.sum(z * z, axis=0, keepdims=True)

        @pl.when(i == 0)
        def _():
            s1_ref[...] = ps1
            s2_ref[...] = ps2

        @pl.when(i != 0)
        def _():
            s1_ref[...] += ps1
            s2_ref[...] += ps2

    full = lambda i: (0, 0)
    blk = lambda i: (i, 0)
    return pl.pallas_call(
        body,
        grid=(E // BE,),
        in_specs=[
            pl.BlockSpec((BE, D), blk), pl.BlockSpec((BE, D), blk),
            pl.BlockSpec((D, D), full), pl.BlockSpec((1, D), full),
            pl.BlockSpec((D, D), full), pl.BlockSpec((1, D), full),
        ],
        out_specs=[
            pl.BlockSpec((BE, D), blk),
            pl.BlockSpec((1, D), full), pl.BlockSpec((1, D), full),
        ],
        out_shape=[
            jax.ShapeDtypeStruct((E, D), jnp.float32),
            jax.ShapeDtypeStruct((1, D), jnp.float32),
            jax.ShapeDtypeStruct((1, D), jnp.float32),
        ],
    )(g, ea, W1, b1, W2, b2)


def _node_mlp(x, mp, W1, b1, W2, b2, gamma, beta):
    N, D = x.shape

    def body(x_ref, mp_ref, w1_ref, b1_ref, w2_ref, b2_ref,
             gm_ref, bt_ref, h_ref):
        xv = x_ref[...]
        m = mp_ref[0, :N, :] + mp_ref[1, :N, :]
        h1 = jnp.maximum(
            jnp.dot(xv + m, w1_ref[...], preferred_element_type=jnp.float32)
            + b1_ref[...], 0.0)
        u = (jnp.dot(h1, w2_ref[...], preferred_element_type=jnp.float32)
             + b2_ref[...])
        mu = jnp.sum(u, axis=0, keepdims=True) * (1.0 / N)
        d = u - mu
        var = jnp.sum(d * d, axis=0, keepdims=True) * (1.0 / N)
        h_ref[...] = d * lax.rsqrt(var + 1e-5) * gm_ref[...] + bt_ref[...] + xv

    return pl.pallas_call(
        body,
        out_shape=jax.ShapeDtypeStruct((N, D), jnp.float32),
    )(x, mp, W1, b1, W2, b2, gamma, beta)


def kernel(x, edge_attr, edge_index, W1a, b1a, W2a, b2a, W1b, b1b, W2b, b2b,
           gamma_a, beta_a, gamma_b, beta_b):
    N, D = x.shape
    E = edge_attr.shape[0]
    src = edge_index[0]
    dst = edge_index[1]

    g, m1 = _make_sc_gather(N, E, D)(src, dst, x)
    z, s1, s2 = _edge_mlp(g, edge_attr, W1b, b1b.reshape(1, D),
                          W2b, b2b.reshape(1, D))
    mu = s1 * (1.0 / E)
    var = s2 * (1.0 / E) - mu * mu
    scale = gamma_b.reshape(1, D) / jnp.sqrt(var + 1e-5)
    shift = beta_b.reshape(1, D) - mu * scale
    e, mp = _make_sc_norm_scatter(N, E, D)(
        dst, z, edge_attr, scale.reshape(D), shift.reshape(D), m1)
    h = _node_mlp(x, mp, W1a, b1a.reshape(1, D), W2a, b2a.reshape(1, D),
                  gamma_a.reshape(1, D), beta_a.reshape(1, D))
    return (h, e)

# --- scband reference (transcript-rebuilt; emitter-appended) ---
"""Pipeline reference for scband-ginconv-with-global-1597727834590 (READ-ONLY COPY).

The authoritative reference and input builder live on the scoring server;
editing this copy changes nothing except your own understanding.
"""

import jax, jax.numpy as jnp
import numpy as np

N = 10000
E = 320000
D = 128


def _mlp(x, W1, b1, W2, b2):
    h = jax.nn.relu(x @ W1 + b1)
    return h @ W2 + b2


def _bn(x, gamma, beta, eps=1e-5):
    mu = jnp.mean(x, axis=0, keepdims=True)
    var = jnp.var(x, axis=0, keepdims=True)
    return (x - mu) / jnp.sqrt(var + eps) * gamma + beta


def setup_inputs(seed: int = 0) -> dict:
    key = jax.random.key(seed)
    ks = jax.random.split(key, 16)
    s = 1.0 / np.sqrt(D)
    return {
        'x': jax.random.normal(ks[0], (N, D), jnp.float32),
        'edge_attr': jax.random.normal(ks[1], (E, D), jnp.float32),
        'edge_index': jax.random.randint(ks[2], (2, E), 0, N, jnp.int32),
        'W1a': jax.random.normal(ks[3], (D, D), jnp.float32) * s,
        'b1a': jnp.zeros((D,), jnp.float32),
        'W2a': jax.random.normal(ks[4], (D, D), jnp.float32) * s,
        'b2a': jnp.zeros((D,), jnp.float32),
        'W1b': jax.random.normal(ks[5], (D, D), jnp.float32) * s,
        'b1b': jnp.zeros((D,), jnp.float32),
        'W2b': jax.random.normal(ks[6], (D, D), jnp.float32) * s,
        'b2b': jnp.zeros((D,), jnp.float32),
        'gamma_a': jnp.ones((D,), jnp.float32),
        'beta_a': jnp.zeros((D,), jnp.float32),
        'gamma_b': jnp.ones((D,), jnp.float32),
        'beta_b': jnp.zeros((D,), jnp.float32),
    }


def reference(x, edge_attr, edge_index, W1a, b1a, W2a, b2a, W1b, b1b, W2b, b2b,
              gamma_a, beta_a, gamma_b, beta_b):
    src = edge_index[0]
    dst = edge_index[1]
    # bond (edge) update: message built from endpoint atom features + bond feature
    e = _mlp(x[src] + x[dst] + edge_attr, W1b, b1b, W2b, b2b)
    e = _bn(e, gamma_b, beta_b)
    e = e + edge_attr  # residual
    # atom (node) update: GIN-style sum aggregation of (neighbor + updated edge)
    m = jax.ops.segment_sum(x[src] + e, dst, num_segments=N)
    h = _mlp(x + m, W1a, b1a, W2a, b2a)
    h = _bn(h, gamma_a, beta_a)
    h = h + x  # residual; dropout=None -> Identity
    return (h, e)

if __name__ == "__main__":
    import jax
    _d = setup_inputs()
    print(jax.jit(kernel)(*tuple(_d.values())))

</pallas_src>

<mosaic_0001>
#map = affine_map<(d0, d1) -> (0)>
#map1 = affine_map<(d0, d1) -> (0, 0)>
#map2 = affine_map<(d0, d1) -> (0, 0, 0)>
module attributes {stable_mosaic.version = 14 : i64} {
  func.func @k(%arg0: i32, %arg1: i32, %arg2: memref<320000xi32, #tpu.memory_space<hbm>>, %arg3: memref<320000xi32, #tpu.memory_space<hbm>>, %arg4: memref<10000x128xf32, #tpu.memory_space<hbm>>, %arg5: memref<320000x128xf32, #tpu.memory_space<hbm>>, %arg6: memref<2x10240x128xf32, #tpu.memory_space<hbm>>, %arg7: memref<128xi32, #tpu.memory_space<vmem>>, %arg8: memref<128xi32, #tpu.memory_space<vmem>>, %arg9: memref<128x128xf32, #tpu.memory_space<vmem>>, %arg10: memref<128x128xf32, #tpu.memory_space<vmem>>, %arg11: memref<10240x128xf32, #tpu.memory_space<vmem_shared>>, %arg12: memref<!tpu.dma_semaphore, #tpu.memory_space<semaphore_mem>>) attributes {dimension_semantics = [#tpu.dimension_semantics<core_parallel>, #tpu.dimension_semantics<subcore_parallel>], iteration_bounds = array<i64: 2, 16>, scalar_prefetch = 0 : i64, scratch_operands = 6 : i64, tpu.core_type = #tpu.core_type<sc_vector_subcore>, window_params = [{transform_indices = #map}, {transform_indices = #map}, {transform_indices = #map1}, {transform_indices = #map1}, {transform_indices = #map2}]} {
    %mul3A = arith.constant 2 : i32
    %mul3A_0 = arith.muli %arg1, %mul3A : i32
    %add3A = arith.addi %mul3A_0, %arg0 : i32
    %mul3A_1 = arith.constant 640 : i32
    %mul3A_2 = arith.muli %arg1, %mul3A_1 : i32
    %scan3A = arith.constant 0 : i32
    %scan3A_3 = arith.constant 0 : i32
    %scan3A_4 = arith.constant 128 : i32
    %scan3A_5 = arith.addi %scan3A_3, %scan3A_4 : i32
    %scan3A_6 = arith.constant 1 : i32
    scf.for %scan3A_50 = %scan3A_3 to %scan3A_5 step %scan3A_6  : i32 {
      %broadcast_in_dim3A = arith.constant 0.000000e+00 : f32
      %broadcast_in_dim3A_51 = vector.broadcast %broadcast_in_dim3A : f32 to vector<16xf32>
      %swap3A = arith.index_cast %scan3A_50 : i32 to index
      %swap3A_52 = arith.constant 0 : index
      %swap3A_53 = tpu.vector_load %arg9[%swap3A, %swap3A_52] {strides = array<i32>} : memref<128x128xf32, #tpu.memory_space<vmem>>, vector<1x16xf32>,
      %swap3A_54 = vector.shape_cast %swap3A_53 : vector<1x16xf32> to vector<16xf32>
      %swap3A_55 = vector.shape_cast %broadcast_in_dim3A_51 : vector<16xf32> to vector<1x16xf32>
      tpu.vector_store %arg9[%swap3A, %swap3A_52], %swap3A_55 {strides = array<i32>} : memref<128x128xf32, #tpu.memory_space<vmem>>, vector<1x16xf32>,
      %broadcast_in_dim3A_56 = arith.constant 0.000000e+00 : f32
      %broadcast_in_dim3A_57 = vector.broadcast %broadcast_in_dim3A_56 : f32 to vector<16xf32>
      %swap3A_58 = arith.index_cast %scan3A_50 : i32 to index
      %swap3A_59 = arith.constant 16 : index
      %swap3A_60 = tpu.vector_load %arg9[%swap3A_58, %swap3A_59] {strides = array<i32>} : memref<128x128xf32, #tpu.memory_space<vmem>>, vector<1x16xf32>,
      %swap3A_61 = vector.shape_cast %swap3A_60 : vector<1x16xf32> to vector<16xf32>
      %swap3A_62 = vector.shape_cast %broadcast_in_dim3A_57 : vector<16xf32> to vector<1x16xf32>
      tpu.vector_store %arg9[%swap3A_58, %swap3A_59], %swap3A_62 {strides = array<i32>} : memref<128x128xf32, #tpu.memory_space<vmem>>, vector<1x16xf32>,
      %broadcast_in_dim3A_63 = arith.constant 0.000000e+00 : f32
      %broadcast_in_dim3A_64 = vector.broadcast %broadcast_in_dim3A_63 : f32 to vector<16xf32>
      %swap3A_65 = arith.index_cast %scan3A_50 : i32 to index
      %swap3A_66 = arith.constant 32 : index
      %swap3A_67 = tpu.vector_load %arg9[%swap3A_65, %swap3A_66] {strides = array<i32>} : memref<128x128xf32, #tpu.memory_space<vmem>>, vector<1x16xf32>,
      %swap3A_68 = vector.shape_cast %swap3A_67 : vector<1x16xf32> to vector<16xf32>
      %swap3A_69 = vector.shape_cast %broadcast_in_dim3A_64 : vector<16xf32> to vector<1x16xf32>
      tpu.vector_store %arg9[%swap3A_65, %swap3A_66], %swap3A_69 {strides = array<i32>} : memref<128x128xf32, #tpu.memory_space<vmem>>, vector<1x16xf32>,
      %broadcast_in_dim3A_70 = arith.constant 0.000000e+00 : f32
      %broadcast_in_dim3A_71 = vector.broadcast %broadcast_in_dim3A_70 : f32 to vector<16xf32>
      %swap3A_72 = arith.index_cast %scan3A_50 : i32 to index
      %swap3A_73 = arith.constant 48 : index
      %swap3A_74 = tpu.vector_load %arg9[%swap3A_72, %swap3A_73] {strides = array<i32>} : memref<128x128xf32, #tpu.memory_space<vmem>>, vector<1x16xf32>,
      %swap3A_75 = vector.shape_cast %swap3A_74 : vector<1x16xf32> to vector<16xf32>
      %swap3A_76 = vector.shape_cast %broadcast_in_dim3A_71 : vector<16xf32> to vector<1x16xf32>
      tpu.vector_store %arg9[%swap3A_72, %swap3A_73], %swap3A_76 {strides = array<i32>} : memref<128x128xf32, #tpu.memory_space<vmem>>, vector<1x16xf32>,
      %broadcast_in_dim3A_77 = arith.constant 0.000000e+00 : f32
      %broadcast_in_dim3A_78 = vector.broadcast %broadcast_in_dim3A_77 : f32 to vector<16xf32>
      %swap3A_79 = arith.index_cast %scan3A_50 : i32 to index
      %swap3A_80 = arith.constant 64 : index
      %swap3A_81 = tpu.vector_load %arg9[%swap3A_79, %swap3A_80] {strides = array<i32>} : memref<128x128xf32, #tpu.memory_space<vmem>>, vector<1x16xf32>,
      %swap3A_82 = vector.shape_cast %swap3A_81 : vector<1x16xf32> to vector<16xf32>
      %swap3A_83 = vector.shape_cast %broadcast_in_dim3A_78 : vector<16xf32> to vector<1x16xf32>
      tpu.vector_store %arg9[%swap3A_79, %swap3A_80], %swap3A_83 {strides = array<i32>} : memref<128x128xf32, #tpu.memory_space<vmem>>, vector<1x16xf32>,
      %broadcast_in_dim3A_84 = arith.constant 0.000000e+00 : f32
      %broadcast_in_dim3A_85 = vector.broadcast %broadcast_in_dim3A_84 : f32 to vector<16xf32>
      %swap3A_86 = arith.index_cast %scan3A_50 : i32 to index
      %swap3A_87 = arith.constant 80 : index
      %swap3A_88 = tpu.vector_load %arg9[%swap3A_86, %swap3A_87] {strides = array<i32>} : memref<128x128xf32, #tpu.memory_space<vmem>>, vector<1x16xf32>,
      %swap3A_89 = vector.shape_cast %swap3A_88 : vector<1x16xf32> to vector<16xf32>
      %swap3A_90 = vector.shape_cast %broadcast_in_dim3A_85 : vector<16xf32> to vector<1x16xf32>
      tpu.vector_store %arg9[%swap3A_86, %swap3A_87], %swap3A_90 {strides = array<i32>} : memref<128x128xf32, #tpu.memory_space<vmem>>, vector<1x16xf32>,
      %broadcast_in_dim3A_91 = arith.constant 0.000000e+00 : f32
      %broadcast_in_dim3A_92 = vector.broadcast %broadcast_in_dim3A_91 : f32 to vector<16xf32>
      %swap3A_93 = arith.index_cast %scan3A_50 : i32 to index
      %swap3A_94 = arith.constant 96 : index
      %swap3A_95 = tpu.vector_load %arg9[%swap3A_93, %swap3A_94] {strides = array<i32>} : memref<128x128xf32, #tpu.memory_space<vmem>>, vector<1x16xf32>,
      %swap3A_96 = vector.shape_cast %swap3A_95 : vector<1x16xf32> to vector<16xf32>
      %swap3A_97 = vector.shape_cast %broadcast_in_dim3A_92 : vector<16xf32> to vector<1x16xf32>
      tpu.vector_store %arg9[%swap3A_93, %swap3A_94], %swap3A_97 {strides = array<i32>} : memref<128x128xf32, #tpu.memory_space<vmem>>, vector<1x16xf32>,
      %broadcast_in_dim3A_98 = arith.constant 0.000000e+00 : f32
      %broadcast_in_dim3A_99 = vector.broadcast %broadcast_in_dim3A_98 : f32 to vector<16xf32>
      %swap3A_100 = arith.index_cast %scan3A_50 : i32 to index
      %swap3A_101 = arith.constant 112 : index
      %swap3A_102 = tpu.vector_load %arg9[%swap3A_100, %swap3A_101] {strides = array<i32>} : memref<128x128xf32, #tpu.memory_space<vmem>>, vector<1x16xf32>,
      %swap3A_103 = vector.shape_cast %swap3A_102 : vector<1x16xf32> to vector<16xf32>
      %swap3A_104 = vector.shape_cast %broadcast_in_dim3A_99 : vector<16xf32> to vector<1x16xf32>
      tpu.vector_store %arg9[%swap3A_100, %swap3A_101], %swap3A_104 {strides = array<i32>} : memref<128x128xf32, #tpu.memory_space<vmem>>, vector<1x16xf32>,
    }
    %scan3A_7 = arith.constant 128 : i32
    %add3A_8 = arith.constant 0 : i32
    %add3A_9 = arith.addi %mul3A_2, %add3A_8 : i32
    "tpu.region"() ({
      %run_scoped3A = tpu.sem_alloc : memref<!tpu.dma_semaphore, #tpu.memory_space<semaphore_mem>>
      %dma_start3A = arith.constant 0 : i32
      %dma_start3A_50 = tpu.memref_slice %arg11[%add3A_9, %dma_start3A] : memref<10240x128xf32, #tpu.memory_space<vmem_shared>> -> memref<128x128xf32, #tpu.memory_space<vmem_shared>>
      %dma_start3A_51 = arith.constant 0 : i32
      %dma_start3A_52 = tpu.memref_slice %arg11[%add3A_9, %dma_start3A_51] : memref<10240x128xf32, #tpu.memory_space<vmem_shared>> -> memref<128x128xf32, #tpu.memory_space<vmem_shared>>
      tpu.enqueue_dma source(%arg9 : memref<128x128xf32, #tpu.memory_space<vmem>>) target(%dma_start3A_52 : memref<128x128xf32, #tpu.memory_space<vmem_shared>>) target_semaphore(%run_scoped3A : memref<!tpu.dma_semaphore, #tpu.memory_space<semaphore_mem>>)
      %dma_wait3A = arith.constant 0 : i32
      %dma_wait3A_53 = tpu.memref_slice %arg11[%add3A_9, %dma_wait3A] : memref<10240x128xf32, #tpu.memory_space<vmem_shared>> -> memref<128x128xf32, #tpu.memory_space<vmem_shared>>
      %dma_wait3A_54 = arith.constant 0 : i32
      %dma_wait3A_55 = tpu.memref_slice %arg11[%add3A_9, %dma_wait3A_54] : memref<10240x128xf32, #tpu.memory_space<vmem_shared>> -> memref<128x128xf32, #tpu.memory_space<vmem_shared>>
      tpu.wait_dma2 semaphore(%run_scoped3A : memref<!tpu.dma_semaphore, #tpu.memory_space<semaphore_mem>>) src(%arg9 : memref<128x128xf32, #tpu.memory_space<vmem>>) dst(%dma_wait3A_55 : memref<128x128xf32, #tpu.memory_space<vmem_shared>>)
      tpu.yield
    }) : () -> ()
    %add3A_10 = arith.constant 128 : i32
    %add3A_11 = arith.addi %mul3A_2, %add3A_10 : i32
    "tpu.region"() ({
      %run_scoped3A = tpu.sem_alloc : memref<!tpu.dma_semaphore, #tpu.memory_space<semaphore_mem>>
      %dma_start3A = arith.constant 0 : i32
      %dma_start3A_50 = tpu.memref_slice %arg11[%add3A_11, %dma_start3A] : memref<10240x128xf32, #tpu.memory_space<vmem_shared>> -> memref<128x128xf32, #tpu.memory_space<vmem_shared>>
      %dma_start3A_51 = arith.constant 0 : i32
      %dma_start3A_52 = tpu.memref_slice %arg11[%add3A_11, %dma_start3A_51] : memref<10240x128xf32, #tpu.memory_space<vmem_shared>> -> memref<128x128xf32, #tpu.memory_space<vmem_shared>>
      tpu.enqueue_dma source(%arg9 : memref<128x128xf32, #tpu.memory_space<vmem>>) target(%dma_start3A_52 : memref<128x128xf32, #tpu.memory_space<vmem_shared>>) target_semaphore(%run_scoped3A : memref<!tpu.dma_semaphore, #tpu.memory_space<semaphore_mem>>)
      %dma_wait3A = arith.constant 0 : i32
      %dma_wait3A_53 = tpu.memref_slice %arg11[%add3A_11, %dma_wait3A] : memref<10240x128xf32, #tpu.memory_space<vmem_shared>> -> memref<128x128xf32, #tpu.memory_space<vmem_shared>>
      %dma_wait3A_54 = arith.constant 0 : i32
      %dma_wait3A_55 = tpu.memref_slice %arg11[%add3A_11, %dma_wait3A_54] : memref<10240x128xf32, #tpu.memory_space<vmem_shared>> -> memref<128x128xf32, #tpu.memory_space<vmem_shared>>
      tpu.wait_dma2 semaphore(%run_scoped3A : memref<!tpu.dma_semaphore, #tpu.memory_space<semaphore_mem>>) src(%arg9 : memref<128x128xf32, #tpu.memory_space<vmem>>) dst(%dma_wait3A_55 : memref<128x128xf32, #tpu.memory_space<vmem_shared>>)
      tpu.yield
    }) : () -> ()
    %add3A_12 = arith.constant 256 : i32
    %add3A_13 = arith.addi %mul3A_2, %add3A_12 : i32
    "tpu.region"() ({
      %run_scoped3A = tpu.sem_alloc : memref<!tpu.dma_semaphore, #tpu.memory_space<semaphore_mem>>
      %dma_start3A = arith.constant 0 : i32
      %dma_start3A_50 = tpu.memref_slice %arg11[%add3A_13, %dma_start3A] : memref<10240x128xf32, #tpu.memory_space<vmem_shared>> -> memref<128x128xf32, #tpu.memory_space<vmem_shared>>
      %dma_start3A_51 = arith.constant 0 : i32
      %dma_start3A_52 = tpu.memref_slice %arg11[%add3A_13, %dma_start3A_51] : memref<10240x128xf32, #tpu.memory_space<vmem_shared>> -> memref<128x128xf32, #tpu.memory_space<vmem_shared>>
      tpu.enqueue_dma source(%arg9 : memref<128x128xf32, #tpu.memory_space<vmem>>) target(%dma_start3A_52 : memref<128x128xf32, #tpu.memory_space<vmem_shared>>) target_semaphore(%run_scoped3A : memref<!tpu.dma_semaphore, #tpu.memory_space<semaphore_mem>>)
      %dma_wait3A = arith.constant 0 : i32
      %dma_wait3A_53 = tpu.memref_slice %arg11[%add3A_13, %dma_wait3A] : memref<10240x128xf32, #tpu.memory_space<vmem_shared>> -> memref<128x128xf32, #tpu.memory_space<vmem_shared>>
      %dma_wait3A_54 = arith.constant 0 : i32
      %dma_wait3A_55 = tpu.memref_slice %arg11[%add3A_13, %dma_wait3A_54] : memref<10240x128xf32, #tpu.memory_space<vmem_shared>> -> memref<128x128xf32, #tpu.memory_space<vmem_shared>>
      tpu.wait_dma2 semaphore(%run_scoped3A : memref<!tpu.dma_semaphore, #tpu.memory_space<semaphore_mem>>) src(%arg9 : memref<128x128xf32, #tpu.memory_space<vmem>>) dst(%dma_wait3A_55 : memref<128x128xf32, #tpu.memory_space<vmem_shared>>)
      tpu.yield
    }) : () -> ()
    %add3A_14 = arith.constant 384 : i32
    %add3A_15 = arith.addi %mul3A_2, %add3A_14 : i32
    "tpu.region"() ({
      %run_scoped3A = tpu.sem_alloc : memref<!tpu.dma_semaphore, #tpu.memory_space<semaphore_mem>>
      %dma_start3A = arith.constant 0 : i32
      %dma_start3A_50 = tpu.memref_slice %arg11[%add3A_15, %dma_start3A] : memref<10240x128xf32, #tpu.memory_space<vmem_shared>> -> memref<128x128xf32, #tpu.memory_space<vmem_shared>>
      %dma_start3A_51 = arith.constant 0 : i32
      %dma_start3A_52 = tpu.memref_slice %arg11[%add3A_15, %dma_start3A_51] : memref<10240x128xf32, #tpu.memory_space<vmem_shared>> -> memref<128x128xf32, #tpu.memory_space<vmem_shared>>
      tpu.enqueue_dma source(%arg9 : memref<128x128xf32, #tpu.memory_space<vmem>>) target(%dma_start3A_52 : memref<128x128xf32, #tpu.memory_space<vmem_shared>>) target_semaphore(%run_scoped3A : memref<!tpu.dma_semaphore, #tpu.memory_space<semaphore_mem>>)
      %dma_wait3A = arith.constant 0 : i32
      %dma_wait3A_53 = tpu.memref_slice %arg11[%add3A_15, %dma_wait3A] : memref<10240x128xf32, #tpu.memory_space<vmem_shared>> -> memref<128x128xf32, #tpu.memory_space<vmem_shared>>
      %dma_wait3A_54 = arith.constant 0 : i32
      %dma_wait3A_55 = tpu.memref_slice %arg11[%add3A_15, %dma_wait3A_54] : memref<10240x128xf32, #tpu.memory_space<vmem_shared>> -> memref<128x128xf32, #tpu.memory_space<vmem_shared>>
      tpu.wait_dma2 semaphore(%run_scoped3A : memref<!tpu.dma_semaphore, #tpu.memory_space<semaphore_mem>>) src(%arg9 : memref<128x128xf32, #tpu.memory_space<vmem>>) dst(%dma_wait3A_55 : memref<128x128xf32, #tpu.memory_space<vmem_shared>>)
      tpu.yield
    }) : () -> ()
    %add3A_16 = arith.constant 512 : i32
    %add3A_17 = arith.addi %mul3A_2, %add3A_16 : i32
    "tpu.region"() ({
      %run_scoped3A = tpu.sem_alloc : memref<!tpu.dma_semaphore, #tpu.memory_space<semaphore_mem>>
      %dma_start3A = arith.constant 0 : i32
      %dma_start3A_50 = tpu.memref_slice %arg11[%add3A_17, %dma_start3A] : memref<10240x128xf32, #tpu.memory_space<vmem_shared>> -> memref<128x128xf32, #tpu.memory_space<vmem_shared>>
      %dma_start3A_51 = arith.constant 0 : i32
      %dma_start3A_52 = tpu.memref_slice %arg11[%add3A_17, %dma_start3A_51] : memref<10240x128xf32, #tpu.memory_space<vmem_shared>> -> memref<128x128xf32, #tpu.memory_space<vmem_shared>>
      tpu.enqueue_dma source(%arg9 : memref<128x128xf32, #tpu.memory_space<vmem>>) target(%dma_start3A_52 : memref<128x128xf32, #tpu.memory_space<vmem_shared>>) target_semaphore(%run_scoped3A : memref<!tpu.dma_semaphore, #tpu.memory_space<semaphore_mem>>)
      %dma_wait3A = arith.constant 0 : i32
      %dma_wait3A_53 = tpu.memref_slice %arg11[%add3A_17, %dma_wait3A] : memref<10240x128xf32, #tpu.memory_space<vmem_shared>> -> memref<128x128xf32, #tpu.memory_space<vmem_shared>>
      %dma_wait3A_54 = arith.constant 0 : i32
      %dma_wait3A_55 = tpu.memref_slice %arg11[%add3A_17, %dma_wait3A_54] : memref<10240x128xf32, #tpu.memory_space<vmem_shared>> -> memref<128x128xf32, #tpu.memory_space<vmem_shared>>
      tpu.wait_dma2 semaphore(%run_scoped3A : memref<!tpu.dma_semaphore, #tpu.memory_space<semaphore_mem>>) src(%arg9 : memref<128x128xf32, #tpu.memory_space<vmem>>) dst(%dma_wait3A_55 : memref<128x128xf32, #tpu.memory_space<vmem_shared>>)
      tpu.yield
    }) : () -> ()
    %barrier3A = arith.constant 0 : index
    tpu.barrier barrier_id(%barrier3A)
    %sub3A = arith.constant 2500 : i32
    %sub3A_18 = arith.subi %sub3A, %add3A : i32
    %add3A_19 = arith.constant 32 : i32
    %add3A_20 = arith.addi %sub3A_18, %add3A_19 : i32
    %sub3A_21 = arith.constant 1 : i32
    %sub3A_22 = arith.subi %add3A_20, %sub3A_21 : i32
    %jit3A = arith.constant 32 : i32
    %div3A = arith.divsi %sub3A_22, %jit3A : i32
    %sign3A = arith.constant 0 : i32
    %sign3A_23 = arith.cmpi sgt, %sub3A_22, %sign3A : i32
    %sign3A_24 = arith.extui %sign3A_23 : i1 to i32
    %sign3A_25 = arith.constant 0 : i32
    %sign3A_26 = arith.cmpi slt, %sub3A_22, %sign3A_25 : i32
    %sign3A_27 = arith.extui %sign3A_26 : i1 to i32
    %sign3A_28 = arith.subi %sign3A_24, %sign3A_27 : i32
    %sign3A_29 = arith.constant 0 : i32
    %sign3A_30 = arith.cmpi sgt, %jit3A, %sign3A_29 : i32
    %sign3A_31 = arith.extui %sign3A_30 : i1 to i32
    %sign3A_32 = arith.constant 0 : i32
    %sign3A_33 = arith.cmpi slt, %jit3A, %sign3A_32 : i32
    %sign3A_34 = arith.extui %sign3A_33 : i1 to i32
    %sign3A_35 = arith.subi %sign3A_31, %sign3A_34 : i32
    %ne3A = arith.cmpi ne, %sign3A_28, %sign3A_35 : i32
    %rem3A = arith.remsi %sub3A_22, %jit3A : i32
    %ne3A_36 = arith.constant 0 : i32
    %ne3A_37 = arith.cmpi ne, %rem3A, %ne3A_36 : i32
    %and3A = arith.andi %ne3A, %ne3A_37 : i1
    %sub3A_38 = arith.constant 1 : i32
    %sub3A_39 = arith.subi %div3A, %sub3A_38 : i32
    %select_n3A = arith.select %and3A, %sub3A_39, %div3A : i32
    %while3A = arith.constant 0 : i32
    %while3A_40 = arith.constant 0 : i32
    %while3A_41 = arith.subi %select_n3A, %while3A_40 : i32
    %while3A_42 = arith.addi %while3A_40, %while3A_41 : i32
    %while3A_43 = arith.constant 1 : i32
    %while3A_44 = arith.divsi %while3A_41, %while3A_43 : i32
    %while3A_45 = arith.muli %while3A_44, %while3A_43 : i32
    %while3A_46 = arith.addi %while3A_40, %while3A_45 : i32
    %while3A_47 = arith.constant 1 : i32
    scf.for %while3A_50 = %while3A_40 to %while3A_46 step %while3A_47  : i32 {
      %mul3A_51 = arith.constant 32 : i32
      %mul3A_52 = arith.muli %while3A_50, %mul3A_51 : i32
      %add3A_53 = arith.addi %add3A, %mul3A_52 : i32
      %mul3A_54 = arith.constant 128 : i32
      %mul3A_55 = arith.muli %add3A_53, %mul3A_54 : i32
      "tpu.region"() ({
        %run_scoped3A = tpu.sem_alloc : memref<!tpu.dma_semaphore, #tpu.memory_space<semaphore_mem>>
        %dma_start3A_72 = tpu.memref_slice %arg2[%mul3A_55] : memref<320000xi32, #tpu.memory_space<hbm>> -> memref<128xi32, #tpu.memory_space<hbm>>
        %dma_start3A_73 = tpu.memref_slice %arg2[%mul3A_55] : memref<320000xi32, #tpu.memory_space<hbm>> -> memref<128xi32, #tpu.memory_space<hbm>>
        tpu.enqueue_dma source(%dma_start3A_73 : memref<128xi32, #tpu.memory_space<hbm>>) target(%arg7 : memref<128xi32, #tpu.memory_space<vmem>>) target_semaphore(%run_scoped3A : memref<!tpu.dma_semaphore, #tpu.memory_space<semaphore_mem>>)
        %dma_wait3A_74 = tpu.memref_slice %arg2[%mul3A_55] : memref<320000xi32, #tpu.memory_space<hbm>> -> memref<128xi32, #tpu.memory_space<hbm>>
        %dma_wait3A_75 = tpu.memref_slice %arg2[%mul3A_55] : memref<320000xi32, #tpu.memory_space<hbm>> -> memref<128xi32, #tpu.memory_space<hbm>>
        tpu.wait_dma2 semaphore(%run_scoped3A : memref<!tpu.dma_semaphore, #tpu.memory_space<semaphore_mem>>) src(%dma_wait3A_75 : memref<128xi32, #tpu.memory_space<hbm>>) dst(%arg7 : memref<128xi32, #tpu.memory_space<vmem>>)
        tpu.yield
      }) : () -> ()
      "tpu.region"() ({
        %run_scoped3A = tpu.sem_alloc : memref<!tpu.dma_semaphore, #tpu.memory_space<semaphore_mem>>
        %dma_start3A_72 = tpu.memref_slice %arg3[%mul3A_55] : memref<320000xi32, #tpu.memory_space<hbm>> -> memref<128xi32, #tpu.memory_space<hbm>>
        %dma_start3A_73 = tpu.memref_slice %arg3[%mul3A_55] : memref<320000xi32, #tpu.memory_space<hbm>> -> memref<128xi32, #tpu.memory_space<hbm>>
        tpu.enqueue_dma source(%dma_start3A_73 : memref<128xi32, #tpu.memory_space<hbm>>) target(%arg8 : memref<128xi32, #tpu.memory_space<vmem>>) target_semaphore(%run_scoped3A : memref<!tpu.dma_semaphore, #tpu.memory_space<semaphore_mem>>)
        %dma_wait3A_74 = tpu.memref_slice %arg3[%mul3A_55] : memref<320000xi32, #tpu.memory_space<hbm>> -> memref<128xi32, #tpu.memory_space<hbm>>
        %dma_wait3A_75 = tpu.memref_slice %arg3[%mul3A_55] : memref<320000xi32, #tpu.memory_space<hbm>> -> memref<128xi32, #tpu.memory_space<hbm>>
        tpu.wait_dma2 semaphore(%run_scoped3A : memref<!tpu.dma_semaphore, #tpu.memory_space<semaphore_mem>>) src(%dma_wait3A_75 : memref<128xi32, #tpu.memory_space<hbm>>) dst(%arg8 : memref<128xi32, #tpu.memory_space<vmem>>)
        tpu.yield
      }) : () -> ()
      %dma_start3A = arith.constant 0 : i32
      %dma_start3A_56 = arith.constant 0 : i32
      %dma_start3A_57 = tpu.memref_slice %arg4[%dma_start3A, %dma_start3A_56] : memref<10000x128xf32, #tpu.memory_space<hbm>> -> memref<10000x128xf32, #tpu.memory_space<hbm>>
      tpu.enqueue_indirect_dma source(%dma_start3A_57 : memref<10000x128xf32, #tpu.memory_space<hbm>>) target(%arg9 : memref<128x128xf32, #tpu.memory_space<vmem>>) offsets(%arg7 : memref<128xi32, #tpu.memory_space<vmem>>) semaphore(%arg12 : memref<!tpu.dma_semaphore, #tpu.memory_space<semaphore_mem>>)
      %dma_wait3A = arith.constant 0 : i32
      %dma_wait3A_58 = arith.constant 0 : i32
      %dma_wait3A_59 = tpu.memref_slice %arg4[%dma_wait3A, %dma_wait3A_58] : memref<10000x128xf32, #tpu.memory_space<hbm>> -> memref<10000x128xf32, #tpu.memory_space<hbm>>
      tpu.wait_indirect_dma semaphore(%arg12 : memref<!tpu.dma_semaphore, #tpu.memory_space<semaphore_mem>>) src(%dma_wait3A_59 : memref<10000x128xf32, #tpu.memory_space<hbm>>) dst(%arg9 : memref<128x128xf32, #tpu.memory_space<vmem>>)
      "tpu.region"() ({
        %run_scoped3A = tpu.sem_alloc : memref<!tpu.dma_semaphore, #tpu.memory_space<semaphore_mem>>
        %dma_start3A_72 = arith.constant 0 : i32
        %dma_start3A_73 = arith.constant 0 : i32
        %dma_start3A_74 = tpu.memref_slice %arg11[%dma_start3A_72, %dma_start3A_73] : memref<10240x128xf32, #tpu.memory_space<vmem_shared>> -> memref<10240x128xf32, #tpu.memory_space<vmem_shared>>
        tpu.enqueue_indirect_dma source(%arg9 : memref<128x128xf32, #tpu.memory_space<vmem>>) target(%dma_start3A_74 : memref<10240x128xf32, #tpu.memory_space<vmem_shared>>) offsets(%arg8 : memref<128xi32, #tpu.memory_space<vmem>>) semaphore(%run_scoped3A : memref<!tpu.dma_semaphore, #tpu.memory_space<semaphore_mem>>) {add = true}
        %dma_wait3A_75 = arith.constant 0 : i32
        %dma_wait3A_76 = arith.constant 0 : i32
        %dma_wait3A_77 = tpu.memref_slice %arg11[%dma_wait3A_75, %dma_wait3A_76] : memref<10240x128xf32, #tpu.memory_space<vmem_shared>> -> memref<10240x128xf32, #tpu.memory_space<vmem_shared>>
        tpu.wait_indirect_dma semaphore(%run_scoped3A : memref<!tpu.dma_semaphore, #tpu.memory_space<semaphore_mem>>) src(%arg9 : memref<128x128xf32, #tpu.memory_space<vmem>>) dst(%dma_wait3A_77 : memref<10240x128xf32, #tpu.memory_space<vmem_shared>>)
        tpu.yield
      }) : () -> ()
      %dma_start3A_60 = arith.constant 0 : i32
      %dma_start3A_61 = arith.constant 0 : i32
      %dma_start3A_62 = tpu.memref_slice %arg4[%dma_start3A_60, %dma_start3A_61] : memref<10000x128xf32, #tpu.memory_space<hbm>> -> memref<10000x128xf32, #tpu.memory_space<hbm>>
      tpu.enqueue_indirect_dma source(%dma_start3A_62 : memref<10000x128xf32, #tpu.memory_space<hbm>>) target(%arg10 : memref<128x128xf32, #tpu.memory_space<vmem>>) offsets(%arg8 : memref<128xi32, #tpu.memory_space<vmem>>) semaphore(%arg12 : memref<!tpu.dma_semaphore, #tpu.memory_space<semaphore_mem>>)
      %dma_wait3A_63 = arith.constant 0 : i32
      %dma_wait3A_64 = arith.constant 0 : i32
      %dma_wait3A_65 = tpu.memref_slice %arg4[%dma_wait3A_63, %dma_wait3A_64] : memref<10000x128xf32, #tpu.memory_space<hbm>> -> memref<10000x128xf32, #tpu.memory_space<hbm>>
      tpu.wait_indirect_dma semaphore(%arg12 : memref<!tpu.dma_semaphore, #tpu.memory_space<semaphore_mem>>) src(%dma_wait3A_65 : memref<10000x128xf32, #tpu.memory_space<hbm>>) dst(%arg10 : memref<128x128xf32, #tpu.memory_space<vmem>>)
      %scan3A_66 = arith.constant 0 : i32
      %scan3A_67 = arith.constant 0 : i32
      %scan3A_68 = arith.constant 128 : i32
      %scan3A_69 = arith.addi %scan3A_67, %scan3A_68 : i32
      %scan3A_70 = arith.constant 1 : i32
      scf.for %scan3A_72 = %scan3A_67 to %scan3A_69 step %scan3A_70  : i32 {
        %get3A = arith.index_cast %scan3A_72 : i32 to index
        %get3A_73 = arith.constant 0 : index
        %get3A_74 = tpu.vector_load %arg10[%get3A, %get3A_73] {strides = array<i32>} : memref<128x128xf32, #tpu.memory_space<vmem>>, vector<1x16xf32>,
        %get3A_75 = vector.shape_cast %get3A_74 : vector<1x16xf32> to vector<16xf32>
        %get3A_76 = arith.index_cast %scan3A_72 : i32 to index
        %get3A_77 = arith.constant 0 : index
        %get3A_78 = tpu.vector_load %arg9[%get3A_76, %get3A_77] {strides = array<i32>} : memref<128x128xf32, #tpu.memory_space<vmem>>, vector<1x16xf32>,
        %get3A_79 = vector.shape_cast %get3A_78 : vector<1x16xf32> to vector<16xf32>
        %add3A_80 = arith.addf %get3A_75, %get3A_79 : vector<16xf32>
        %swap3A = arith.index_cast %scan3A_72 : i32 to index
        %swap3A_81 = arith.constant 0 : index
        %swap3A_82 = tpu.vector_load %arg10[%swap3A, %swap3A_81] {strides = array<i32>} : memref<128x128xf32, #tpu.memory_space<vmem>>, vector<1x16xf32>,
        %swap3A_83 = vector.shape_cast %swap3A_82 : vector<1x16xf32> to vector<16xf32>
        %swap3A_84 = vector.shape_cast %add3A_80 : vector<16xf32> to vector<1x16xf32>
        tpu.vector_store %arg10[%swap3A, %swap3A_81], %swap3A_84 {strides = array<i32>} : memref<128x128xf32, #tpu.memory_space<vmem>>, vector<1x16xf32>,
        %get3A_85 = arith.index_cast %scan3A_72 : i32 to index
        %get3A_86 = arith.constant 16 : index
        %get3A_87 = tpu.vector_load %arg10[%get3A_85, %get3A_86] {strides = array<i32>} : memref<128x128xf32, #tpu.memory_space<vmem>>, vector<1x16xf32>,
        %get3A_88 = vector.shape_cast %get3A_87 : vector<1x16xf32> to vector<16xf32>
        %get3A_89 = arith.index_cast %scan3A_72 : i32 to index
        %get3A_90 = arith.constant 16 : index
        %get3A_91 = tpu.vector_load %arg9[%get3A_89, %get3A_90] {strides = array<i32>} : memref<128x128xf32, #tpu.memory_space<vmem>>, vector<1x16xf32>,
        %get3A_92 = vector.shape_cast %get3A_91 : vector<1x16xf32> to vector<16xf32>
        %add3A_93 = arith.addf %get3A_88, %get3A_92 : vector<16xf32>
        %swap3A_94 = arith.index_cast %scan3A_72 : i32 to index
        %swap3A_95 = arith.constant 16 : index
        %swap3A_96 = tpu.vector_load %arg10[%swap3A_94, %swap3A_95] {strides = array<i32>} : memref<128x128xf32, #tpu.memory_space<vmem>>, vector<1x16xf32>,
        %swap3A_97 = vector.shape_cast %swap3A_96 : vector<1x16xf32> to vector<16xf32>
        %swap3A_98 = vector.shape_cast %add3A_93 : vector<16xf32> to vector<1x16xf32>
        tpu.vector_store %arg10[%swap3A_94, %swap3A_95], %swap3A_98 {strides = array<i32>} : memref<128x128xf32, #tpu.memory_space<vmem>>, vector<1x16xf32>,
        %get3A_99 = arith.index_cast %scan3A_72 : i32 to index
        %get3A_100 = arith.constant 32 : index
        %get3A_101 = tpu.vector_load %arg10[%get3A_99, %get3A_100] {strides = array<i32>} : memref<128x128xf32, #tpu.memory_space<vmem>>, vector<1x16xf32>,
        %get3A_102 = vector.shape_cast %get3A_101 : vector<1x16xf32> to vector<16xf32>
        %get3A_103 = arith.index_cast %scan3A_72 : i32 to index
        %get3A_104 = arith.constant 32 : index
        %get3A_105 = tpu.vector_load %arg9[%get3A_103, %get3A_104] {strides = array<i32>} : memref<128x128xf32, #tpu.memory_space<vmem>>, vector<1x16xf32>,
        %get3A_106 = vector.shape_cast %get3A_105 : vector<1x16xf32> to vector<16xf32>
        %add3A_107 = arith.addf %get3A_102, %get3A_106 : vector<16xf32>
        %swap3A_108 = arith.index_cast %scan3A_72 : i32 to index
        %swap3A_109 = arith.constant 32 : index
        %swap3A_110 = tpu.vector_load %arg10[%swap3A_108, %swap3A_109] {strides = array<i32>} : memref<128x128xf32, #tpu.memory_space<vmem>>, vector<1x16xf32>,
        %swap3A_111 = vector.shape_cast %swap3A_110 : vector<1x16xf32> to vector<16xf32>
        %swap3A_112 = vector.shape_cast %add3A_107 : vector<16xf32> to vector<1x16xf32>
        tpu.vector_store %arg10[%swap3A_108, %swap3A_109], %swap3A_112 {strides = array<i32>} : memref<128x128xf32, #tpu.memory_space<vmem>>, vector<1x16xf32>,
        %get3A_113 = arith.index_cast %scan3A_72 : i32 to index
        %get3A_114 = arith.constant 48 : index
        %get3A_115 = tpu.vector_load %arg10[%get3A_113, %get3A_114] {strides = array<i32>} : memref<128x128xf32, #tpu.memory_space<vmem>>, vector<1x16xf32>,
        %get3A_116 = vector.shape_cast %get3A_115 : vector<1x16xf32> to vector<16xf32>
        %get3A_117 = arith.index_cast %scan3A_72 : i32 to index
        %get3A_118 = arith.constant 48 : index
        %get3A_119 = tpu.vector_load %arg9[%get3A_117, %get3A_118] {strides = array<i32>} : memref<128x128xf32, #tpu.memory_space<vmem>>, vector<1x16xf32>,
        %get3A_120 = vector.shape_cast %get3A_119 : vector<1x16xf32> to vector<16xf32>
        %add3A_121 = arith.addf %get3A_116, %get3A_120 : vector<16xf32>
        %swap3A_122 = arith.index_cast %scan3A_72 : i32 to index
        %swap3A_123 = arith.constant 48 : index
        %swap3A_124 = tpu.vector_load %arg10[%swap3A_122, %swap3A_123] {strides = array<i32>} : memref<128x128xf32, #tpu.memory_space<vmem>>, vector<1x16xf32>,
        %swap3A_125 = vector.shape_cast %swap3A_124 : vector<1x16xf32> to vector<16xf32>
        %swap3A_126 = vector.shape_cast %add3A_121 : vector<16xf32> to vector<1x16xf32>
        tpu.vector_store %arg10[%swap3A_122, %swap3A_123], %swap3A_126 {strides = array<i32>} : memref<128x128xf32, #tpu.memory_space<vmem>>, vector<1x16xf32>,
        %get3A_127 = arith.index_cast %scan3A_72 : i32 to index
        %get3A_128 = arith.constant 64 : index
        %get3A_129 = tpu.vector_load %arg10[%get3A_127, %get3A_128] {strides = array<i32>} : memref<128x128xf32, #tpu.memory_space<vmem>>, vector<1x16xf32>,
        %get3A_130 = vector.shape_cast %get3A_129 : vector<1x16xf32> to vector<16xf32>
        %get3A_131 = arith.index_cast %scan3A_72 : i32 to index
        %get3A_132 = arith.constant 64 : index
        %get3A_133 = tpu.vector_load %arg9[%get3A_131, %get3A_132] {strides = array<i32>} : memref<128x128xf32, #tpu.memory_space<vmem>>, vector<1x16xf32>,
        %get3A_134 = vector.shape_cast %get3A_133 : vector<1x16xf32> to vector<16xf32>
        %add3A_135 = arith.addf %get3A_130, %get3A_134 : vector<16xf32>
        %swap3A_136 = arith.index_cast %scan3A_72 : i32 to index
        %swap3A_137 = arith.constant 64 : index
        %swap3A_138 = tpu.vector_load %arg10[%swap3A_136, %swap3A_137] {strides = array<i32>} : memref<128x128xf32, #tpu.memory_space<vmem>>, vector<1x16xf32>,
        %swap3A_139 = vector.shape_cast %swap3A_138 : vector<1x16xf32> to vector<16xf32>
        %swap3A_140 = vector.shape_cast %add3A_135 : vector<16xf32> to vector<1x16xf32>
        tpu.vector_store %arg10[%swap3A_136, %swap3A_137], %swap3A_140 {strides = array<i32>} : memref<128x128xf32, #tpu.memory_space<vmem>>, vector<1x16xf32>,
        %get3A_141 = arith.index_cast %scan3A_72 : i32 to index
        %get3A_142 = arith.constant 80 : index
        %get3A_143 = tpu.vector_load %arg10[%get3A_141, %get3A_142] {strides = array<i32>} : memref<128x128xf32, #tpu.memory_space<vmem>>, vector<1x16xf32>,
        %get3A_144 = vector.shape_cast %get3A_143 : vector<1x16xf32> to vector<16xf32>
        %get3A_145 = arith.index_cast %scan3A_72 : i32 to index
        %get3A_146 = arith.constant 80 : index
        %get3A_147 = tpu.vector_load %arg9[%get3A_145, %get3A_146] {strides = array<i32>} : memref<128x128xf32, #tpu.memory_space<vmem>>, vector<1x16xf32>,
        %get3A_148 = vector.shape_cast %get3A_147 : vector<1x16xf32> to vector<16xf32>
        %add3A_149 = arith.addf %get3A_144, %get3A_148 : vector<16xf32>
        %swap3A_150 = arith.index_cast %scan3A_72 : i32 to index
        %swap3A_151 = arith.constant 80 : index
        %swap3A_152 = tpu.vector_load %arg10[%swap3A_150, %swap3A_151] {strides = array<i32>} : memref<128x128xf32, #tpu.memory_space<vmem>>, vector<1x16xf32>,
        %swap3A_153 = vector.shape_cast %swap3A_152 : vector<1x16xf32> to vector<16xf32>
        %swap3A_154 = vector.shape_cast %add3A_149 : vector<16xf32> to vector<1x16xf32>
        tpu.vector_store %arg10[%swap3A_150, %swap3A_151], %swap3A_154 {strides = array<i32>} : memref<128x128xf32, #tpu.memory_space<vmem>>, vector<1x16xf32>,
        %get3A_155 = arith.index_cast %scan3A_72 : i32 to index
        %get3A_156 = arith.constant 96 : index
        %get3A_157 = tpu.vector_load %arg10[%get3A_155, %get3A_156] {strides = array<i32>} : memref<128x128xf32, #tpu.memory_space<vmem>>, vector<1x16xf32>,
        %get3A_158 = vector.shape_cast %get3A_157 : vector<1x16xf32> to vector<16xf32>
        %get3A_159 = arith.index_cast %scan3A_72 : i32 to index
        %get3A_160 = arith.constant 96 : index
        %get3A_161 = tpu.vector_load %arg9[%get3A_159, %get3A_160] {strides = array<i32>} : memref<128x128xf32, #tpu.memory_space<vmem>>, vector<1x16xf32>,
        %get3A_162 = vector.shape_cast %get3A_161 : vector<1x16xf32> to vector<16xf32>
        %add3A_163 = arith.addf %get3A_158, %get3A_162 : vector<16xf32>
        %swap3A_164 = arith.index_cast %scan3A_72 : i32 to index
        %swap3A_165 = arith.constant 96 : index
        %swap3A_166 = tpu.vector_load %arg10[%swap3A_164, %swap3A_165] {strides = array<i32>} : memref<128x128xf32, #tpu.memory_space<vmem>>, vector<1x16xf32>,
        %swap3A_167 = vector.shape_cast %swap3A_166 : vector<1x16xf32> to vector<16xf32>
        %swap3A_168 = vector.shape_cast %add3A_163 : vector<16xf32> to vector<1x16xf32>
        tpu.vector_store %arg10[%swap3A_164, %swap3A_165], %swap3A_168 {strides = array<i32>} : memref<128x128xf32, #tpu.memory_space<vmem>>, vector<1x16xf32>,
        %get3A_169 = arith.index_cast %scan3A_72 : i32 to index
        %get3A_170 = arith.constant 112 : index
        %get3A_171 = tpu.vector_load %arg10[%get3A_169, %get3A_170] {strides = array<i32>} : memref<128x128xf32, #tpu.memory_space<vmem>>, vector<1x16xf32>,
        %get3A_172 = vector.shape_cast %get3A_171 : vector<1x16xf32> to vector<16xf32>
        %get3A_173 = arith.index_cast %scan3A_72 : i32 to index
        %get3A_174 = arith.constant 112 : index
        %get3A_175 = tpu.vector_load %arg9[%get3A_173, %get3A_174] {strides = array<i32>} : memref<128x128xf32, #tpu.memory_space<vmem>>, vector<1x16xf32>,
        %get3A_176 = vector.shape_cast %get3A_175 : vector<1x16xf32> to vector<16xf32>
        %add3A_177 = arith.addf %get3A_172, %get3A_176 : vector<16xf32>
        %swap3A_178 = arith.index_cast %scan3A_72 : i32 to index
        %swap3A_179 = arith.constant 112 : index
        %swap3A_180 = tpu.vector_load %arg10[%swap3A_178, %swap3A_179] {strides = array<i32>} : memref<128x128xf32, #tpu.memory_space<vmem>>, vector<1x16xf32>,
        %swap3A_181 = vector.shape_cast %swap3A_180 : vector<1x16xf32> to vector<16xf32>
        %swap3A_182 = vector.shape_cast %add3A_177 : vector<16xf32> to vector<1x16xf32>
        tpu.vector_store %arg10[%swap3A_178, %swap3A_179], %swap3A_182 {strides = array<i32>} : memref<128x128xf32, #tpu.memory_space<vmem>>, vector<1x16xf32>,
      }
      %scan3A_71 = arith.constant 128 : i32
      "tpu.region"() ({
        %run_scoped3A = tpu.sem_alloc : memref<!tpu.dma_semaphore, #tpu.memory_space<semaphore_mem>>
        %dma_start3A_72 = arith.constant 0 : i32
        %dma_start3A_73 = tpu.memref_slice %arg5[%mul3A_55, %dma_start3A_72] : memref<320000x128xf32, #tpu.memory_space<hbm>> -> memref<128x128xf32, #tpu.memory_space<hbm>>
        %dma_start3A_74 = arith.constant 0 : i32
        %dma_start3A_75 = tpu.memref_slice %arg5[%mul3A_55, %dma_start3A_74] : memref<320000x128xf32, #tpu.memory_space<hbm>> -> memref<128x128xf32, #tpu.memory_space<hbm>>
        tpu.enqueue_dma source(%arg10 : memref<128x128xf32, #tpu.memory_space<vmem>>) target(%dma_start3A_75 : memref<128x128xf32, #tpu.memory_space<hbm>>) target_semaphore(%run_scoped3A : memref<!tpu.dma_semaphore, #tpu.memory_space<semaphore_mem>>)
        %dma_wait3A_76 = arith.constant 0 : i32
        %dma_wait3A_77 = tpu.memref_slice %arg5[%mul3A_55, %dma_wait3A_76] : memref<320000x128xf32, #tpu.memory_space<hbm>> -> memref<128x128xf32, #tpu.memory_space<hbm>>
        %dma_wait3A_78 = arith.constant 0 : i32
        %dma_wait3A_79 = tpu.memref_slice %arg5[%mul3A_55, %dma_wait3A_78] : memref<320000x128xf32, #tpu.memory_space<hbm>> -> memref<128x128xf32, #tpu.memory_space<hbm>>
        tpu.wait_dma2 semaphore(%run_scoped3A : memref<!tpu.dma_semaphore, #tpu.memory_space<semaphore_mem>>) src(%arg10 : memref<128x128xf32, #tpu.memory_space<vmem>>) dst(%dma_wait3A_79 : memref<128x128xf32, #tpu.memory_space<hbm>>)
        tpu.yield
      }) : () -> ()
    }
    %while3A_48 = arith.constant 1 : i32
    scf.for %while3A_50 = %while3A_46 to %while3A_42 step %while3A_48  : i32 {
      %mul3A_51 = arith.constant 32 : i32
      %mul3A_52 = arith.muli %while3A_50, %mul3A_51 : i32
      %add3A_53 = arith.addi %add3A, %mul3A_52 : i32
      %mul3A_54 = arith.constant 128 : i32
      %mul3A_55 = arith.muli %add3A_53, %mul3A_54 : i32
      "tpu.region"() ({
        %run_scoped3A = tpu.sem_alloc : memref<!tpu.dma_semaphore, #tpu.memory_space<semaphore_mem>>
        %dma_start3A_72 = tpu.memref_slice %arg2[%mul3A_55] : memref<320000xi32, #tpu.memory_space<hbm>> -> memref<128xi32, #tpu.memory_space<hbm>>
        %dma_start3A_73 = tpu.memref_slice %arg2[%mul3A_55] : memref<320000xi32, #tpu.memory_space<hbm>> -> memref<128xi32, #tpu.memory_space<hbm>>
        tpu.enqueue_dma source(%dma_start3A_73 : memref<128xi32, #tpu.memory_space<hbm>>) target(%arg7 : memref<128xi32, #tpu.memory_space<vmem>>) target_semaphore(%run_scoped3A : memref<!tpu.dma_semaphore, #tpu.memory_space<semaphore_mem>>)
        %dma_wait3A_74 = tpu.memref_slice %arg2[%mul3A_55] : memref<320000xi32, #tpu.memory_space<hbm>> -> memref<128xi32, #tpu.memory_space<hbm>>
        %dma_wait3A_75 = tpu.memref_slice %arg2[%mul3A_55] : memref<320000xi32, #tpu.memory_space<hbm>> -> memref<128xi32, #tpu.memory_space<hbm>>
        tpu.wait_dma2 semaphore(%run_scoped3A : memref<!tpu.dma_semaphore, #tpu.memory_space<semaphore_mem>>) src(%dma_wait3A_75 : memref<128xi32, #tpu.memory_space<hbm>>) dst(%arg7 : memref<128xi32, #tpu.memory_space<vmem>>)
        tpu.yield
      }) : () -> ()
      "tpu.region"() ({
        %run_scoped3A = tpu.sem_alloc : memref<!tpu.dma_semaphore, #tpu.memory_space<semaphore_mem>>
        %dma_start3A_72 = tpu.memref_slice %arg3[%mul3A_55] : memref<320000xi32, #tpu.memory_space<hbm>> -> memref<128xi32, #tpu.memory_space<hbm>>
        %dma_start3A_73 = tpu.memref_slice %arg3[%mul3A_55] : memref<320000xi32, #tpu.memory_space<hbm>> -> memref<128xi32, #tpu.memory_space<hbm>>
        tpu.enqueue_dma source(%dma_start3A_73 : memref<128xi32, #tpu.memory_space<hbm>>) target(%arg8 : memref<128xi32, #tpu.memory_space<vmem>>) target_semaphore(%run_scoped3A : memref<!tpu.dma_semaphore, #tpu.memory_space<semaphore_mem>>)
        %dma_wait3A_74 = tpu.memref_slice %arg3[%mul3A_55] : memref<320000xi32, #tpu.memory_space<hbm>> -> memref<128xi32, #tpu.memory_space<hbm>>
        %dma_wait3A_75 = tpu.memref_slice %arg3[%mul3A_55] : memref<320000xi32, #tpu.memory_space<hbm>> -> memref<128xi32, #tpu.memory_space<hbm>>
        tpu.wait_dma2 semaphore(%run_scoped3A : memref<!tpu.dma_semaphore, #tpu.memory_space<semaphore_mem>>) src(%dma_wait3A_75 : memref<128xi32, #tpu.memory_space<hbm>>) dst(%arg8 : memref<128xi32, #tpu.memory_space<vmem>>)
        tpu.yield
      }) : () -> ()
      %dma_start3A = arith.constant 0 : i32
      %dma_start3A_56 = arith.constant 0 : i32
      %dma_start3A_57 = tpu.memref_slice %arg4[%dma_start3A, %dma_start3A_56] : memref<10000x128xf32, #tpu.memory_space<hbm>> -> memref<10000x128xf32, #tpu.memory_space<hbm>>
      tpu.enqueue_indirect_dma source(%dma_start3A_57 : memref<10000x128xf32, #tpu.memory_space<hbm>>) target(%arg9 : memref<128x128xf32, #tpu.memory_space<vmem>>) offsets(%arg7 : memref<128xi32, #tpu.memory_space<vmem>>) semaphore(%arg12 : memref<!tpu.dma_semaphore, #tpu.memory_space<semaphore_mem>>)
      %dma_wait3A = arith.constant 0 : i32
      %dma_wait3A_58 = arith.constant 0 : i32
      %dma_wait3A_59 = tpu.memref_slice %arg4[%dma_wait3A, %dma_wait3A_58] : memref<10000x128xf32, #tpu.memory_space<hbm>> -> memref<10000x128xf32, #tpu.memory_space<hbm>>
      tpu.wait_indirect_dma semaphore(%arg12 : memref<!tpu.dma_semaphore, #tpu.memory_space<semaphore_mem>>) src(%dma_wait3A_59 : memref<10000x128xf32, #tpu.memory_space<hbm>>) dst(%arg9 : memref<128x128xf32, #tpu.memory_space<vmem>>)
      "tpu.region"() ({
        %run_scoped3A = tpu.sem_alloc : memref<!tpu.dma_semaphore, #tpu.memory_space<semaphore_mem>>
        %dma_start3A_72 = arith.constant 0 : i32
        %dma_start3A_73 = arith.constant 0 : i32
        %dma_start3A_74 = tpu.memref_slice %arg11[%dma_start3A_72, %dma_start3A_73] : memref<10240x128xf32, #tpu.memory_space<vmem_shared>> -> memref<10240x128xf32, #tpu.memory_space<vmem_shared>>
        tpu.enqueue_indirect_dma source(%arg9 : memref<128x128xf32, #tpu.memory_space<vmem>>) target(%dma_start3A_74 : memref<10240x128xf32, #tpu.memory_space<vmem_shared>>) offsets(%arg8 : memref<128xi32, #tpu.memory_space<vmem>>) semaphore(%run_scoped3A : memref<!tpu.dma_semaphore, #tpu.memory_space<semaphore_mem>>) {add = true}
        %dma_wait3A_75 = arith.constant 0 : i32
        %dma_wait3A_76 = arith.constant 0 : i32
        %dma_wait3A_77 = tpu.memref_slice %arg11[%dma_wait3A_75, %dma_wait3A_76] : memref<10240x128xf32, #tpu.memory_space<vmem_shared>> -> memref<10240x128xf32, #tpu.memory_space<vmem_shared>>
        tpu.wait_indirect_dma semaphore(%run_scoped3A : memref<!tpu.dma_semaphore, #tpu.memory_space<semaphore_mem>>) src(%arg9 : memref<128x128xf32, #tpu.memory_space<vmem>>) dst(%dma_wait3A_77 : memref<10240x128xf32, #tpu.memory_space<vmem_shared>>)
        tpu.yield
      }) : () -> ()
      %dma_start3A_60 = arith.constant 0 : i32
      %dma_start3A_61 = arith.constant 0 : i32
      %dma_start3A_62 = tpu.memref_slice %arg4[%dma_start3A_60, %dma_start3A_61] : memref<10000x128xf32, #tpu.memory_space<hbm>> -> memref<10000x128xf32, #tpu.memory_space<hbm>>
      tpu.enqueue_indirect_dma source(%dma_start3A_62 : memref<10000x128xf32, #tpu.memory_space<hbm>>) target(%arg10 : memref<128x128xf32, #tpu.memory_space<vmem>>) offsets(%arg8 : memref<128xi32, #tpu.memory_space<vmem>>) semaphore(%arg12 : memref<!tpu.dma_semaphore, #tpu.memory_space<semaphore_mem>>)
      %dma_wait3A_63 = arith.constant 0 : i32
      %dma_wait3A_64 = arith.constant 0 : i32
      %dma_wait3A_65 = tpu.memref_slice %arg4[%dma_wait3A_63, %dma_wait3A_64] : memref<10000x128xf32, #tpu.memory_space<hbm>> -> memref<10000x128xf32, #tpu.memory_space<hbm>>
      tpu.wait_indirect_dma semaphore(%arg12 : memref<!tpu.dma_semaphore, #tpu.memory_space<semaphore_mem>>) src(%dma_wait3A_65 : memref<10000x128xf32, #tpu.memory_space<hbm>>) dst(%arg10 : memref<128x128xf32, #tpu.memory_space<vmem>>)
      %scan3A_66 = arith.constant 0 : i32
      %scan3A_67 = arith.constant 0 : i32
      %scan3A_68 = arith.constant 128 : i32
      %scan3A_69 = arith.addi %scan3A_67, %scan3A_68 : i32
      %scan3A_70 = arith.constant 1 : i32
      scf.for %scan3A_72 = %scan3A_67 to %scan3A_69 step %scan3A_70  : i32 {
        %get3A = arith.index_cast %scan3A_72 : i32 to index
        %get3A_73 = arith.constant 0 : index
        %get3A_74 = tpu.vector_load %arg10[%get3A, %get3A_73] {strides = array<i32>} : memref<128x128xf32, #tpu.memory_space<vmem>>, vector<1x16xf32>,
        %get3A_75 = vector.shape_cast %get3A_74 : vector<1x16xf32> to vector<16xf32>
        %get3A_76 = arith.index_cast %scan3A_72 : i32 to index
        %get3A_77 = arith.constant 0 : index
        %get3A_78 = tpu.vector_load %arg9[%get3A_76, %get3A_77] {strides = array<i32>} : memref<128x128xf32, #tpu.memory_space<vmem>>, vector<1x16xf32>,
        %get3A_79 = vector.shape_cast %get3A_78 : vector<1x16xf32> to vector<16xf32>
        %add3A_80 = arith.addf %get3A_75, %get3A_79 : vector<16xf32>
        %swap3A = arith.index_cast %scan3A_72 : i32 to index
        %swap3A_81 = arith.constant 0 : index
        %swap3A_82 = tpu.vector_load %arg10[%swap3A, %swap3A_81] {strides = array<i32>} : memref<128x128xf32, #tpu.memory_space<vmem>>, vector<1x16xf32>,
        %swap3A_83 = vector.shape_cast %swap3A_82 : vector<1x16xf32> to vector<16xf32>
        %swap3A_84 = vector.shape_cast %add3A_80 : vector<16xf32> to vector<1x16xf32>
        tpu.vector_store %arg10[%swap3A, %swap3A_81], %swap3A_84 {strides = array<i32>} : memref<128x128xf32, #tpu.memory_space<vmem>>, vector<1x16xf32>,
        %get3A_85 = arith.index_cast %scan3A_72 : i32 to index
        %get3A_86 = arith.constant 16 : index
        %get3A_87 = tpu.vector_load %arg10[%get3A_85, %get3A_86] {strides = array<i32>} : memref<128x128xf32, #tpu.memory_space<vmem>>, vector<1x16xf32>,
        %get3A_88 = vector.shape_cast %get3A_87 : vector<1x16xf32> to vector<16xf32>
        %get3A_89 = arith.index_cast %scan3A_72 : i32 to index
        %get3A_90 = arith.constant 16 : index
        %get3A_91 = tpu.vector_load %arg9[%get3A_89, %get3A_90] {strides = array<i32>} : memref<128x128xf32, #tpu.memory_space<vmem>>, vector<1x16xf32>,
        %get3A_92 = vector.shape_cast %get3A_91 : vector<1x16xf32> to vector<16xf32>
        %add3A_93 = arith.addf %get3A_88, %get3A_92 : vector<16xf32>
        %swap3A_94 = arith.index_cast %scan3A_72 : i32 to index
        %swap3A_95 = arith.constant 16 : index
        %swap3A_96 = tpu.vector_load %arg10[%swap3A_94, %swap3A_95] {strides = array<i32>} : memref<128x128xf32, #tpu.memory_space<vmem>>, vector<1x16xf32>,
        %swap3A_97 = vector.shape_cast %swap3A_96 : vector<1x16xf32> to vector<16xf32>
        %swap3A_98 = vector.shape_cast %add3A_93 : vector<16xf32> to vector<1x16xf32>
        tpu.vector_store %arg10[%swap3A_94, %swap3A_95], %swap3A_98 {strides = array<i32>} : memref<128x128xf32, #tpu.memory_space<vmem>>, vector<1x16xf32>,
        %get3A_99 = arith.index_cast %scan3A_72 : i32 to index
        %get3A_100 = arith.constant 32 : index
        %get3A_101 = tpu.vector_load %arg10[%get3A_99, %get3A_100] {strides = array<i32>} : memref<128x128xf32, #tpu.memory_space<vmem>>, vector<1x16xf32>,
        %get3A_102 = vector.shape_cast %get3A_101 : vector<1x16xf32> to vector<16xf32>
        %get3A_103 = arith.index_cast %scan3A_72 : i32 to index
        %get3A_104 = arith.constant 32 : index
        %get3A_105 = tpu.vector_load %arg9[%get3A_103, %get3A_104] {strides = array<i32>} : memref<128x128xf32, #tpu.memory_space<vmem>>, vector<1x16xf32>,
        %get3A_106 = vector.shape_cast %get3A_105 : vector<1x16xf32> to vector<16xf32>
        %add3A_107 = arith.addf %get3A_102, %get3A_106 : vector<16xf32>
        %swap3A_108 = arith.index_cast %scan3A_72 : i32 to index
        %swap3A_109 = arith.constant 32 : index
        %swap3A_110 = tpu.vector_load %arg10[%swap3A_108, %swap3A_109] {strides = array<i32>} : memref<128x128xf32, #tpu.memory_space<vmem>>, vector<1x16xf32>,
        %swap3A_111 = vector.shape_cast %swap3A_110 : vector<1x16xf32> to vector<16xf32>
        %swap3A_112 = vector.shape_cast %add3A_107 : vector<16xf32> to vector<1x16xf32>
        tpu.vector_store %arg10[%swap3A_108, %swap3A_109], %swap3A_112 {strides = array<i32>} : memref<128x128xf32, #tpu.memory_space<vmem>>, vector<1x16xf32>,
        %get3A_113 = arith.index_cast %scan3A_72 : i32 to index
        %get3A_114 = arith.constant 48 : index
        %get3A_115 = tpu.vector_load %arg10[%get3A_113, %get3A_114] {strides = array<i32>} : memref<128x128xf32, #tpu.memory_space<vmem>>, vector<1x16xf32>,
        %get3A_116 = vector.shape_cast %get3A_115 : vector<1x16xf32> to vector<16xf32>
        %get3A_117 = arith.index_cast %scan3A_72 : i32 to index
        %get3A_118 = arith.constant 48 : index
        %get3A_119 = tpu.vector_load %arg9[%get3A_117, %get3A_118] {strides = array<i32>} : memref<128x128xf32, #tpu.memory_space<vmem>>, vector<1x16xf32>,
        %get3A_120 = vector.shape_cast %get3A_119 : vector<1x16xf32> to vector<16xf32>
        %add3A_121 = arith.addf %get3A_116, %get3A_120 : vector<16xf32>
        %swap3A_122 = arith.index_cast %scan3A_72 : i32 to index
        %swap3A_123 = arith.constant 48 : index
        %swap3A_124 = tpu.vector_load %arg10[%swap3A_122, %swap3A_123] {strides = array<i32>} : memref<128x128xf32, #tpu.memory_space<vmem>>, vector<1x16xf32>,
        %swap3A_125 = vector.shape_cast %swap3A_124 : vector<1x16xf32> to vector<16xf32>
        %swap3A_126 = vector.shape_cast %add3A_121 : vector<16xf32> to vector<1x16xf32>
        tpu.vector_store %arg10[%swap3A_122, %swap3A_123], %swap3A_126 {strides = array<i32>} : memref<128x128xf32, #tpu.memory_space<vmem>>, vector<1x16xf32>,
        %get3A_127 = arith.index_cast %scan3A_72 : i32 to index
        %get3A_128 = arith.constant 64 : index
        %get3A_129 = tpu.vector_load %arg10[%get3A_127, %get3A_128] {strides = array<i32>} : memref<128x128xf32, #tpu.memory_space<vmem>>, vector<1x16xf32>,
        %get3A_130 = vector.shape_cast %get3A_129 : vector<1x16xf32> to vector<16xf32>
        %get3A_131 = arith.index_cast %scan3A_72 : i32 to index
        %get3A_132 = arith.constant 64 : index
        %get3A_133 = tpu.vector_load %arg9[%get3A_131, %get3A_132] {strides = array<i32>} : memref<128x128xf32, #tpu.memory_space<vmem>>, vector<1x16xf32>,
        %get3A_134 = vector.shape_cast %get3A_133 : vector<1x16xf32> to vector<16xf32>
        %add3A_135 = arith.addf %get3A_130, %get3A_134 : vector<16xf32>
        %swap3A_136 = arith.index_cast %scan3A_72 : i32 to index
        %swap3A_137 = arith.constant 64 : index
        %swap3A_138 = tpu.vector_load %arg10[%swap3A_136, %swap3A_137] {strides = array<i32>} : memref<128x128xf32, #tpu.memory_space<vmem>>, vector<1x16xf32>,
        %swap3A_139 = vector.shape_cast %swap3A_138 : vector<1x16xf32> to vector<16xf32>
        %swap3A_140 = vector.shape_cast %add3A_135 : vector<16xf32> to vector<1x16xf32>
        tpu.vector_store %arg10[%swap3A_136, %swap3A_137], %swap3A_140 {strides = array<i32>} : memref<128x128xf32, #tpu.memory_space<vmem>>, vector<1x16xf32>,
        %get3A_141 = arith.index_cast %scan3A_72 : i32 to index
        %get3A_142 = arith.constant 80 : index
        %get3A_143 = tpu.vector_load %arg10[%get3A_141, %get3A_142] {strides = array<i32>} : memref<128x128xf32, #tpu.memory_space<vmem>>, vector<1x16xf32>,
        %get3A_144 = vector.shape_cast %get3A_143 : vector<1x16xf32> to vector<16xf32>
        %get3A_145 = arith.index_cast %scan3A_72 : i32 to index
        %get3A_146 = arith.constant 80 : index
        %get3A_147 = tpu.vector_load %arg9[%get3A_145, %get3A_146] {strides = array<i32>} : memref<128x128xf32, #tpu.memory_space<vmem>>, vector<1x16xf32>,
        %get3A_148 = vector.shape_cast %get3A_147 : vector<1x16xf32> to vector<16xf32>
        %add3A_149 = arith.addf %get3A_144, %get3A_148 : vector<16xf32>
        %swap3A_150 = arith.index_cast %scan3A_72 : i32 to index
        %swap3A_151 = arith.constant 80 : index
        %swap3A_152 = tpu.vector_load %arg10[%swap3A_150, %swap3A_151] {strides = array<i32>} : memref<128x128xf32, #tpu.memory_space<vmem>>, vector<1x16xf32>,
        %swap3A_153 = vector.shape_cast %swap3A_152 : vector<1x16xf32> to vector<16xf32>
        %swap3A_154 = vector.shape_cast %add3A_149 : vector<16xf32> to vector<1x16xf32>
        tpu.vector_store %arg10[%swap3A_150, %swap3A_151], %swap3A_154 {strides = array<i32>} : memref<128x128xf32, #tpu.memory_space<vmem>>, vector<1x16xf32>,
        %get3A_155 = arith.index_cast %scan3A_72 : i32 to index
        %get3A_156 = arith.constant 96 : index
        %get3A_157 = tpu.vector_load %arg10[%get3A_155, %get3A_156] {strides = array<i32>} : memref<128x128xf32, #tpu.memory_space<vmem>>, vector<1x16xf32>,
        %get3A_158 = vector.shape_cast %get3A_157 : vector<1x16xf32> to vector<16xf32>
        %get3A_159 = arith.index_cast %scan3A_72 : i32 to index
        %get3A_160 = arith.constant 96 : index
        %get3A_161 = tpu.vector_load %arg9[%get3A_159, %get3A_160] {strides = array<i32>} : memref<128x128xf32, #tpu.memory_space<vmem>>, vector<1x16xf32>,
        %get3A_162 = vector.shape_cast %get3A_161 : vector<1x16xf32> to vector<16xf32>
        %add3A_163 = arith.addf %get3A_158, %get3A_162 : vector<16xf32>
        %swap3A_164 = arith.index_cast %scan3A_72 : i32 to index
        %swap3A_165 = arith.constant 96 : index
        %swap3A_166 = tpu.vector_load %arg10[%swap3A_164, %swap3A_165] {strides = array<i32>} : memref<128x128xf32, #tpu.memory_space<vmem>>, vector<1x16xf32>,
        %swap3A_167 = vector.shape_cast %swap3A_166 : vector<1x16xf32> to vector<16xf32>
        %swap3A_168 = vector.shape_cast %add3A_163 : vector<16xf32> to vector<1x16xf32>
        tpu.vector_store %arg10[%swap3A_164, %swap3A_165], %swap3A_168 {strides = array<i32>} : memref<128x128xf32, #tpu.memory_space<vmem>>, vector<1x16xf32>,
        %get3A_169 = arith.index_cast %scan3A_72 : i32 to index
        %get3A_170 = arith.constant 112 : index
        %get3A_171 = tpu.vector_load %arg10[%get3A_169, %get3A_170] {strides = array<i32>} : memref<128x128xf32, #tpu.memory_space<vmem>>, vector<1x16xf32>,
        %get3A_172 = vector.shape_cast %get3A_171 : vector<1x16xf32> to vector<16xf32>
        %get3A_173 = arith.index_cast %scan3A_72 : i32 to index
        %get3A_174 = arith.constant 112 : index
        %get3A_175 = tpu.vector_load %arg9[%get3A_173, %get3A_174] {strides = array<i32>} : memref<128x128xf32, #tpu.memory_space<vmem>>, vector<1x16xf32>,
        %get3A_176 = vector.shape_cast %get3A_175 : vector<1x16xf32> to vector<16xf32>
        %add3A_177 = arith.addf %get3A_172, %get3A_176 : vector<16xf32>
        %swap3A_178 = arith.index_cast %scan3A_72 : i32 to index
        %swap3A_179 = arith.constant 112 : index
        %swap3A_180 = tpu.vector_load %arg10[%swap3A_178, %swap3A_179] {strides = array<i32>} : memref<128x128xf32, #tpu.memory_space<vmem>>, vector<1x16xf32>,
        %swap3A_181 = vector.shape_cast %swap3A_180 : vector<1x16xf32> to vector<16xf32>
        %swap3A_182 = vector.shape_cast %add3A_177 : vector<16xf32> to vector<1x16xf32>
        tpu.vector_store %arg10[%swap3A_178, %swap3A_179], %swap3A_182 {strides = array<i32>} : memref<128x128xf32, #tpu.memory_space<vmem>>, vector<1x16xf32>,
      }
      %scan3A_71 = arith.constant 128 : i32
      "tpu.region"() ({
        %run_scoped3A = tpu.sem_alloc : memref<!tpu.dma_semaphore, #tpu.memory_space<semaphore_mem>>
        %dma_start3A_72 = arith.constant 0 : i32
        %dma_start3A_73 = tpu.memref_slice %arg5[%mul3A_55, %dma_start3A_72] : memref<320000x128xf32, #tpu.memory_space<hbm>> -> memref<128x128xf32, #tpu.memory_space<hbm>>
        %dma_start3A_74 = arith.constant 0 : i32
        %dma_start3A_75 = tpu.memref_slice %arg5[%mul3A_55, %dma_start3A_74] : memref<320000x128xf32, #tpu.memory_space<hbm>> -> memref<128x128xf32, #tpu.memory_space<hbm>>
        tpu.enqueue_dma source(%arg10 : memref<128x128xf32, #tpu.memory_space<vmem>>) target(%dma_start3A_75 : memref<128x128xf32, #tpu.memory_space<hbm>>) target_semaphore(%run_scoped3A : memref<!tpu.dma_semaphore, #tpu.memory_space<semaphore_mem>>)
        %dma_wait3A_76 = arith.constant 0 : i32
        %dma_wait3A_77 = tpu.memref_slice %arg5[%mul3A_55, %dma_wait3A_76] : memref<320000x128xf32, #tpu.memory_space<hbm>> -> memref<128x128xf32, #tpu.memory_space<hbm>>
        %dma_wait3A_78 = arith.constant 0 : i32
        %dma_wait3A_79 = tpu.memref_slice %arg5[%mul3A_55, %dma_wait3A_78] : memref<320000x128xf32, #tpu.memory_space<hbm>> -> memref<128x128xf32, #tpu.memory_space<hbm>>
        tpu.wait_dma2 semaphore(%run_scoped3A : memref<!tpu.dma_semaphore, #tpu.memory_space<semaphore_mem>>) src(%arg10 : memref<128x128xf32, #tpu.memory_space<vmem>>) dst(%dma_wait3A_79 : memref<128x128xf32, #tpu.memory_space<hbm>>)
        tpu.yield
      }) : () -> ()
    }
    %barrier3A_49 = arith.constant 0 : index
    tpu.barrier barrier_id(%barrier3A_49)
    "tpu.region"() ({
      %run_scoped3A = tpu.sem_alloc : memref<!tpu.dma_semaphore, #tpu.memory_space<semaphore_mem>>
      %dma_start3A = arith.constant 0 : i32
      %dma_start3A_50 = tpu.memref_slice %arg6[%arg0, %mul3A_2, %dma_start3A] : memref<2x10240x128xf32, #tpu.memory_space<hbm>> -> memref<1x640x128xf32, #tpu.memory_space<hbm>>
      %dma_start3A_51 = tpu.memref_squeeze %dma_start3A_50 : memref<1x640x128xf32, #tpu.memory_space<hbm>> -> memref<640x128xf32, #tpu.memory_space<hbm>>
      %dma_start3A_52 = arith.constant 0 : i32
      %dma_start3A_53 = tpu.memref_slice %arg11[%mul3A_2, %dma_start3A_52] : memref<10240x128xf32, #tpu.memory_space<vmem_shared>> -> memref<640x128xf32, #tpu.memory_space<vmem_shared>>
      tpu.enqueue_dma source(%dma_start3A_53 : memref<640x128xf32, #tpu.memory_space<vmem_shared>>) target(%dma_start3A_51 : memref<640x128xf32, #tpu.memory_space<hbm>>) target_semaphore(%run_scoped3A : memref<!tpu.dma_semaphore, #tpu.memory_space<semaphore_mem>>)
      %dma_wait3A = arith.constant 0 : i32
      %dma_wait3A_54 = tpu.memref_slice %arg6[%arg0, %mul3A_2, %dma_wait3A] : memref<2x10240x128xf32, #tpu.memory_space<hbm>> -> memref<1x640x128xf32, #tpu.memory_space<hbm>>
      %dma_wait3A_55 = tpu.memref_squeeze %dma_wait3A_54 : memref<1x640x128xf32, #tpu.memory_space<hbm>> -> memref<640x128xf32, #tpu.memory_space<hbm>>
      %dma_wait3A_56 = arith.constant 0 : i32
      %dma_wait3A_57 = tpu.memref_slice %arg11[%mul3A_2, %dma_wait3A_56] : memref<10240x128xf32, #tpu.memory_space<vmem_shared>> -> memref<640x128xf32, #tpu.memory_space<vmem_shared>>
      tpu.wait_dma2 semaphore(%run_scoped3A : memref<!tpu.dma_semaphore, #tpu.memory_space<semaphore_mem>>) src(%dma_wait3A_57 : memref<640x128xf32, #tpu.memory_space<vmem_shared>>) dst(%dma_wait3A_55 : memref<640x128xf32, #tpu.memory_space<hbm>>)
      tpu.yield
    }) : () -> ()
    return
  }
}

#map = affine_map<(d0, d1) -> (0)>
#map1 = affine_map<(d0, d1) -> (0, 0)>
#map2 = affine_map<(d0, d1) -> (0, 0, 0)>
module attributes {stable_mosaic.version = 14 : i64} {
  func.func @k(%arg0: i32, %arg1: i32, %arg2: memref<320000xi32, #tpu.memory_space<hbm>>, %arg3: memref<320000x128xf32, #tpu.memory_space<hbm>>, %arg4: memref<320000x128xf32, #tpu.memory_space<hbm>>, %arg5: memref<128xf32, #tpu.memory_space<hbm>>, %arg6: memref<128xf32, #tpu.memory_space<hbm>>, %arg7: memref<2x10240x128xf32, #tpu.memory_space<hbm>>, %arg8: memref<320000x128xf32, #tpu.memory_space<hbm>>, %arg9: memref<2x10240x128xf32, #tpu.memory_space<hbm>>, %arg10: memref<2x80xi32, #tpu.memory_space<vmem>>, %arg11: memref<2x80x128xf32, #tpu.memory_space<vmem>>, %arg12: memref<2x80x128xf32, #tpu.memory_space<vmem>>, %arg13: memref<128xf32, #tpu.memory_space<vmem>>, %arg14: memref<128xf32, #tpu.memory_space<vmem>>, %arg15: memref<10240x128xf32, #tpu.memory_space<vmem_shared>>, %arg16: memref<!tpu.dma_semaphore, #tpu.memory_space<semaphore_mem>>, %arg17: memref<!tpu.dma_semaphore, #tpu.memory_space<semaphore_mem>>, %arg18: memref<!tpu.dma_semaphore, #tpu.memory_space<semaphore_mem>>, %arg19: memref<!tpu.dma_semaphore, #tpu.memory_space<semaphore_mem>>) attributes {dimension_semantics = [#tpu.dimension_semantics<core_parallel>, #tpu.dimension_semantics<subcore_parallel>], iteration_bounds = array<i64: 2, 16>, scalar_prefetch = 0 : i64, scratch_operands = 10 : i64, tpu.core_type = #tpu.core_type<sc_vector_subcore>, window_params = [{transform_indices = #map}, {transform_indices = #map1}, {transform_indices = #map1}, {transform_indices = #map}, {transform_indices = #map}, {transform_indices = #map2}, {transform_indices = #map1}, {transform_indices = #map2}]} {
    %mul3A = arith.constant 2 : i32
    %mul3A_0 = arith.muli %arg1, %mul3A : i32
    %add3A = arith.addi %mul3A_0, %arg0 : i32
    %mul3A_1 = arith.constant 640 : i32
    %mul3A_2 = arith.muli %arg1, %mul3A_1 : i32
    "tpu.region"() ({
      %run_scoped3A_186 = tpu.sem_alloc : memref<!tpu.dma_semaphore, #tpu.memory_space<semaphore_mem>>
      tpu.enqueue_dma source(%arg5 : memref<128xf32, #tpu.memory_space<hbm>>) target(%arg13 : memref<128xf32, #tpu.memory_space<vmem>>) target_semaphore(%run_scoped3A_186 : memref<!tpu.dma_semaphore, #tpu.memory_space<semaphore_mem>>)
      tpu.wait_dma2 semaphore(%run_scoped3A_186 : memref<!tpu.dma_semaphore, #tpu.memory_space<semaphore_mem>>) src(%arg5 : memref<128xf32, #tpu.memory_space<hbm>>) dst(%arg13 : memref<128xf32, #tpu.memory_space<vmem>>)
      tpu.yield
    }) : () -> ()
    "tpu.region"() ({
      %run_scoped3A_186 = tpu.sem_alloc : memref<!tpu.dma_semaphore, #tpu.memory_space<semaphore_mem>>
      tpu.enqueue_dma source(%arg6 : memref<128xf32, #tpu.memory_space<hbm>>) target(%arg14 : memref<128xf32, #tpu.memory_space<vmem>>) target_semaphore(%run_scoped3A_186 : memref<!tpu.dma_semaphore, #tpu.memory_space<semaphore_mem>>)
      tpu.wait_dma2 semaphore(%run_scoped3A_186 : memref<!tpu.dma_semaphore, #tpu.memory_space<semaphore_mem>>) src(%arg6 : memref<128xf32, #tpu.memory_space<hbm>>) dst(%arg14 : memref<128xf32, #tpu.memory_space<vmem>>)
      tpu.yield
    }) : () -> ()
    "tpu.region"() ({
      %run_scoped3A_186 = tpu.sem_alloc : memref<!tpu.dma_semaphore, #tpu.memory_space<semaphore_mem>>
      %dma_start3A_187 = arith.constant 0 : i32
      %dma_start3A_188 = tpu.memref_slice %arg15[%mul3A_2, %dma_start3A_187] : memref<10240x128xf32, #tpu.memory_space<vmem_shared>> -> memref<640x128xf32, #tpu.memory_space<vmem_shared>>
      %dma_start3A_189 = arith.constant 0 : i32
      %dma_start3A_190 = tpu.memref_slice %arg7[%arg0, %mul3A_2, %dma_start3A_189] : memref<2x10240x128xf32, #tpu.memory_space<hbm>> -> memref<1x640x128xf32, #tpu.memory_space<hbm>>
      %dma_start3A_191 = tpu.memref_squeeze %dma_start3A_190 : memref<1x640x128xf32, #tpu.memory_space<hbm>> -> memref<640x128xf32, #tpu.memory_space<hbm>>
      tpu.enqueue_dma source(%dma_start3A_191 : memref<640x128xf32, #tpu.memory_space<hbm>>) target(%dma_start3A_188 : memref<640x128xf32, #tpu.memory_space<vmem_shared>>) target_semaphore(%run_scoped3A_186 : memref<!tpu.dma_semaphore, #tpu.memory_space<semaphore_mem>>)
      %dma_wait3A_192 = arith.constant 0 : i32
      %dma_wait3A_193 = tpu.memref_slice %arg15[%mul3A_2, %dma_wait3A_192] : memref<10240x128xf32, #tpu.memory_space<vmem_shared>> -> memref<640x128xf32, #tpu.memory_space<vmem_shared>>
      %dma_wait3A_194 = arith.constant 0 : i32
      %dma_wait3A_195 = tpu.memref_slice %arg7[%arg0, %mul3A_2, %dma_wait3A_194] : memref<2x10240x128xf32, #tpu.memory_space<hbm>> -> memref<1x640x128xf32, #tpu.memory_space<hbm>>
      %dma_wait3A_196 = tpu.memref_squeeze %dma_wait3A_195 : memref<1x640x128xf32, #tpu.memory_space<hbm>> -> memref<640x128xf32, #tpu.memory_space<hbm>>
      tpu.wait_dma2 semaphore(%run_scoped3A_186 : memref<!tpu.dma_semaphore, #tpu.memory_space<semaphore_mem>>) src(%dma_wait3A_196 : memref<640x128xf32, #tpu.memory_space<hbm>>) dst(%dma_wait3A_193 : memref<640x128xf32, #tpu.memory_space<vmem_shared>>)
      tpu.yield
    }) : () -> ()
    %barrier3A = arith.constant 0 : index
    tpu.barrier barrier_id(%barrier3A)
    %add3A_3 = arith.constant 0 : i32
    %add3A_4 = arith.addi %add3A, %add3A_3 : i32
    %mul3A_5 = arith.constant 80 : i32
    %mul3A_6 = arith.muli %add3A_4, %mul3A_5 : i32
    %dma_start3A = arith.constant 0 : i32
    %dma_start3A_7 = arith.constant 0 : i32
    %dma_start3A_8 = tpu.memref_slice %arg10[%dma_start3A, %dma_start3A_7] : memref<2x80xi32, #tpu.memory_space<vmem>> -> memref<1x80xi32, #tpu.memory_space<vmem>>
    %dma_start3A_9 = tpu.memref_squeeze %dma_start3A_8 : memref<1x80xi32, #tpu.memory_space<vmem>> -> memref<80xi32, #tpu.memory_space<vmem>>
    %dma_start3A_10 = tpu.memref_slice %arg2[%mul3A_6] : memref<320000xi32, #tpu.memory_space<hbm>> -> memref<80xi32, #tpu.memory_space<hbm>>
    %dma_start3A_11 = arith.constant 0 : i32
    %dma_start3A_12 = tpu.memref_slice %arg10[%dma_start3A, %dma_start3A_11] : memref<2x80xi32, #tpu.memory_space<vmem>> -> memref<1x80xi32, #tpu.memory_space<vmem>>
    %dma_start3A_13 = tpu.memref_squeeze %dma_start3A_12 : memref<1x80xi32, #tpu.memory_space<vmem>> -> memref<80xi32, #tpu.memory_space<vmem>>
    %dma_start3A_14 = tpu.memref_slice %arg2[%mul3A_6] : memref<320000xi32, #tpu.memory_space<hbm>> -> memref<80xi32, #tpu.memory_space<hbm>>
    tpu.enqueue_dma source(%dma_start3A_14 : memref<80xi32, #tpu.memory_space<hbm>>) target(%dma_start3A_13 : memref<80xi32, #tpu.memory_space<vmem>>) target_semaphore(%arg16 : memref<!tpu.dma_semaphore, #tpu.memory_space<semaphore_mem>>)
    %dma_start3A_15 = arith.constant 0 : i32
    %dma_start3A_16 = arith.constant 0 : i32
    %dma_start3A_17 = arith.constant 0 : i32
    %dma_start3A_18 = tpu.memref_slice %arg11[%dma_start3A_15, %dma_start3A_16, %dma_start3A_17] : memref<2x80x128xf32, #tpu.memory_space<vmem>> -> memref<1x80x128xf32, #tpu.memory_space<vmem>>
    %dma_start3A_19 = tpu.memref_squeeze %dma_start3A_18 : memref<1x80x128xf32, #tpu.memory_space<vmem>> -> memref<80x128xf32, #tpu.memory_space<vmem>>
    %dma_start3A_20 = arith.constant 0 : i32
    %dma_start3A_21 = tpu.memref_slice %arg3[%mul3A_6, %dma_start3A_20] : memref<320000x128xf32, #tpu.memory_space<hbm>> -> memref<80x128xf32, #tpu.memory_space<hbm>>
    %dma_start3A_22 = arith.constant 0 : i32
    %dma_start3A_23 = arith.constant 0 : i32
    %dma_start3A_24 = tpu.memref_slice %arg11[%dma_start3A_15, %dma_start3A_22, %dma_start3A_23] : memref<2x80x128xf32, #tpu.memory_space<vmem>> -> memref<1x80x128xf32, #tpu.memory_space<vmem>>
    %dma_start3A_25 = tpu.memref_squeeze %dma_start3A_24 : memref<1x80x128xf32, #tpu.memory_space<vmem>> -> memref<80x128xf32, #tpu.memory_space<vmem>>
    %dma_start3A_26 = arith.constant 0 : i32
    %dma_start3A_27 = tpu.memref_slice %arg3[%mul3A_6, %dma_start3A_26] : memref<320000x128xf32, #tpu.memory_space<hbm>> -> memref<80x128xf32, #tpu.memory_space<hbm>>
    tpu.enqueue_dma source(%dma_start3A_27 : memref<80x128xf32, #tpu.memory_space<hbm>>) target(%dma_start3A_25 : memref<80x128xf32, #tpu.memory_space<vmem>>) target_semaphore(%arg16 : memref<!tpu.dma_semaphore, #tpu.memory_space<semaphore_mem>>)
    %dma_start3A_28 = arith.constant 0 : i32
    %dma_start3A_29 = arith.constant 0 : i32
    %dma_start3A_30 = arith.constant 0 : i32
    %dma_start3A_31 = tpu.memref_slice %arg12[%dma_start3A_28, %dma_start3A_29, %dma_start3A_30] : memref<2x80x128xf32, #tpu.memory_space<vmem>> -> memref<1x80x128xf32, #tpu.memory_space<vmem>>
    %dma_start3A_32 = tpu.memref_squeeze %dma_start3A_31 : memref<1x80x128xf32, #tpu.memory_space<vmem>> -> memref<80x128xf32, #tpu.memory_space<vmem>>
    %dma_start3A_33 = arith.constant 0 : i32
    %dma_start3A_34 = tpu.memref_slice %arg4[%mul3A_6, %dma_start3A_33] : memref<320000x128xf32, #tpu.memory_space<hbm>> -> memref<80x128xf32, #tpu.memory_space<hbm>>
    %dma_start3A_35 = arith.constant 0 : i32
    %dma_start3A_36 = arith.constant 0 : i32
    %dma_start3A_37 = tpu.memref_slice %arg12[%dma_start3A_28, %dma_start3A_35, %dma_start3A_36] : memref<2x80x128xf32, #tpu.memory_space<vmem>> -> memref<1x80x128xf32, #tpu.memory_space<vmem>>
    %dma_start3A_38 = tpu.memref_squeeze %dma_start3A_37 : memref<1x80x128xf32, #tpu.memory_space<vmem>> -> memref<80x128xf32, #tpu.memory_space<vmem>>
    %dma_start3A_39 = arith.constant 0 : i32
    %dma_start3A_40 = tpu.memref_slice %arg4[%mul3A_6, %dma_start3A_39] : memref<320000x128xf32, #tpu.memory_space<hbm>> -> memref<80x128xf32, #tpu.memory_space<hbm>>
    tpu.enqueue_dma source(%dma_start3A_40 : memref<80x128xf32, #tpu.memory_space<hbm>>) target(%dma_start3A_38 : memref<80x128xf32, #tpu.memory_space<vmem>>) target_semaphore(%arg16 : memref<!tpu.dma_semaphore, #tpu.memory_space<semaphore_mem>>)
    %get3A = arith.constant 0 : index
    %get3A_41 = tpu.vector_load %arg13[%get3A] {strides = array<i32>} : memref<128xf32, #tpu.memory_space<vmem>>, vector<16xf32>,
    %get3A_42 = vector.shape_cast %get3A_41 : vector<16xf32> to vector<16xf32>
    %get3A_43 = arith.constant 16 : index
    %get3A_44 = tpu.vector_load %arg13[%get3A_43] {strides = array<i32>} : memref<128xf32, #tpu.memory_space<vmem>>, vector<16xf32>,
    %get3A_45 = vector.shape_cast %get3A_44 : vector<16xf32> to vector<16xf32>
    %get3A_46 = arith.constant 32 : index
    %get3A_47 = tpu.vector_load %arg13[%get3A_46] {strides = array<i32>} : memref<128xf32, #tpu.memory_space<vmem>>, vector<16xf32>,
    %get3A_48 = vector.shape_cast %get3A_47 : vector<16xf32> to vector<16xf32>
    %get3A_49 = arith.constant 48 : index
    %get3A_50 = tpu.vector_load %arg13[%get3A_49] {strides = array<i32>} : memref<128xf32, #tpu.memory_space<vmem>>, vector<16xf32>,
    %get3A_51 = vector.shape_cast %get3A_50 : vector<16xf32> to vector<16xf32>
    %get3A_52 = arith.constant 64 : index
    %get3A_53 = tpu.vector_load %arg13[%get3A_52] {strides = array<i32>} : memref<128xf32, #tpu.memory_space<vmem>>, vector<16xf32>,
    %get3A_54 = vector.shape_cast %get3A_53 : vector<16xf32> to vector<16xf32>
    %get3A_55 = arith.constant 80 : index
    %get3A_56 = tpu.vector_load %arg13[%get3A_55] {strides = array<i32>} : memref<128xf32, #tpu.memory_space<vmem>>, vector<16xf32>,
    %get3A_57 = vector.shape_cast %get3A_56 : vector<16xf32> to vector<16xf32>
    %get3A_58 = arith.constant 96 : index
    %get3A_59 = tpu.vector_load %arg13[%get3A_58] {strides = array<i32>} : memref<128xf32, #tpu.memory_space<vmem>>, vector<16xf32>,
    %get3A_60 = vector.shape_cast %get3A_59 : vector<16xf32> to vector<16xf32>
    %get3A_61 = arith.constant 112 : index
    %get3A_62 = tpu.vector_load %arg13[%get3A_61] {strides = array<i32>} : memref<128xf32, #tpu.memory_space<vmem>>, vector<16xf32>,
    %get3A_63 = vector.shape_cast %get3A_62 : vector<16xf32> to vector<16xf32>
    %get3A_64 = arith.constant 0 : index
    %get3A_65 = tpu.vector_load %arg14[%get3A_64] {strides = array<i32>} : memref<128xf32, #tpu.memory_space<vmem>>, vector<16xf32>,
    %get3A_66 = vector.shape_cast %get3A_65 : vector<16xf32> to vector<16xf32>
    %get3A_67 = arith.constant 16 : index
    %get3A_68 = tpu.vector_load %arg14[%get3A_67] {strides = array<i32>} : memref<128xf32, #tpu.memory_space<vmem>>, vector<16xf32>,
    %get3A_69 = vector.shape_cast %get3A_68 : vector<16xf32> to vector<16xf32>
    %get3A_70 = arith.constant 32 : index
    %get3A_71 = tpu.vector_load %arg14[%get3A_70] {strides = array<i32>} : memref<128xf32, #tpu.memory_space<vmem>>, vector<16xf32>,
    %get3A_72 = vector.shape_cast %get3A_71 : vector<16xf32> to vector<16xf32>
    %get3A_73 = arith.constant 48 : index
    %get3A_74 = tpu.vector_load %arg14[%get3A_73] {strides = array<i32>} : memref<128xf32, #tpu.memory_space<vmem>>, vector<16xf32>,
    %get3A_75 = vector.shape_cast %get3A_74 : vector<16xf32> to vector<16xf32>
    %get3A_76 = arith.constant 64 : index
    %get3A_77 = tpu.vector_load %arg14[%get3A_76] {strides = array<i32>} : memref<128xf32, #tpu.memory_space<vmem>>, vector<16xf32>,
    %get3A_78 = vector.shape_cast %get3A_77 : vector<16xf32> to vector<16xf32>
    %get3A_79 = arith.constant 80 : index
    %get3A_80 = tpu.vector_load %arg14[%get3A_79] {strides = array<i32>} : memref<128xf32, #tpu.memory_space<vmem>>, vector<16xf32>,
    %get3A_81 = vector.shape_cast %get3A_80 : vector<16xf32> to vector<16xf32>
    %get3A_82 = arith.constant 96 : index
    %get3A_83 = tpu.vector_load %arg14[%get3A_82] {strides = array<i32>} : memref<128xf32, #tpu.memory_space<vmem>>, vector<16xf32>,
    %get3A_84 = vector.shape_cast %get3A_83 : vector<16xf32> to vector<16xf32>
    %get3A_85 = arith.constant 112 : index
    %get3A_86 = tpu.vector_load %arg14[%get3A_85] {strides = array<i32>} : memref<128xf32, #tpu.memory_space<vmem>>, vector<16xf32>,
    %get3A_87 = vector.shape_cast %get3A_86 : vector<16xf32> to vector<16xf32>
    %scan3A = arith.constant 0 : i32
    %scan3A_88 = arith.constant 0 : i32
    %scan3A_89 = arith.constant 62 : i32
    %scan3A_90 = arith.addi %scan3A_88, %scan3A_89 : i32
    %scan3A_91 = arith.constant 1 : i32
    scf.for %scan3A_186 = %scan3A_88 to %scan3A_90 step %scan3A_91  : i32 {
      %mul3A_187 = arith.constant 2 : i32
      %mul3A_188 = arith.muli %mul3A_187, %scan3A_186 : i32
      %ge3A = arith.constant 1 : i32
      %ge3A_189 = arith.cmpi sge, %scan3A_186, %ge3A : i32
      %convert_element_type3A = arith.extui %ge3A_189 : i1 to i32
      %cond3A = arith.constant 0 : i32
      %cond3A_190 = arith.cmpi ne, %convert_element_type3A, %cond3A : i32
      scf.if %cond3A_190 {
        %dma_wait3A_426 = arith.constant 1 : i32
        %dma_wait3A_427 = arith.constant 0 : i32
        %dma_wait3A_428 = arith.constant 0 : i32
        %dma_wait3A_429 = tpu.memref_slice %arg11[%dma_wait3A_426, %dma_wait3A_427, %dma_wait3A_428] : memref<2x80x128xf32, #tpu.memory_space<vmem>> -> memref<1x80x128xf32, #tpu.memory_space<vmem>>
        %dma_wait3A_430 = tpu.memref_squeeze %dma_wait3A_429 : memref<1x80x128xf32, #tpu.memory_space<vmem>> -> memref<80x128xf32, #tpu.memory_space<vmem>>
        %dma_wait3A_431 = arith.constant 0 : i32
        %dma_wait3A_432 = arith.constant 0 : i32
        %dma_wait3A_433 = tpu.memref_slice %arg8[%dma_wait3A_431, %dma_wait3A_432] : memref<320000x128xf32, #tpu.memory_space<hbm>> -> memref<80x128xf32, #tpu.memory_space<hbm>>
        %dma_wait3A_434 = arith.constant 0 : i32
        %dma_wait3A_435 = arith.constant 0 : i32
        %dma_wait3A_436 = tpu.memref_slice %arg8[%dma_wait3A_434, %dma_wait3A_435] : memref<320000x128xf32, #tpu.memory_space<hbm>> -> memref<80x128xf32, #tpu.memory_space<hbm>>
        %dma_wait3A_437 = arith.constant 0 : i32
        %dma_wait3A_438 = arith.constant 0 : i32
        %dma_wait3A_439 = tpu.memref_slice %arg11[%dma_wait3A_426, %dma_wait3A_437, %dma_wait3A_438] : memref<2x80x128xf32, #tpu.memory_space<vmem>> -> memref<1x80x128xf32, #tpu.memory_space<vmem>>
        %dma_wait3A_440 = tpu.memref_squeeze %dma_wait3A_439 : memref<1x80x128xf32, #tpu.memory_space<vmem>> -> memref<80x128xf32, #tpu.memory_space<vmem>>
        tpu.wait_dma2 semaphore(%arg19 : memref<!tpu.dma_semaphore, #tpu.memory_space<semaphore_mem>>) src(%dma_wait3A_440 : memref<80x128xf32, #tpu.memory_space<vmem>>) dst(%dma_wait3A_436 : memref<80x128xf32, #tpu.memory_space<hbm>>)
      } else {
      }
      %add3A_191 = arith.constant 1 : i32
      %add3A_192 = arith.addi %mul3A_188, %add3A_191 : i32
      %mul3A_193 = arith.constant 32 : i32
      %mul3A_194 = arith.muli %add3A_192, %mul3A_193 : i32
      %add3A_195 = arith.addi %add3A, %mul3A_194 : i32
      %mul3A_196 = arith.constant 80 : i32
      %mul3A_197 = arith.muli %add3A_195, %mul3A_196 : i32
      %dma_start3A_198 = arith.constant 1 : i32
      %dma_start3A_199 = arith.constant 0 : i32
      %dma_start3A_200 = tpu.memref_slice %arg10[%dma_start3A_198, %dma_start3A_199] : memref<2x80xi32, #tpu.memory_space<vmem>> -> memref<1x80xi32, #tpu.memory_space<vmem>>
      %dma_start3A_201 = tpu.memref_squeeze %dma_start3A_200 : memref<1x80xi32, #tpu.memory_space<vmem>> -> memref<80xi32, #tpu.memory_space<vmem>>
      %dma_start3A_202 = tpu.memref_slice %arg2[%mul3A_197] : memref<320000xi32, #tpu.memory_space<hbm>> -> memref<80xi32, #tpu.memory_space<hbm>>
      %dma_start3A_203 = arith.constant 0 : i32
      %dma_start3A_204 = tpu.memref_slice %arg10[%dma_start3A_198, %dma_start3A_203] : memref<2x80xi32, #tpu.memory_space<vmem>> -> memref<1x80xi32, #tpu.memory_space<vmem>>
      %dma_start3A_205 = tpu.memref_squeeze %dma_start3A_204 : memref<1x80xi32, #tpu.memory_space<vmem>> -> memref<80xi32, #tpu.memory_space<vmem>>
      %dma_start3A_206 = tpu.memref_slice %arg2[%mul3A_197] : memref<320000xi32, #tpu.memory_space<hbm>> -> memref<80xi32, #tpu.memory_space<hbm>>
      tpu.enqueue_dma source(%dma_start3A_206 : memref<80xi32, #tpu.memory_space<hbm>>) target(%dma_start3A_205 : memref<80xi32, #tpu.memory_space<vmem>>) target_semaphore(%arg17 : memref<!tpu.dma_semaphore, #tpu.memory_space<semaphore_mem>>)
      %dma_start3A_207 = arith.constant 1 : i32
      %dma_start3A_208 = arith.constant 0 : i32
      %dma_start3A_209 = arith.constant 0 : i32
      %dma_start3A_210 = tpu.memref_slice %arg11[%dma_start3A_207, %dma_start3A_208, %dma_start3A_209] : memref<2x80x128xf32, #tpu.memory_space<vmem>> -> memref<1x80x128xf32, #tpu.memory_space<vmem>>
      %dma_start3A_211 = tpu.memref_squeeze %dma_start3A_210 : memref<1x80x128xf32, #tpu.memory_space<vmem>> -> memref<80x128xf32, #tpu.memory_space<vmem>>
      %dma_start3A_212 = arith.constant 0 : i32
      %dma_start3A_213 = tpu.memref_slice %arg3[%mul3A_197, %dma_start3A_212] : memref<320000x128xf32, #tpu.memory_space<hbm>> -> memref<80x128xf32, #tpu.memory_space<hbm>>
      %dma_start3A_214 = arith.constant 0 : i32
      %dma_start3A_215 = arith.constant 0 : i32
      %dma_start3A_216 = tpu.memref_slice %arg11[%dma_start3A_207, %dma_start3A_214, %dma_start3A_215] : memref<2x80x128xf32, #tpu.memory_space<vmem>> -> memref<1x80x128xf32, #tpu.memory_space<vmem>>
      %dma_start3A_217 = tpu.memref_squeeze %dma_start3A_216 : memref<1x80x128xf32, #tpu.memory_space<vmem>> -> memref<80x128xf32, #tpu.memory_space<vmem>>
      %dma_start3A_218 = arith.constant 0 : i32
      %dma_start3A_219 = tpu.memref_slice %arg3[%mul3A_197, %dma_start3A_218] : memref<320000x128xf32, #tpu.memory_space<hbm>> -> memref<80x128xf32, #tpu.memory_space<hbm>>
      tpu.enqueue_dma source(%dma_start3A_219 : memref<80x128xf32, #tpu.memory_space<hbm>>) target(%dma_start3A_217 : memref<80x128xf32, #tpu.memory_space<vmem>>) target_semaphore(%arg17 : memref<!tpu.dma_semaphore, #tpu.memory_space<semaphore_mem>>)
      %dma_start3A_220 = arith.constant 1 : i32
      %dma_start3A_221 = arith.constant 0 : i32
      %dma_start3A_222 = arith.constant 0 : i32
      %dma_start3A_223 = tpu.memref_slice %arg12[%dma_start3A_220, %dma_start3A_221, %dma_start3A_222] : memref<2x80x128xf32, #tpu.memory_space<vmem>> -> memref<1x80x128xf32, #tpu.memory_space<vmem>>
      %dma_start3A_224 = tpu.memref_squeeze %dma_start3A_223 : memref<1x80x128xf32, #tpu.memory_space<vmem>> -> memref<80x128xf32, #tpu.memory_space<vmem>>
      %dma_start3A_225 = arith.constant 0 : i32
      %dma_start3A_226 = tpu.memref_slice %arg4[%mul3A_197, %dma_start3A_225] : memref<320000x128xf32, #tpu.memory_space<hbm>> -> memref<80x128xf32, #tpu.memory_space<hbm>>
      %dma_start3A_227 = arith.constant 0 : i32
      %dma_start3A_228 = arith.constant 0 : i32
      %dma_start3A_229 = tpu.memref_slice %arg12[%dma_start3A_220, %dma_start3A_227, %dma_start3A_228] : memref<2x80x128xf32, #tpu.memory_space<vmem>> -> memref<1x80x128xf32, #tpu.memory_space<vmem>>
      %dma_start3A_230 = tpu.memref_squeeze %dma_start3A_229 : memref<1x80x128xf32, #tpu.memory_space<vmem>> -> memref<80x128xf32, #tpu.memory_space<vmem>>
      %dma_start3A_231 = arith.constant 0 : i32
      %dma_start3A_232 = tpu.memref_slice %arg4[%mul3A_197, %dma_start3A_231] : memref<320000x128xf32, #tpu.memory_space<hbm>> -> memref<80x128xf32, #tpu.memory_space<hbm>>
      tpu.enqueue_dma source(%dma_start3A_232 : memref<80x128xf32, #tpu.memory_space<hbm>>) target(%dma_start3A_230 : memref<80x128xf32, #tpu.memory_space<vmem>>) target_semaphore(%arg17 : memref<!tpu.dma_semaphore, #tpu.memory_space<semaphore_mem>>)
      %mul3A_233 = arith.constant 32 : i32
      %mul3A_234 = arith.muli %mul3A_188, %mul3A_233 : i32
      %add3A_235 = arith.addi %add3A, %mul3A_234 : i32
      %mul3A_236 = arith.constant 80 : i32
      %mul3A_237 = arith.muli %add3A_235, %mul3A_236 : i32
      %dma_wait3A_238 = arith.constant 0 : i32
      %dma_wait3A_239 = arith.constant 0 : i32
      %dma_wait3A_240 = tpu.memref_slice %arg10[%dma_wait3A_238, %dma_wait3A_239] : memref<2x80xi32, #tpu.memory_space<vmem>> -> memref<1x80xi32, #tpu.memory_space<vmem>>
      %dma_wait3A_241 = tpu.memref_squeeze %dma_wait3A_240 : memref<1x80xi32, #tpu.memory_space<vmem>> -> memref<80xi32, #tpu.memory_space<vmem>>
      %dma_wait3A_242 = tpu.memref_slice %arg2[%mul3A_237] : memref<320000xi32, #tpu.memory_space<hbm>> -> memref<80xi32, #tpu.memory_space<hbm>>
      %dma_wait3A_243 = arith.constant 0 : i32
      %dma_wait3A_244 = tpu.memref_slice %arg10[%dma_wait3A_238, %dma_wait3A_243] : memref<2x80xi32, #tpu.memory_space<vmem>> -> memref<1x80xi32, #tpu.memory_space<vmem>>
      %dma_wait3A_245 = tpu.memref_squeeze %dma_wait3A_244 : memref<1x80xi32, #tpu.memory_space<vmem>> -> memref<80xi32, #tpu.memory_space<vmem>>
      %dma_wait3A_246 = tpu.memref_slice %arg2[%mul3A_237] : memref<320000xi32, #tpu.memory_space<hbm>> -> memref<80xi32, #tpu.memory_space<hbm>>
      tpu.wait_dma2 semaphore(%arg16 : memref<!tpu.dma_semaphore, #tpu.memory_space<semaphore_mem>>) src(%dma_wait3A_246 : memref<80xi32, #tpu.memory_space<hbm>>) dst(%dma_wait3A_245 : memref<80xi32, #tpu.memory_space<vmem>>)
      %dma_wait3A_247 = arith.constant 0 : i32
      %dma_wait3A_248 = arith.constant 0 : i32
      %dma_wait3A_249 = arith.constant 0 : i32
      %dma_wait3A_250 = tpu.memref_slice %arg11[%dma_wait3A_247, %dma_wait3A_248, %dma_wait3A_249] : memref<2x80x128xf32, #tpu.memory_space<vmem>> -> memref<1x80x128xf32, #tpu.memory_space<vmem>>
      %dma_wait3A_251 = tpu.memref_squeeze %dma_wait3A_250 : memref<1x80x128xf32, #tpu.memory_space<vmem>> -> memref<80x128xf32, #tpu.memory_space<vmem>>
      %dma_wait3A_252 = arith.constant 0 : i32
      %dma_wait3A_253 = tpu.memref_slice %arg3[%mul3A_237, %dma_wait3A_252] : memref<320000x128xf32, #tpu.memory_space<hbm>> -> memref<80x128xf32, #tpu.memory_space<hbm>>
      %dma_wait3A_254 = arith.constant 0 : i32
      %dma_wait3A_255 = arith.constant 0 : i32
      %dma_wait3A_256 = tpu.memref_slice %arg11[%dma_wait3A_247, %dma_wait3A_254, %dma_wait3A_255] : memref<2x80x128xf32, #tpu.memory_space<vmem>> -> memref<1x80x128xf32, #tpu.memory_space<vmem>>
      %dma_wait3A_257 = tpu.memref_squeeze %dma_wait3A_256 : memref<1x80x128xf32, #tpu.memory_space<vmem>> -> memref<80x128xf32, #tpu.memory_space<vmem>>
      %dma_wait3A_258 = arith.constant 0 : i32
      %dma_wait3A_259 = tpu.memref_slice %arg3[%mul3A_237, %dma_wait3A_258] : memref<320000x128xf32, #tpu.memory_space<hbm>> -> memref<80x128xf32, #tpu.memory_space<hbm>>
      tpu.wait_dma2 semaphore(%arg16 : memref<!tpu.dma_semaphore, #tpu.memory_space<semaphore_mem>>) src(%dma_wait3A_259 : memref<80x128xf32, #tpu.memory_space<hbm>>) dst(%dma_wait3A_257 : memref<80x128xf32, #tpu.memory_space<vmem>>)
      %dma_wait3A_260 = arith.constant 0 : i32
      %dma_wait3A_261 = arith.constant 0 : i32
      %dma_wait3A_262 = arith.constant 0 : i32
      %dma_wait3A_263 = tpu.memref_slice %arg12[%dma_wait3A_260, %dma_wait3A_261, %dma_wait3A_262] : memref<2x80x128xf32, #tpu.memory_space<vmem>> -> memref<1x80x128xf32, #tpu.memory_space<vmem>>
      %dma_wait3A_264 = tpu.memref_squeeze %dma_wait3A_263 : memref<1x80x128xf32, #tpu.memory_space<vmem>> -> memref<80x128xf32, #tpu.memory_space<vmem>>
      %dma_wait3A_265 = arith.constant 0 : i32
      %dma_wait3A_266 = tpu.memref_slice %arg4[%mul3A_237, %dma_wait3A_265] : memref<320000x128xf32, #tpu.memory_space<hbm>> -> memref<80x128xf32, #tpu.memory_space<hbm>>
      %dma_wait3A_267 = arith.constant 0 : i32
      %dma_wait3A_268 = arith.constant 0 : i32
      %dma_wait3A_269 = tpu.memref_slice %arg12[%dma_wait3A_260, %dma_wait3A_267, %dma_wait3A_268] : memref<2x80x128xf32, #tpu.memory_space<vmem>> -> memref<1x80x128xf32, #tpu.memory_space<vmem>>
      %dma_wait3A_270 = tpu.memref_squeeze %dma_wait3A_269 : memref<1x80x128xf32, #tpu.memory_space<vmem>> -> memref<80x128xf32, #tpu.memory_space<vmem>>
      %dma_wait3A_271 = arith.constant 0 : i32
      %dma_wait3A_272 = tpu.memref_slice %arg4[%mul3A_237, %dma_wait3A_271] : memref<320000x128xf32, #tpu.memory_space<hbm>> -> memref<80x128xf32, #tpu.memory_space<hbm>>
      tpu.wait_dma2 semaphore(%arg16 : memref<!tpu.dma_semaphore, #tpu.memory_space<semaphore_mem>>) src(%dma_wait3A_272 : memref<80x128xf32, #tpu.memory_space<hbm>>) dst(%dma_wait3A_270 : memref<80x128xf32, #tpu.memory_space<vmem>>)
      %scan3A_273 = arith.constant 0 : i32
      %scan3A_274 = arith.constant 0 : i32
      %scan3A_275 = arith.constant 80 : i32
      %scan3A_276 = arith.addi %scan3A_274, %scan3A_275 : i32
      %scan3A_277 = arith.constant 1 : i32
      scf.for %scan3A_426 = %scan3A_274 to %scan3A_276 step %scan3A_277  : i32 {
        %get3A_427 = arith.constant 0 : i32
        %get3A_428 = arith.index_cast %get3A_427 : i32 to index
        %get3A_429 = arith.index_cast %scan3A_426 : i32 to index
        %get3A_430 = arith.constant 0 : index
        %get3A_431 = tpu.vector_load %arg11[%get3A_428, %get3A_429, %get3A_430] {strides = array<i32>} : memref<2x80x128xf32, #tpu.memory_space<vmem>>, vector<1x1x16xf32>,
        %get3A_432 = vector.shape_cast %get3A_431 : vector<1x1x16xf32> to vector<16xf32>
        %mul3A_433 = arith.mulf %get3A_432, %get3A_42 : vector<16xf32>
        %add3A_434 = arith.addf %mul3A_433, %get3A_66 : vector<16xf32>
        %get3A_435 = arith.constant 0 : i32
        %get3A_436 = arith.index_cast %get3A_435 : i32 to index
        %get3A_437 = arith.index_cast %scan3A_426 : i32 to index
        %get3A_438 = arith.constant 0 : index
        %get3A_439 = tpu.vector_load %arg12[%get3A_436, %get3A_437, %get3A_438] {strides = array<i32>} : memref<2x80x128xf32, #tpu.memory_space<vmem>>, vector<1x1x16xf32>,
        %get3A_440 = vector.shape_cast %get3A_439 : vector<1x1x16xf32> to vector<16xf32>
        %add3A_441 = arith.addf %add3A_434, %get3A_440 : vector<16xf32>
        %swap3A = arith.constant 0 : i32
        %swap3A_442 = arith.index_cast %swap3A : i32 to index
        %swap3A_443 = arith.index_cast %scan3A_426 : i32 to index
        %swap3A_444 = arith.constant 0 : index
        %swap3A_445 = tpu.vector_load %arg11[%swap3A_442, %swap3A_443, %swap3A_444] {strides = array<i32>} : memref<2x80x128xf32, #tpu.memory_space<vmem>>, vector<1x1x16xf32>,
        %swap3A_446 = vector.shape_cast %swap3A_445 : vector<1x1x16xf32> to vector<16xf32>
        %swap3A_447 = vector.shape_cast %add3A_441 : vector<16xf32> to vector<1x1x16xf32>
        tpu.vector_store %arg11[%swap3A_442, %swap3A_443, %swap3A_444], %swap3A_447 {strides = array<i32>} : memref<2x80x128xf32, #tpu.memory_space<vmem>>, vector<1x1x16xf32>,
        %get3A_448 = arith.constant 0 : i32
        %get3A_449 = arith.index_cast %get3A_448 : i32 to index
        %get3A_450 = arith.index_cast %scan3A_426 : i32 to index
        %get3A_451 = arith.constant 16 : index
        %get3A_452 = tpu.vector_load %arg11[%get3A_449, %get3A_450, %get3A_451] {strides = array<i32>} : memref<2x80x128xf32, #tpu.memory_space<vmem>>, vector<1x1x16xf32>,
        %get3A_453 = vector.shape_cast %get3A_452 : vector<1x1x16xf32> to vector<16xf32>
        %mul3A_454 = arith.mulf %get3A_453, %get3A_45 : vector<16xf32>
        %add3A_455 = arith.addf %mul3A_454, %get3A_69 : vector<16xf32>
        %get3A_456 = arith.constant 0 : i32
        %get3A_457 = arith.index_cast %get3A_456 : i32 to index
        %get3A_458 = arith.index_cast %scan3A_426 : i32 to index
        %get3A_459 = arith.constant 16 : index
        %get3A_460 = tpu.vector_load %arg12[%get3A_457, %get3A_458, %get3A_459] {strides = array<i32>} : memref<2x80x128xf32, #tpu.memory_space<vmem>>, vector<1x1x16xf32>,
        %get3A_461 = vector.shape_cast %get3A_460 : vector<1x1x16xf32> to vector<16xf32>
        %add3A_462 = arith.addf %add3A_455, %get3A_461 : vector<16xf32>
        %swap3A_463 = arith.constant 0 : i32
        %swap3A_464 = arith.index_cast %swap3A_463 : i32 to index
        %swap3A_465 = arith.index_cast %scan3A_426 : i32 to index
        %swap3A_466 = arith.constant 16 : index
        %swap3A_467 = tpu.vector_load %arg11[%swap3A_464, %swap3A_465, %swap3A_466] {strides = array<i32>} : memref<2x80x128xf32, #tpu.memory_space<vmem>>, vector<1x1x16xf32>,
        %swap3A_468 = vector.shape_cast %swap3A_467 : vector<1x1x16xf32> to vector<16xf32>
        %swap3A_469 = vector.shape_cast %add3A_462 : vector<16xf32> to vector<1x1x16xf32>
        tpu.vector_store %arg11[%swap3A_464, %swap3A_465, %swap3A_466], %swap3A_469 {strides = array<i32>} : memref<2x80x128xf32, #tpu.memory_space<vmem>>, vector<1x1x16xf32>,
        %get3A_470 = arith.constant 0 : i32
        %get3A_471 = arith.index_cast %get3A_470 : i32 to index
        %get3A_472 = arith.index_cast %scan3A_426 : i32 to index
        %get3A_473 = arith.constant 32 : index
        %get3A_474 = tpu.vector_load %arg11[%get3A_471, %get3A_472, %get3A_473] {strides = array<i32>} : memref<2x80x128xf32, #tpu.memory_space<vmem>>, vector<1x1x16xf32>,
        %get3A_475 = vector.shape_cast %get3A_474 : vector<1x1x16xf32> to vector<16xf32>
        %mul3A_476 = arith.mulf %get3A_475, %get3A_48 : vector<16xf32>
        %add3A_477 = arith.addf %mul3A_476, %get3A_72 : vector<16xf32>
        %get3A_478 = arith.constant 0 : i32
        %get3A_479 = arith.index_cast %get3A_478 : i32 to index
        %get3A_480 = arith.index_cast %scan3A_426 : i32 to index
        %get3A_481 = arith.constant 32 : index
        %get3A_482 = tpu.vector_load %arg12[%get3A_479, %get3A_480, %get3A_481] {strides = array<i32>} : memref<2x80x128xf32, #tpu.memory_space<vmem>>, vector<1x1x16xf32>,
        %get3A_483 = vector.shape_cast %get3A_482 : vector<1x1x16xf32> to vector<16xf32>
        %add3A_484 = arith.addf %add3A_477, %get3A_483 : vector<16xf32>
        %swap3A_485 = arith.constant 0 : i32
        %swap3A_486 = arith.index_cast %swap3A_485 : i32 to index
        %swap3A_487 = arith.index_cast %scan3A_426 : i32 to index
        %swap3A_488 = arith.constant 32 : index
        %swap3A_489 = tpu.vector_load %arg11[%swap3A_486, %swap3A_487, %swap3A_488] {strides = array<i32>} : memref<2x80x128xf32, #tpu.memory_space<vmem>>, vector<1x1x16xf32>,
        %swap3A_490 = vector.shape_cast %swap3A_489 : vector<1x1x16xf32> to vector<16xf32>
        %swap3A_491 = vector.shape_cast %add3A_484 : vector<16xf32> to vector<1x1x16xf32>
        tpu.vector_store %arg11[%swap3A_486, %swap3A_487, %swap3A_488], %swap3A_491 {strides = array<i32>} : memref<2x80x128xf32, #tpu.memory_space<vmem>>, vector<1x1x16xf32>,
        %get3A_492 = arith.constant 0 : i32
        %get3A_493 = arith.index_cast %get3A_492 : i32 to index
        %get3A_494 = arith.index_cast %scan3A_426 : i32 to index
        %get3A_495 = arith.constant 48 : index
        %get3A_496 = tpu.vector_load %arg11[%get3A_493, %get3A_494, %get3A_495] {strides = array<i32>} : memref<2x80x128xf32, #tpu.memory_space<vmem>>, vector<1x1x16xf32>,
        %get3A_497 = vector.shape_cast %get3A_496 : vector<1x1x16xf32> to vector<16xf32>
        %mul3A_498 = arith.mulf %get3A_497, %get3A_51 : vector<16xf32>
        %add3A_499 = arith.addf %mul3A_498, %get3A_75 : vector<16xf32>
        %get3A_500 = arith.constant 0 : i32
        %get3A_501 = arith.index_cast %get3A_500 : i32 to index
        %get3A_502 = arith.index_cast %scan3A_426 : i32 to index
        %get3A_503 = arith.constant 48 : index
        %get3A_504 = tpu.vector_load %arg12[%get3A_501, %get3A_502, %get3A_503] {strides = array<i32>} : memref<2x80x128xf32, #tpu.memory_space<vmem>>, vector<1x1x16xf32>,
        %get3A_505 = vector.shape_cast %get3A_504 : vector<1x1x16xf32> to vector<16xf32>
        %add3A_506 = arith.addf %add3A_499, %get3A_505 : vector<16xf32>
        %swap3A_507 = arith.constant 0 : i32
        %swap3A_508 = arith.index_cast %swap3A_507 : i32 to index
        %swap3A_509 = arith.index_cast %scan3A_426 : i32 to index
        %swap3A_510 = arith.constant 48 : index
        %swap3A_511 = tpu.vector_load %arg11[%swap3A_508, %swap3A_509, %swap3A_510] {strides = array<i32>} : memref<2x80x128xf32, #tpu.memory_space<vmem>>, vector<1x1x16xf32>,
        %swap3A_512 = vector.shape_cast %swap3A_511 : vector<1x1x16xf32> to vector<16xf32>
        %swap3A_513 = vector.shape_cast %add3A_506 : vector<16xf32> to vector<1x1x16xf32>
        tpu.vector_store %arg11[%swap3A_508, %swap3A_509, %swap3A_510], %swap3A_513 {strides = array<i32>} : memref<2x80x128xf32, #tpu.memory_space<vmem>>, vector<1x1x16xf32>,
        %get3A_514 = arith.constant 0 : i32
        %get3A_515 = arith.index_cast %get3A_514 : i32 to index
        %get3A_516 = arith.index_cast %scan3A_426 : i32 to index
        %get3A_517 = arith.constant 64 : index
        %get3A_518 = tpu.vector_load %arg11[%get3A_515, %get3A_516, %get3A_517] {strides = array<i32>} : memref<2x80x128xf32, #tpu.memory_space<vmem>>, vector<1x1x16xf32>,
        %get3A_519 = vector.shape_cast %get3A_518 : vector<1x1x16xf32> to vector<16xf32>
        %mul3A_520 = arith.mulf %get3A_519, %get3A_54 : vector<16xf32>
        %add3A_521 = arith.addf %mul3A_520, %get3A_78 : vector<16xf32>
        %get3A_522 = arith.constant 0 : i32
        %get3A_523 = arith.index_cast %get3A_522 : i32 to index
        %get3A_524 = arith.index_cast %scan3A_426 : i32 to index
        %get3A_525 = arith.constant 64 : index
        %get3A_526 = tpu.vector_load %arg12[%get3A_523, %get3A_524, %get3A_525] {strides = array<i32>} : memref<2x80x128xf32, #tpu.memory_space<vmem>>, vector<1x1x16xf32>,
        %get3A_527 = vector.shape_cast %get3A_526 : vector<1x1x16xf32> to vector<16xf32>
        %add3A_528 = arith.addf %add3A_521, %get3A_527 : vector<16xf32>
        %swap3A_529 = arith.constant 0 : i32
        %swap3A_530 = arith.index_cast %swap3A_529 : i32 to index
        %swap3A_531 = arith.index_cast %scan3A_426 : i32 to index
        %swap3A_532 = arith.constant 64 : index
        %swap3A_533 = tpu.vector_load %arg11[%swap3A_530, %swap3A_531, %swap3A_532] {strides = array<i32>} : memref<2x80x128xf32, #tpu.memory_space<vmem>>, vector<1x1x16xf32>,
        %swap3A_534 = vector.shape_cast %swap3A_533 : vector<1x1x16xf32> to vector<16xf32>
        %swap3A_535 = vector.shape_cast %add3A_528 : vector<16xf32> to vector<1x1x16xf32>
        tpu.vector_store %arg11[%swap3A_530, %swap3A_531, %swap3A_532], %swap3A_535 {strides = array<i32>} : memref<2x80x128xf32, #tpu.memory_space<vmem>>, vector<1x1x16xf32>,
        %get3A_536 = arith.constant 0 : i32
        %get3A_537 = arith.index_cast %get3A_536 : i32 to index
        %get3A_538 = arith.index_cast %scan3A_426 : i32 to index
        %get3A_539 = arith.constant 80 : index
        %get3A_540 = tpu.vector_load %arg11[%get3A_537, %get3A_538, %get3A_539] {strides = array<i32>} : memref<2x80x128xf32, #tpu.memory_space<vmem>>, vector<1x1x16xf32>,
        %get3A_541 = vector.shape_cast %get3A_540 : vector<1x1x16xf32> to vector<16xf32>
        %mul3A_542 = arith.mulf %get3A_541, %get3A_57 : vector<16xf32>
        %add3A_543 = arith.addf %mul3A_542, %get3A_81 : vector<16xf32>
        %get3A_544 = arith.constant 0 : i32
        %get3A_545 = arith.index_cast %get3A_544 : i32 to index
        %get3A_546 = arith.index_cast %scan3A_426 : i32 to index
        %get3A_547 = arith.constant 80 : index
        %get3A_548 = tpu.vector_load %arg12[%get3A_545, %get3A_546, %get3A_547] {strides = array<i32>} : memref<2x80x128xf32, #tpu.memory_space<vmem>>, vector<1x1x16xf32>,
        %get3A_549 = vector.shape_cast %get3A_548 : vector<1x1x16xf32> to vector<16xf32>
        %add3A_550 = arith.addf %add3A_543, %get3A_549 : vector<16xf32>
        %swap3A_551 = arith.constant 0 : i32
        %swap3A_552 = arith.index_cast %swap3A_551 : i32 to index
        %swap3A_553 = arith.index_cast %scan3A_426 : i32 to index
        %swap3A_554 = arith.constant 80 : index
        %swap3A_555 = tpu.vector_load %arg11[%swap3A_552, %swap3A_553, %swap3A_554] {strides = array<i32>} : memref<2x80x128xf32, #tpu.memory_space<vmem>>, vector<1x1x16xf32>,
        %swap3A_556 = vector.shape_cast %swap3A_555 : vector<1x1x16xf32> to vector<16xf32>
        %swap3A_557 = vector.shape_cast %add3A_550 : vector<16xf32> to vector<1x1x16xf32>
        tpu.vector_store %arg11[%swap3A_552, %swap3A_553, %swap3A_554], %swap3A_557 {strides = array<i32>} : memref<2x80x128xf32, #tpu.memory_space<vmem>>, vector<1x1x16xf32>,
        %get3A_558 = arith.constant 0 : i32
        %get3A_559 = arith.index_cast %get3A_558 : i32 to index
        %get3A_560 = arith.index_cast %scan3A_426 : i32 to index
        %get3A_561 = arith.constant 96 : index
        %get3A_562 = tpu.vector_load %arg11[%get3A_559, %get3A_560, %get3A_561] {strides = array<i32>} : memref<2x80x128xf32, #tpu.memory_space<vmem>>, vector<1x1x16xf32>,
        %get3A_563 = vector.shape_cast %get3A_562 : vector<1x1x16xf32> to vector<16xf32>
        %mul3A_564 = arith.mulf %get3A_563, %get3A_60 : vector<16xf32>
        %add3A_565 = arith.addf %mul3A_564, %get3A_84 : vector<16xf32>
        %get3A_566 = arith.constant 0 : i32
        %get3A_567 = arith.index_cast %get3A_566 : i32 to index
        %get3A_568 = arith.index_cast %scan3A_426 : i32 to index
        %get3A_569 = arith.constant 96 : index
        %get3A_570 = tpu.vector_load %arg12[%get3A_567, %get3A_568, %get3A_569] {strides = array<i32>} : memref<2x80x128xf32, #tpu.memory_space<vmem>>, vector<1x1x16xf32>,
        %get3A_571 = vector.shape_cast %get3A_570 : vector<1x1x16xf32> to vector<16xf32>
        %add3A_572 = arith.addf %add3A_565, %get3A_571 : vector<16xf32>
        %swap3A_573 = arith.constant 0 : i32
        %swap3A_574 = arith.index_cast %swap3A_573 : i32 to index
        %swap3A_575 = arith.index_cast %scan3A_426 : i32 to index
        %swap3A_576 = arith.constant 96 : index
        %swap3A_577 = tpu.vector_load %arg11[%swap3A_574, %swap3A_575, %swap3A_576] {strides = array<i32>} : memref<2x80x128xf32, #tpu.memory_space<vmem>>, vector<1x1x16xf32>,
        %swap3A_578 = vector.shape_cast %swap3A_577 : vector<1x1x16xf32> to vector<16xf32>
        %swap3A_579 = vector.shape_cast %add3A_572 : vector<16xf32> to vector<1x1x16xf32>
        tpu.vector_store %arg11[%swap3A_574, %swap3A_575, %swap3A_576], %swap3A_579 {strides = array<i32>} : memref<2x80x128xf32, #tpu.memory_space<vmem>>, vector<1x1x16xf32>,
        %get3A_580 = arith.constant 0 : i32
        %get3A_581 = arith.index_cast %get3A_580 : i32 to index
        %get3A_582 = arith.index_cast %scan3A_426 : i32 to index
        %get3A_583 = arith.constant 112 : index
        %get3A_584 = tpu.vector_load %arg11[%get3A_581, %get3A_582, %get3A_583] {strides = array<i32>} : memref<2x80x128xf32, #tpu.memory_space<vmem>>, vector<1x1x16xf32>,
        %get3A_585 = vector.shape_cast %get3A_584 : vector<1x1x16xf32> to vector<16xf32>
        %mul3A_586 = arith.mulf %get3A_585, %get3A_63 : vector<16xf32>
        %add3A_587 = arith.addf %mul3A_586, %get3A_87 : vector<16xf32>
        %get3A_588 = arith.constant 0 : i32
        %get3A_589 = arith.index_cast %get3A_588 : i32 to index
        %get3A_590 = arith.index_cast %scan3A_426 : i32 to index
        %get3A_591 = arith.constant 112 : index
        %get3A_592 = tpu.vector_load %arg12[%get3A_589, %get3A_590, %get3A_591] {strides = array<i32>} : memref<2x80x128xf32, #tpu.memory_space<vmem>>, vector<1x1x16xf32>,
        %get3A_593 = vector.shape_cast %get3A_592 : vector<1x1x16xf32> to vector<16xf32>
        %add3A_594 = arith.addf %add3A_587, %get3A_593 : vector<16xf32>
        %swap3A_595 = arith.constant 0 : i32
        %swap3A_596 = arith.index_cast %swap3A_595 : i32 to index
        %swap3A_597 = arith.index_cast %scan3A_426 : i32 to index
        %swap3A_598 = arith.constant 112 : index
        %swap3A_599 = tpu.vector_load %arg11[%swap3A_596, %swap3A_597, %swap3A_598] {strides = array<i32>} : memref<2x80x128xf32, #tpu.memory_space<vmem>>, vector<1x1x16xf32>,
        %swap3A_600 = vector.shape_cast %swap3A_599 : vector<1x1x16xf32> to vector<16xf32>
        %swap3A_601 = vector.shape_cast %add3A_594 : vector<16xf32> to vector<1x1x16xf32>
        tpu.vector_store %arg11[%swap3A_596, %swap3A_597, %swap3A_598], %swap3A_601 {strides = array<i32>} : memref<2x80x128xf32, #tpu.memory_space<vmem>>, vector<1x1x16xf32>,
      }
      %scan3A_278 = arith.constant 80 : i32
      %mul3A_279 = arith.constant 32 : i32
      %mul3A_280 = arith.muli %mul3A_188, %mul3A_279 : i32
      %add3A_281 = arith.addi %add3A, %mul3A_280 : i32
      %mul3A_282 = arith.constant 80 : i32
      %mul3A_283 = arith.muli %add3A_281, %mul3A_282 : i32
      %dma_start3A_284 = arith.constant 0 : i32
      %dma_start3A_285 = arith.constant 0 : i32
      %dma_start3A_286 = arith.constant 0 : i32
      %dma_start3A_287 = tpu.memref_slice %arg11[%dma_start3A_284, %dma_start3A_285, %dma_start3A_286] : memref<2x80x128xf32, #tpu.memory_space<vmem>> -> memref<1x80x128xf32, #tpu.memory_space<vmem>>
      %dma_start3A_288 = tpu.memref_squeeze %dma_start3A_287 : memref<1x80x128xf32, #tpu.memory_space<vmem>> -> memref<80x128xf32, #tpu.memory_space<vmem>>
      %dma_start3A_289 = arith.constant 0 : i32
      %dma_start3A_290 = tpu.memref_slice %arg8[%mul3A_283, %dma_start3A_289] : memref<320000x128xf32, #tpu.memory_space<hbm>> -> memref<80x128xf32, #tpu.memory_space<hbm>>
      %dma_start3A_291 = arith.constant 0 : i32
      %dma_start3A_292 = tpu.memref_slice %arg8[%mul3A_283, %dma_start3A_291] : memref<320000x128xf32, #tpu.memory_space<hbm>> -> memref<80x128xf32, #tpu.memory_space<hbm>>
      %dma_start3A_293 = arith.constant 0 : i32
      %dma_start3A_294 = arith.constant 0 : i32
      %dma_start3A_295 = tpu.memref_slice %arg11[%dma_start3A_284, %dma_start3A_293, %dma_start3A_294] : memref<2x80x128xf32, #tpu.memory_space<vmem>> -> memref<1x80x128xf32, #tpu.memory_space<vmem>>
      %dma_start3A_296 = tpu.memref_squeeze %dma_start3A_295 : memref<1x80x128xf32, #tpu.memory_space<vmem>> -> memref<80x128xf32, #tpu.memory_space<vmem>>
      tpu.enqueue_dma source(%dma_start3A_296 : memref<80x128xf32, #tpu.memory_space<vmem>>) target(%dma_start3A_292 : memref<80x128xf32, #tpu.memory_space<hbm>>) target_semaphore(%arg18 : memref<!tpu.dma_semaphore, #tpu.memory_space<semaphore_mem>>)
      %run_scoped3A_297 = arith.constant 0 : i32
      %run_scoped3A_298 = arith.constant 0 : i32
      "tpu.region"() ({
        %run_scoped3A_426 = tpu.sem_alloc : memref<!tpu.dma_semaphore, #tpu.memory_space<semaphore_mem>>
        %dma_start3A_427 = arith.constant 0 : i32
        %dma_start3A_428 = arith.constant 0 : i32
        %dma_start3A_429 = tpu.memref_slice %arg11[%run_scoped3A_297, %dma_start3A_427, %dma_start3A_428] : memref<2x80x128xf32, #tpu.memory_space<vmem>> -> memref<1x80x128xf32, #tpu.memory_space<vmem>>
        %dma_start3A_430 = tpu.memref_squeeze %dma_start3A_429 : memref<1x80x128xf32, #tpu.memory_space<vmem>> -> memref<80x128xf32, #tpu.memory_space<vmem>>
        %dma_start3A_431 = arith.constant 0 : i32
        %dma_start3A_432 = tpu.memref_slice %arg10[%run_scoped3A_298, %dma_start3A_431] : memref<2x80xi32, #tpu.memory_space<vmem>> -> memref<1x80xi32, #tpu.memory_space<vmem>>
        %dma_start3A_433 = tpu.memref_squeeze %dma_start3A_432 : memref<1x80xi32, #tpu.memory_space<vmem>> -> memref<80xi32, #tpu.memory_space<vmem>>
        %dma_start3A_434 = arith.constant 0 : i32
        %dma_start3A_435 = arith.constant 0 : i32
        %dma_start3A_436 = tpu.memref_slice %arg15[%dma_start3A_434, %dma_start3A_435] : memref<10240x128xf32, #tpu.memory_space<vmem_shared>> -> memref<10240x128xf32, #tpu.memory_space<vmem_shared>>
        tpu.enqueue_indirect_dma source(%dma_start3A_430 : memref<80x128xf32, #tpu.memory_space<vmem>>) target(%dma_start3A_436 : memref<10240x128xf32, #tpu.memory_space<vmem_shared>>) offsets(%dma_start3A_433 : memref<80xi32, #tpu.memory_space<vmem>>) semaphore(%run_scoped3A_426 : memref<!tpu.dma_semaphore, #tpu.memory_space<semaphore_mem>>) {add = true}
        %dma_wait3A_437 = arith.constant 0 : i32
        %dma_wait3A_438 = arith.constant 0 : i32
        %dma_wait3A_439 = tpu.memref_slice %arg11[%run_scoped3A_297, %dma_wait3A_437, %dma_wait3A_438] : memref<2x80x128xf32, #tpu.memory_space<vmem>> -> memref<1x80x128xf32, #tpu.memory_space<vmem>>
        %dma_wait3A_440 = tpu.memref_squeeze %dma_wait3A_439 : memref<1x80x128xf32, #tpu.memory_space<vmem>> -> memref<80x128xf32, #tpu.memory_space<vmem>>
        %dma_wait3A_441 = arith.constant 0 : i32
        %dma_wait3A_442 = tpu.memref_slice %arg10[%run_scoped3A_298, %dma_wait3A_441] : memref<2x80xi32, #tpu.memory_space<vmem>> -> memref<1x80xi32, #tpu.memory_space<vmem>>
        %dma_wait3A_443 = tpu.memref_squeeze %dma_wait3A_442 : memref<1x80xi32, #tpu.memory_space<vmem>> -> memref<80xi32, #tpu.memory_space<vmem>>
        %dma_wait3A_444 = arith.constant 0 : i32
        %dma_wait3A_445 = arith.constant 0 : i32
        %dma_wait3A_446 = tpu.memref_slice %arg15[%dma_wait3A_444, %dma_wait3A_445] : memref<10240x128xf32, #tpu.memory_space<vmem_shared>> -> memref<10240x128xf32, #tpu.memory_space<vmem_shared>>
        tpu.wait_indirect_dma semaphore(%run_scoped3A_426 : memref<!tpu.dma_semaphore, #tpu.memory_space<semaphore_mem>>) src(%dma_wait3A_440 : memref<80x128xf32, #tpu.memory_space<vmem>>) dst(%dma_wait3A_446 : memref<10240x128xf32, #tpu.memory_space<vmem_shared>>)
        tpu.yield
      }) : () -> ()
      %dma_wait3A_299 = arith.constant 0 : i32
      %dma_wait3A_300 = arith.constant 0 : i32
      %dma_wait3A_301 = arith.constant 0 : i32
      %dma_wait3A_302 = tpu.memref_slice %arg11[%dma_wait3A_299, %dma_wait3A_300, %dma_wait3A_301] : memref<2x80x128xf32, #tpu.memory_space<vmem>> -> memref<1x80x128xf32, #tpu.memory_space<vmem>>
      %dma_wait3A_303 = tpu.memref_squeeze %dma_wait3A_302 : memref<1x80x128xf32, #tpu.memory_space<vmem>> -> memref<80x128xf32, #tpu.memory_space<vmem>>
      %dma_wait3A_304 = arith.constant 0 : i32
      %dma_wait3A_305 = arith.constant 0 : i32
      %dma_wait3A_306 = tpu.memref_slice %arg8[%dma_wait3A_304, %dma_wait3A_305] : memref<320000x128xf32, #tpu.memory_space<hbm>> -> memref<80x128xf32, #tpu.memory_space<hbm>>
      %dma_wait3A_307 = arith.constant 0 : i32
      %dma_wait3A_308 = arith.constant 0 : i32
      %dma_wait3A_309 = tpu.memref_slice %arg8[%dma_wait3A_307, %dma_wait3A_308] : memref<320000x128xf32, #tpu.memory_space<hbm>> -> memref<80x128xf32, #tpu.memory_space<hbm>>
      %dma_wait3A_310 = arith.constant 0 : i32
      %dma_wait3A_311 = arith.constant 0 : i32
      %dma_wait3A_312 = tpu.memref_slice %arg11[%dma_wait3A_299, %dma_wait3A_310, %dma_wait3A_311] : memref<2x80x128xf32, #tpu.memory_space<vmem>> -> memref<1x80x128xf32, #tpu.memory_space<vmem>>
      %dma_wait3A_313 = tpu.memref_squeeze %dma_wait3A_312 : memref<1x80x128xf32, #tpu.memory_space<vmem>> -> memref<80x128xf32, #tpu.memory_space<vmem>>
      tpu.wait_dma2 semaphore(%arg18 : memref<!tpu.dma_semaphore, #tpu.memory_space<semaphore_mem>>) src(%dma_wait3A_313 : memref<80x128xf32, #tpu.memory_space<vmem>>) dst(%dma_wait3A_309 : memref<80x128xf32, #tpu.memory_space<hbm>>)
      %add3A_314 = arith.constant 2 : i32
      %add3A_315 = arith.addi %mul3A_188, %add3A_314 : i32
      %mul3A_316 = arith.constant 32 : i32
      %mul3A_317 = arith.muli %add3A_315, %mul3A_316 : i32
      %add3A_318 = arith.addi %add3A, %mul3A_317 : i32
      %mul3A_319 = arith.constant 80 : i32
      %mul3A_320 = arith.muli %add3A_318, %mul3A_319 : i32
      %dma_start3A_321 = arith.constant 0 : i32
      %dma_start3A_322 = arith.constant 0 : i32
      %dma_start3A_323 = tpu.memref_slice %arg10[%dma_start3A_321, %dma_start3A_322] : memref<2x80xi32, #tpu.memory_space<vmem>> -> memref<1x80xi32, #tpu.memory_space<vmem>>
      %dma_start3A_324 = tpu.memref_squeeze %dma_start3A_323 : memref<1x80xi32, #tpu.memory_space<vmem>> -> memref<80xi32, #tpu.memory_space<vmem>>
      %dma_start3A_325 = tpu.memref_slice %arg2[%mul3A_320] : memref<320000xi32, #tpu.memory_space<hbm>> -> memref<80xi32, #tpu.memory_space<hbm>>
      %dma_start3A_326 = arith.constant 0 : i32
      %dma_start3A_327 = tpu.memref_slice %arg10[%dma_start3A_321, %dma_start3A_326] : memref<2x80xi32, #tpu.memory_space<vmem>> -> memref<1x80xi32, #tpu.memory_space<vmem>>
      %dma_start3A_328 = tpu.memref_squeeze %dma_start3A_327 : memref<1x80xi32, #tpu.memory_space<vmem>> -> memref<80xi32, #tpu.memory_space<vmem>>
      %dma_start3A_329 = tpu.memref_slice %arg2[%mul3A_320] : memref<320000xi32, #tpu.memory_space<hbm>> -> memref<80xi32, #tpu.memory_space<hbm>>
      tpu.enqueue_dma source(%dma_start3A_329 : memref<80xi32, #tpu.memory_space<hbm>>) target(%dma_start3A_328 : memref<80xi32, #tpu.memory_space<vmem>>) target_semaphore(%arg16 : memref<!tpu.dma_semaphore, #tpu.memory_space<semaphore_mem>>)
      %dma_start3A_330 = arith.constant 0 : i32
      %dma_start3A_331 = arith.constant 0 : i32
      %dma_start3A_332 = arith.constant 0 : i32
      %dma_start3A_333 = tpu.memref_slice %arg11[%dma_start3A_330, %dma_start3A_331, %dma_start3A_332] : memref<2x80x128xf32, #tpu.memory_space<vmem>> -> memref<1x80x128xf32, #tpu.memory_space<vmem>>
      %dma_start3A_334 = tpu.memref_squeeze %dma_start3A_333 : memref<1x80x128xf32, #tpu.memory_space<vmem>> -> memref<80x128xf32, #tpu.memory_space<vmem>>
      %dma_start3A_335 = arith.constant 0 : i32
      %dma_start3A_336 = tpu.memref_slice %arg3[%mul3A_320, %dma_start3A_335] : memref<320000x128xf32, #tpu.memory_space<hbm>> -> memref<80x128xf32, #tpu.memory_space<hbm>>
      %dma_start3A_337 = arith.constant 0 : i32
      %dma_start3A_338 = arith.constant 0 : i32
      %dma_start3A_339 = tpu.memref_slice %arg11[%dma_start3A_330, %dma_start3A_337, %dma_start3A_338] : memref<2x80x128xf32, #tpu.memory_space<vmem>> -> memref<1x80x128xf32, #tpu.memory_space<vmem>>
      %dma_start3A_340 = tpu.memref_squeeze %dma_start3A_339 : memref<1x80x128xf32, #tpu.memory_space<vmem>> -> memref<80x128xf32, #tpu.memory_space<vmem>>
      %dma_start3A_341 = arith.constant 0 : i32
      %dma_start3A_342 = tpu.memref_slice %arg3[%mul3A_320, %dma_start3A_341] : memref<320000x128xf32, #tpu.memory_space<hbm>> -> memref<80x128xf32, #tpu.memory_space<hbm>>
      tpu.enqueue_dma source(%dma_start3A_342 : memref<80x128xf32, #tpu.memory_space<hbm>>) target(%dma_start3A_340 : memref<80x128xf32, #tpu.memory_space<vmem>>) target_semaphore(%arg16 : memref<!tpu.dma_semaphore, #tpu.memory_space<semaphore_mem>>)
      %dma_start3A_343 = arith.constant 0 : i32
      %dma_start3A_344 = arith.constant 0 : i32
      %dma_start3A_345 = arith.constant 0 : i32
      %dma_start3A_346 = tpu.memref_slice %arg12[%dma_start3A_343, %dma_start3A_344, %dma_start3A_345] : memref<2x80x128xf32, #tpu.memory_space<vmem>> -> memref<1x80x128xf32, #tpu.memory_space<vmem>>
      %dma_start3A_347 = tpu.memref_squeeze %dma_start3A_346 : memref<1x80x128xf32, #tpu.memory_space<vmem>> -> memref<80x128xf32, #tpu.memory_space<vmem>>
      %dma_start3A_348 = arith.constant 0 : i32
      %dma_start3A_349 = tpu.memref_slice %arg4[%mul3A_320, %dma_start3A_348] : memref<320000x128xf32, #tpu.memory_space<hbm>> -> memref<80x128xf32, #tpu.memory_space<hbm>>
      %dma_start3A_350 = arith.constant 0 : i32
      %dma_start3A_351 = arith.constant 0 : i32
      %dma_start3A_352 = tpu.memref_slice %arg12[%dma_start3A_343, %dma_start3A_350, %dma_start3A_351] : memref<2x80x128xf32, #tpu.memory_space<vmem>> -> memref<1x80x128xf32, #tpu.memory_space<vmem>>
      %dma_start3A_353 = tpu.memref_squeeze %dma_start3A_352 : memref<1x80x128xf32, #tpu.memory_space<vmem>> -> memref<80x128xf32, #tpu.memory_space<vmem>>
      %dma_start3A_354 = arith.constant 0 : i32
      %dma_start3A_355 = tpu.memref_slice %arg4[%mul3A_320, %dma_start3A_354] : memref<320000x128xf32, #tpu.memory_space<hbm>> -> memref<80x128xf32, #tpu.memory_space<hbm>>
      tpu.enqueue_dma source(%dma_start3A_355 : memref<80x128xf32, #tpu.memory_space<hbm>>) target(%dma_start3A_353 : memref<80x128xf32, #tpu.memory_space<vmem>>) target_semaphore(%arg16 : memref<!tpu.dma_semaphore, #tpu.memory_space<semaphore_mem>>)
      %add3A_356 = arith.constant 1 : i32
      %add3A_357 = arith.addi %mul3A_188, %add3A_356 : i32
      %mul3A_358 = arith.constant 32 : i32
      %mul3A_359 = arith.muli %add3A_357, %mul3A_358 : i32
      %add3A_360 = arith.addi %add3A, %mul3A_359 : i32
      %mul3A_361 = arith.constant 80 : i32
      %mul3A_362 = arith.muli %add3A_360, %mul3A_361 : i32
      %dma_wait3A_363 = arith.constant 1 : i32
      %dma_wait3A_364 = arith.constant 0 : i32
      %dma_wait3A_365 = tpu.memref_slice %arg10[%dma_wait3A_363, %dma_wait3A_364] : memref<2x80xi32, #tpu.memory_space<vmem>> -> memref<1x80xi32, #tpu.memory_space<vmem>>
      %dma_wait3A_366 = tpu.memref_squeeze %dma_wait3A_365 : memref<1x80xi32, #tpu.memory_space<vmem>> -> memref<80xi32, #tpu.memory_space<vmem>>
      %dma_wait3A_367 = tpu.memref_slice %arg2[%mul3A_362] : memref<320000xi32, #tpu.memory_space<hbm>> -> memref<80xi32, #tpu.memory_space<hbm>>
      %dma_wait3A_368 = arith.constant 0 : i32
      %dma_wait3A_369 = tpu.memref_slice %arg10[%dma_wait3A_363, %dma_wait3A_368] : memref<2x80xi32, #tpu.memory_space<vmem>> -> memref<1x80xi32, #tpu.memory_space<vmem>>
      %dma_wait3A_370 = tpu.memref_squeeze %dma_wait3A_369 : memref<1x80xi32, #tpu.memory_space<vmem>> -> memref<80xi32, #tpu.memory_space<vmem>>
      %dma_wait3A_371 = tpu.memref_slice %arg2[%mul3A_362] : memref<320000xi32, #tpu.memory_space<hbm>> -> memref<80xi32, #tpu.memory_space<hbm>>
      tpu.wait_dma2 semaphore(%arg17 : memref<!tpu.dma_semaphore, #tpu.memory_space<semaphore_mem>>) src(%dma_wait3A_371 : memref<80xi32, #tpu.memory_space<hbm>>) dst(%dma_wait3A_370 : memref<80xi32, #tpu.memory_space<vmem>>)
      %dma_wait3A_372 = arith.constant 1 : i32
      %dma_wait3A_373 = arith.constant 0 : i32
      %dma_wait3A_374 = arith.constant 0 : i32
      %dma_wait3A_375 = tpu.memref_slice %arg11[%dma_wait3A_372, %dma_wait3A_373, %dma_wait3A_374] : memref<2x80x128xf32, #tpu.memory_space<vmem>> -> memref<1x80x128xf32, #tpu.memory_space<vmem>>
      %dma_wait3A_376 = tpu.memref_squeeze %dma_wait3A_375 : memref<1x80x128xf32, #tpu.memory_space<vmem>> -> memref<80x128xf32, #tpu.memory_space<vmem>>
      %dma_wait3A_377 = arith.constant 0 : i32
      %dma_wait3A_378 = tpu.memref_slice %arg3[%mul3A_362, %dma_wait3A_377] : memref<320000x128xf32, #tpu.memory_space<hbm>> -> memref<80x128xf32, #tpu.memory_space<hbm>>
      %dma_wait3A_379 = arith.constant 0 : i32
      %dma_wait3A_380 = arith.constant 0 : i32
      %dma_wait3A_381 = tpu.memref_slice %arg11[%dma_wait3A_372, %dma_wait3A_379, %dma_wait3A_380] : memref<2x80x128xf32, #tpu.memory_space<vmem>> -> memref<1x80x128xf32, #tpu.memory_space<vmem>>
      %dma_wait3A_382 = tpu.memref_squeeze %dma_wait3A_381 : memref<1x80x128xf32, #tpu.memory_space<vmem>> -> memref<80x128xf32, #tpu.memory_space<vmem>>
      %dma_wait3A_383 = arith.constant 0 : i32
      %dma_wait3A_384 = tpu.memref_slice %arg3[%mul3A_362, %dma_wait3A_383] : memref<320000x128xf32, #tpu.memory_space<hbm>> -> memref<80x128xf32, #tpu.memory_space<hbm>>
      tpu.wait_dma2 semaphore(%arg17 : memref<!tpu.dma_semaphore, #tpu.memory_space<semaphore_mem>>) src(%dma_wait3A_384 : memref<80x128xf32, #tpu.memory_space<hbm>>) dst(%dma_wait3A_382 : memref<80x128xf32, #tpu.memory_space<vmem>>)
      %dma_wait3A_385 = arith.constant 1 : i32
      %dma_wait3A_386 = arith.constant 0 : i32
      %dma_wait3A_387 = arith.constant 0 : i32
      %dma_wait3A_388 = tpu.memref_slice %arg12[%dma_wait3A_385, %dma_wait3A_386, %dma_wait3A_387] : memref<2x80x128xf32, #tpu.memory_space<vmem>> -> memref<1x80x128xf32, #tpu.memory_space<vmem>>
      %dma_wait3A_389 = tpu.memref_squeeze %dma_wait3A_388 : memref<1x80x128xf32, #tpu.memory_space<vmem>> -> memref<80x128xf32, #tpu.memory_space<vmem>>
      %dma_wait3A_390 = arith.constant 0 : i32
      %dma_wait3A_391 = tpu.memref_slice %arg4[%mul3A_362, %dma_wait3A_390] : memref<320000x128xf32, #tpu.memory_space<hbm>> -> memref<80x128xf32, #tpu.memory_space<hbm>>
      %dma_wait3A_392 = arith.constant 0 : i32
      %dma_wait3A_393 = arith.constant 0 : i32
      %dma_wait3A_394 = tpu.memref_slice %arg12[%dma_wait3A_385, %dma_wait3A_392, %dma_wait3A_393] : memref<2x80x128xf32, #tpu.memory_space<vmem>> -> memref<1x80x128xf32, #tpu.memory_space<vmem>>
      %dma_wait3A_395 = tpu.memref_squeeze %dma_wait3A_394 : memref<1x80x128xf32, #tpu.memory_space<vmem>> -> memref<80x128xf32, #tpu.memory_space<vmem>>
      %dma_wait3A_396 = arith.constant 0 : i32
      %dma_wait3A_397 = tpu.memref_slice %arg4[%mul3A_362, %dma_wait3A_396] : memref<320000x128xf32, #tpu.memory_space<hbm>> -> memref<80x128xf32, #tpu.memory_space<hbm>>
      tpu.wait_dma2 semaphore(%arg17 : memref<!tpu.dma_semaphore, #tpu.memory_space<semaphore_mem>>) src(%dma_wait3A_397 : memref<80x128xf32, #tpu.memory_space<hbm>>) dst(%dma_wait3A_395 : memref<80x128xf32, #tpu.memory_space<vmem>>)
      %add3A_398 = arith.constant 1 : i32
      %add3A_399 = arith.addi %mul3A_188, %add3A_398 : i32
      %scan3A_400 = arith.constant 0 : i32
      %scan3A_401 = arith.constant 0 : i32
      %scan3A_402 = arith.constant 80 : i32
      %scan3A_403 = arith.addi %scan3A_401, %scan3A_402 : i32
      %scan3A_404 = arith.constant 1 : i32
      scf.for %scan3A_426 = %scan3A_401 to %scan3A_403 step %scan3A_404  : i32 {
        %get3A_427 = arith.constant 1 : i32
        %get3A_428 = arith.index_cast %get3A_427 : i32 to index
        %get3A_429 = arith.index_cast %scan3A_426 : i32 to index
        %get3A_430 = arith.constant 0 : index
        %get3A_431 = tpu.vector_load %arg11[%get3A_428, %get3A_429, %get3A_430] {strides = array<i32>} : memref<2x80x128xf32, #tpu.memory_space<vmem>>, vector<1x1x16xf32>,
        %get3A_432 = vector.shape_cast %get3A_431 : vector<1x1x16xf32> to vector<16xf32>
        %mul3A_433 = arith.mulf %get3A_432, %get3A_42 : vector<16xf32>
        %add3A_434 = arith.addf %mul3A_433, %get3A_66 : vector<16xf32>
        %get3A_435 = arith.constant 1 : i32
        %get3A_436 = arith.index_cast %get3A_435 : i32 to index
        %get3A_437 = arith.index_cast %scan3A_426 : i32 to index
        %get3A_438 = arith.constant 0 : index
        %get3A_439 = tpu.vector_load %arg12[%get3A_436, %get3A_437, %get3A_438] {strides = array<i32>} : memref<2x80x128xf32, #tpu.memory_space<vmem>>, vector<1x1x16xf32>,
        %get3A_440 = vector.shape_cast %get3A_439 : vector<1x1x16xf32> to vector<16xf32>
        %add3A_441 = arith.addf %add3A_434, %get3A_440 : vector<16xf32>
        %swap3A = arith.constant 1 : i32
        %swap3A_442 = arith.index_cast %swap3A : i32 to index
        %swap3A_443 = arith.index_cast %scan3A_426 : i32 to index
        %swap3A_444 = arith.constant 0 : index
        %swap3A_445 = tpu.vector_load %arg11[%swap3A_442, %swap3A_443, %swap3A_444] {strides = array<i32>} : memref<2x80x128xf32, #tpu.memory_space<vmem>>, vector<1x1x16xf32>,
        %swap3A_446 = vector.shape_cast %swap3A_445 : vector<1x1x16xf32> to vector<16xf32>
        %swap3A_447 = vector.shape_cast %add3A_441 : vector<16xf32> to vector<1x1x16xf32>
        tpu.vector_store %arg11[%swap3A_442, %swap3A_443, %swap3A_444], %swap3A_447 {strides = array<i32>} : memref<2x80x128xf32, #tpu.memory_space<vmem>>, vector<1x1x16xf32>,
        %get3A_448 = arith.constant 1 : i32
        %get3A_449 = arith.index_cast %get3A_448 : i32 to index
        %get3A_450 = arith.index_cast %scan3A_426 : i32 to index
        %get3A_451 = arith.constant 16 : index
        %get3A_452 = tpu.vector_load %arg11[%get3A_449, %get3A_450, %get3A_451] {strides = array<i32>} : memref<2x80x128xf32, #tpu.memory_space<vmem>>, vector<1x1x16xf32>,
        %get3A_453 = vector.shape_cast %get3A_452 : vector<1x1x16xf32> to vector<16xf32>
        %mul3A_454 = arith.mulf %get3A_453, %get3A_45 : vector<16xf32>
        %add3A_455 = arith.addf %mul3A_454, %get3A_69 : vector<16xf32>
        %get3A_456 = arith.constant 1 : i32
        %get3A_457 = arith.index_cast %get3A_456 : i32 to index
        %get3A_458 = arith.index_cast %scan3A_426 : i32 to index
        %get3A_459 = arith.constant 16 : index
        %get3A_460 = tpu.vector_load %arg12[%get3A_457, %get3A_458, %get3A_459] {strides = array<i32>} : memref<2x80x128xf32, #tpu.memory_space<vmem>>, vector<1x1x16xf32>,
        %get3A_461 = vector.shape_cast %get3A_460 : vector<1x1x16xf32> to vector<16xf32>
        %add3A_462 = arith.addf %add3A_455, %get3A_461 : vector<16xf32>
        %swap3A_463 = arith.constant 1 : i32
        %swap3A_464 = arith.index_cast %swap3A_463 : i32 to index
        %swap3A_465 = arith.index_cast %scan3A_426 : i32 to index
        %swap3A_466 = arith.constant 16 : index
        %swap3A_467 = tpu.vector_load %arg11[%swap3A_464, %swap3A_465, %swap3A_466] {strides = array<i32>} : memref<2x80x128xf32, #tpu.memory_space<vmem>>, vector<1x1x16xf32>,
        %swap3A_468 = vector.shape_cast %swap3A_467 : vector<1x1x16xf32> to vector<16xf32>
        %swap3A_469 = vector.shape_cast %add3A_462 : vector<16xf32> to vector<1x1x16xf32>
        tpu.vector_store %arg11[%swap3A_464, %swap3A_465, %swap3A_466], %swap3A_469 {strides = array<i32>} : memref<2x80x128xf32, #tpu.memory_space<vmem>>, vector<1x1x16xf32>,
        %get3A_470 = arith.constant 1 : i32
        %get3A_471 = arith.index_cast %get3A_470 : i32 to index
        %get3A_472 = arith.index_cast %scan3A_426 : i32 to index
        %get3A_473 = arith.constant 32 : index
        %get3A_474 = tpu.vector_load %arg11[%get3A_471, %get3A_472, %get3A_473] {strides = array<i32>} : memref<2x80x128xf32, #tpu.memory_space<vmem>>, vector<1x1x16xf32>,
        %get3A_475 = vector.shape_cast %get3A_474 : vector<1x1x16xf32> to vector<16xf32>
        %mul3A_476 = arith.mulf %get3A_475, %get3A_48 : vector<16xf32>
        %add3A_477 = arith.addf %mul3A_476, %get3A_72 : vector<16xf32>
        %get3A_478 = arith.constant 1 : i32
        %get3A_479 = arith.index_cast %get3A_478 : i32 to index
        %get3A_480 = arith.index_cast %scan3A_426 : i32 to index
        %get3A_481 = arith.constant 32 : index
        %get3A_482 = tpu.vector_load %arg12[%get3A_479, %get3A_480, %get3A_481] {strides = array<i32>} : memref<2x80x128xf32, #tpu.memory_space<vmem>>, vector<1x1x16xf32>,
        %get3A_483 = vector.shape_cast %get3A_482 : vector<1x1x16xf32> to vector<16xf32>
        %add3A_484 = arith.addf %add3A_477, %get3A_483 : vector<16xf32>
        %swap3A_485 = arith.constant 1 : i32
        %swap3A_486 = arith.index_cast %swap3A_485 : i32 to index
        %swap3A_487 = arith.index_cast %scan3A_426 : i32 to index
        %swap3A_488 = arith.constant 32 : index
        %swap3A_489 = tpu.vector_load %arg11[%swap3A_486, %swap3A_487, %swap3A_488] {strides = array<i32>} : memref<2x80x128xf32, #tpu.memory_space<vmem>>, vector<1x1x16xf32>,
        %swap3A_490 = vector.shape_cast %swap3A_489 : vector<1x1x16xf32> to vector<16xf32>
        %swap3A_491 = vector.shape_cast %add3A_484 : vector<16xf32> to vector<1x1x16xf32>
        tpu.vector_store %arg11[%swap3A_486, %swap3A_487, %swap3A_488], %swap3A_491 {strides = array<i32>} : memref<2x80x128xf32, #tpu.memory_space<vmem>>, vector<1x1x16xf32>,
        %get3A_492 = arith.constant 1 : i32
        %get3A_493 = arith.index_cast %get3A_492 : i32 to index
        %get3A_494 = arith.index_cast %scan3A_426 : i32 to index
        %get3A_495 = arith.constant 48 : index
        %get3A_496 = tpu.vector_load %arg11[%get3A_493, %get3A_494, %get3A_495] {strides = array<i32>} : memref<2x80x128xf32, #tpu.memory_space<vmem>>, vector<1x1x16xf32>,
        %get3A_497 = vector.shape_cast %get3A_496 : vector<1x1x16xf32> to vector<16xf32>
        %mul3A_498 = arith.mulf %get3A_497, %get3A_51 : vector<16xf32>
        %add3A_499 = arith.addf %mul3A_498, %get3A_75 : vector<16xf32>
        %get3A_500 = arith.constant 1 : i32
        %get3A_501 = arith.index_cast %get3A_500 : i32 to index
        %get3A_502 = arith.index_cast %scan3A_426 : i32 to index
        %get3A_503 = arith.constant 48 : index
        %get3A_504 = tpu.vector_load %arg12[%get3A_501, %get3A_502, %get3A_503] {strides = array<i32>} : memref<2x80x128xf32, #tpu.memory_space<vmem>>, vector<1x1x16xf32>,
        %get3A_505 = vector.shape_cast %get3A_504 : vector<1x1x16xf32> to vector<16xf32>
        %add3A_506 = arith.addf %add3A_499, %get3A_505 : vector<16xf32>
        %swap3A_507 = arith.constant 1 : i32
        %swap3A_508 = arith.index_cast %swap3A_507 : i32 to index
        %swap3A_509 = arith.index_cast %scan3A_426 : i32 to index
        %swap3A_510 = arith.constant 48 : index
        %swap3A_511 = tpu.vector_load %arg11[%swap3A_508, %swap3A_509, %swap3A_510] {strides = array<i32>} : memref<2x80x128xf32, #tpu.memory_space<vmem>>, vector<1x1x16xf32>,
        %swap3A_512 = vector.shape_cast %swap3A_511 : vector<1x1x16xf32> to vector<16xf32>
        %swap3A_513 = vector.shape_cast %add3A_506 : vector<16xf32> to vector<1x1x16xf32>
        tpu.vector_store %arg11[%swap3A_508, %swap3A_509, %swap3A_510], %swap3A_513 {strides = array<i32>} : memref<2x80x128xf32, #tpu.memory_space<vmem>>, vector<1x1x16xf32>,
        %get3A_514 = arith.constant 1 : i32
        %get3A_515 = arith.index_cast %get3A_514 : i32 to index
        %get3A_516 = arith.index_cast %scan3A_426 : i32 to index
        %get3A_517 = arith.constant 64 : index
        %get3A_518 = tpu.vector_load %arg11[%get3A_515, %get3A_516, %get3A_517] {strides = array<i32>} : memref<2x80x128xf32, #tpu.memory_space<vmem>>, vector<1x1x16xf32>,
        %get3A_519 = vector.shape_cast %get3A_518 : vector<1x1x16xf32> to vector<16xf32>
        %mul3A_520 = arith.mulf %get3A_519, %get3A_54 : vector<16xf32>
        %add3A_521 = arith.addf %mul3A_520, %get3A_78 : vector<16xf32>
        %get3A_522 = arith.constant 1 : i32
        %get3A_523 = arith.index_cast %get3A_522 : i32 to index
        %get3A_524 = arith.index_cast %scan3A_426 : i32 to index
        %get3A_525 = arith.constant 64 : index
        %get3A_526 = tpu.vector_load %arg12[%get3A_523, %get3A_524, %get3A_525] {strides = array<i32>} : memref<2x80x128xf32, #tpu.memory_space<vmem>>, vector<1x1x16xf32>,
        %get3A_527 = vector.shape_cast %get3A_526 : vector<1x1x16xf32> to vector<16xf32>
        %add3A_528 = arith.addf %add3A_521, %get3A_527 : vector<16xf32>
        %swap3A_529 = arith.constant 1 : i32
        %swap3A_530 = arith.index_cast %swap3A_529 : i32 to index
        %swap3A_531 = arith.index_cast %scan3A_426 : i32 to index
        %swap3A_532 = arith.constant 64 : index
        %swap3A_533 = tpu.vector_load %arg11[%swap3A_530, %swap3A_531, %swap3A_532] {strides = array<i32>} : memref<2x80x128xf32, #tpu.memory_space<vmem>>, vector<1x1x16xf32>,
        %swap3A_534 = vector.shape_cast %swap3A_533 : vector<1x1x16xf32> to vector<16xf32>
        %swap3A_535 = vector.shape_cast %add3A_528 : vector<16xf32> to vector<1x1x16xf32>
        tpu.vector_store %arg11[%swap3A_530, %swap3A_531, %swap3A_532], %swap3A_535 {strides = array<i32>} : memref<2x80x128xf32, #tpu.memory_space<vmem>>, vector<1x1x16xf32>,
        %get3A_536 = arith.constant 1 : i32
        %get3A_537 = arith.index_cast %get3A_536 : i32 to index
        %get3A_538 = arith.index_cast %scan3A_426 : i32 to index
        %get3A_539 = arith.constant 80 : index
        %get3A_540 = tpu.vector_load %arg11[%get3A_537, %get3A_538, %get3A_539] {strides = array<i32>} : memref<2x80x128xf32, #tpu.memory_space<vmem>>, vector<1x1x16xf32>,
        %get3A_541 = vector.shape_cast %get3A_540 : vector<1x1x16xf32> to vector<16xf32>
        %mul3A_542 = arith.mulf %get3A_541, %get3A_57 : vector<16xf32>
        %add3A_543 = arith.addf %mul3A_542, %get3A_81 : vector<16xf32>
        %get3A_544 = arith.constant 1 : i32
        %get3A_545 = arith.index_cast %get3A_544 : i32 to index
        %get3A_546 = arith.index_cast %scan3A_426 : i32 to index
        %get3A_547 = arith.constant 80 : index
        %get3A_548 = tpu.vector_load %arg12[%get3A_545, %get3A_546, %get3A_547] {strides = array<i32>} : memref<2x80x128xf32, #tpu.memory_space<vmem>>, vector<1x1x16xf32>,
        %get3A_549 = vector.shape_cast %get3A_548 : vector<1x1x16xf32> to vector<16xf32>
        %add3A_550 = arith.addf %add3A_543, %get3A_549 : vector<16xf32>
        %swap3A_551 = arith.constant 1 : i32
        %swap3A_552 = arith.index_cast %swap3A_551 : i32 to index
        %swap3A_553 = arith.index_cast %scan3A_426 : i32 to index
        %swap3A_554 = arith.constant 80 : index
        %swap3A_555 = tpu.vector_load %arg11[%swap3A_552, %swap3A_553, %swap3A_554] {strides = array<i32>} : memref<2x80x128xf32, #tpu.memory_space<vmem>>, vector<1x1x16xf32>,
        %swap3A_556 = vector.shape_cast %swap3A_555 : vector<1x1x16xf32> to vector<16xf32>
        %swap3A_557 = vector.shape_cast %add3A_550 : vector<16xf32> to vector<1x1x16xf32>
        tpu.vector_store %arg11[%swap3A_552, %swap3A_553, %swap3A_554], %swap3A_557 {strides = array<i32>} : memref<2x80x128xf32, #tpu.memory_space<vmem>>, vector<1x1x16xf32>,
        %get3A_558 = arith.constant 1 : i32
        %get3A_559 = arith.index_cast %get3A_558 : i32 to index
        %get3A_560 = arith.index_cast %scan3A_426 : i32 to index
        %get3A_561 = arith.constant 96 : index
        %get3A_562 = tpu.vector_load %arg11[%get3A_559, %get3A_560, %get3A_561] {strides = array<i32>} : memref<2x80x128xf32, #tpu.memory_space<vmem>>, vector<1x1x16xf32>,
        %get3A_563 = vector.shape_cast %get3A_562 : vector<1x1x16xf32> to vector<16xf32>
        %mul3A_564 = arith.mulf %get3A_563, %get3A_60 : vector<16xf32>
        %add3A_565 = arith.addf %mul3A_564, %get3A_84 : vector<16xf32>
        %get3A_566 = arith.constant 1 : i32
        %get3A_567 = arith.index_cast %get3A_566 : i32 to index
        %get3A_568 = arith.index_cast %scan3A_426 : i32 to index
        %get3A_569 = arith.constant 96 : index
        %get3A_570 = tpu.vector_load %arg12[%get3A_567, %get3A_568, %get3A_569] {strides = array<i32>} : memref<2x80x128xf32, #tpu.memory_space<vmem>>, vector<1x1x16xf32>,
        %get3A_571 = vector.shape_cast %get3A_570 : vector<1x1x16xf32> to vector<16xf32>
        %add3A_572 = arith.addf %add3A_565, %get3A_571 : vector<16xf32>
        %swap3A_573 = arith.constant 1 : i32
        %swap3A_574 = arith.index_cast %swap3A_573 : i32 to index
        %swap3A_575 = arith.index_cast %scan3A_426 : i32 to index
        %swap3A_576 = arith.constant 96 : index
        %swap3A_577 = tpu.vector_load %arg11[%swap3A_574, %swap3A_575, %swap3A_576] {strides = array<i32>} : memref<2x80x128xf32, #tpu.memory_space<vmem>>, vector<1x1x16xf32>,
        %swap3A_578 = vector.shape_cast %swap3A_577 : vector<1x1x16xf32> to vector<16xf32>
        %swap3A_579 = vector.shape_cast %add3A_572 : vector<16xf32> to vector<1x1x16xf32>
        tpu.vector_store %arg11[%swap3A_574, %swap3A_575, %swap3A_576], %swap3A_579 {strides = array<i32>} : memref<2x80x128xf32, #tpu.memory_space<vmem>>, vector<1x1x16xf32>,
        %get3A_580 = arith.constant 1 : i32
        %get3A_581 = arith.index_cast %get3A_580 : i32 to index
        %get3A_582 = arith.index_cast %scan3A_426 : i32 to index
        %get3A_583 = arith.constant 112 : index
        %get3A_584 = tpu.vector_load %arg11[%get3A_581, %get3A_582, %get3A_583] {strides = array<i32>} : memref<2x80x128xf32, #tpu.memory_space<vmem>>, vector<1x1x16xf32>,
        %get3A_585 = vector.shape_cast %get3A_584 : vector<1x1x16xf32> to vector<16xf32>
        %mul3A_586 = arith.mulf %get3A_585, %get3A_63 : vector<16xf32>
        %add3A_587 = arith.addf %mul3A_586, %get3A_87 : vector<16xf32>
        %get3A_588 = arith.constant 1 : i32
        %get3A_589 = arith.index_cast %get3A_588 : i32 to index
        %get3A_590 = arith.index_cast %scan3A_426 : i32 to index
        %get3A_591 = arith.constant 112 : index
        %get3A_592 = tpu.vector_load %arg12[%get3A_589, %get3A_590, %get3A_591] {strides = array<i32>} : memref<2x80x128xf32, #tpu.memory_space<vmem>>, vector<1x1x16xf32>,
        %get3A_593 = vector.shape_cast %get3A_592 : vector<1x1x16xf32> to vector<16xf32>
        %add3A_594 = arith.addf %add3A_587, %get3A_593 : vector<16xf32>
        %swap3A_595 = arith.constant 1 : i32
        %swap3A_596 = arith.index_cast %swap3A_595 : i32 to index
        %swap3A_597 = arith.index_cast %scan3A_426 : i32 to index
        %swap3A_598 = arith.constant 112 : index
        %swap3A_599 = tpu.vector_load %arg11[%swap3A_596, %swap3A_597, %swap3A_598] {strides = array<i32>} : memref<2x80x128xf32, #tpu.memory_space<vmem>>, vector<1x1x16xf32>,
        %swap3A_600 = vector.shape_cast %swap3A_599 : vector<1x1x16xf32> to vector<16xf32>
        %swap3A_601 = vector.shape_cast %add3A_594 : vector<16xf32> to vector<1x1x16xf32>
        tpu.vector_store %arg11[%swap3A_596, %swap3A_597, %swap3A_598], %swap3A_601 {strides = array<i32>} : memref<2x80x128xf32, #tpu.memory_space<vmem>>, vector<1x1x16xf32>,
      }
      %scan3A_405 = arith.constant 80 : i32
      %mul3A_406 = arith.constant 32 : i32
      %mul3A_407 = arith.muli %add3A_399, %mul3A_406 : i32
      %add3A_408 = arith.addi %add3A, %mul3A_407 : i32
      %mul3A_409 = arith.constant 80 : i32
      %mul3A_410 = arith.muli %add3A_408, %mul3A_409 : i32
      %dma_start3A_411 = arith.constant 1 : i32
      %dma_start3A_412 = arith.constant 0 : i32
      %dma_start3A_413 = arith.constant 0 : i32
      %dma_start3A_414 = tpu.memref_slice %arg11[%dma_start3A_411, %dma_start3A_412, %dma_start3A_413] : memref<2x80x128xf32, #tpu.memory_space<vmem>> -> memref<1x80x128xf32, #tpu.memory_space<vmem>>
      %dma_start3A_415 = tpu.memref_squeeze %dma_start3A_414 : memref<1x80x128xf32, #tpu.memory_space<vmem>> -> memref<80x128xf32, #tpu.memory_space<vmem>>
      %dma_start3A_416 = arith.constant 0 : i32
      %dma_start3A_417 = tpu.memref_slice %arg8[%mul3A_410, %dma_start3A_416] : memref<320000x128xf32, #tpu.memory_space<hbm>> -> memref<80x128xf32, #tpu.memory_space<hbm>>
      %dma_start3A_418 = arith.constant 0 : i32
      %dma_start3A_419 = tpu.memref_slice %arg8[%mul3A_410, %dma_start3A_418] : memref<320000x128xf32, #tpu.memory_space<hbm>> -> memref<80x128xf32, #tpu.memory_space<hbm>>
      %dma_start3A_420 = arith.constant 0 : i32
      %dma_start3A_421 = arith.constant 0 : i32
      %dma_start3A_422 = tpu.memref_slice %arg11[%dma_start3A_411, %dma_start3A_420, %dma_start3A_421] : memref<2x80x128xf32, #tpu.memory_space<vmem>> -> memref<1x80x128xf32, #tpu.memory_space<vmem>>
      %dma_start3A_423 = tpu.memref_squeeze %dma_start3A_422 : memref<1x80x128xf32, #tpu.memory_space<vmem>> -> memref<80x128xf32, #tpu.memory_space<vmem>>
      tpu.enqueue_dma source(%dma_start3A_423 : memref<80x128xf32, #tpu.memory_space<vmem>>) target(%dma_start3A_419 : memref<80x128xf32, #tpu.memory_space<hbm>>) target_semaphore(%arg19 : memref<!tpu.dma_semaphore, #tpu.memory_space<semaphore_mem>>)
      %run_scoped3A_424 = arith.constant 1 : i32
      %run_scoped3A_425 = arith.constant 1 : i32
      "tpu.region"() ({
        %run_scoped3A_426 = tpu.sem_alloc : memref<!tpu.dma_semaphore, #tpu.memory_space<semaphore_mem>>
        %dma_start3A_427 = arith.constant 0 : i32
        %dma_start3A_428 = arith.constant 0 : i32
        %dma_start3A_429 = tpu.memref_slice %arg11[%run_scoped3A_424, %dma_start3A_427, %dma_start3A_428] : memref<2x80x128xf32, #tpu.memory_space<vmem>> -> memref<1x80x128xf32, #tpu.memory_space<vmem>>
        %dma_start3A_430 = tpu.memref_squeeze %dma_start3A_429 : memref<1x80x128xf32, #tpu.memory_space<vmem>> -> memref<80x128xf32, #tpu.memory_space<vmem>>
        %dma_start3A_431 = arith.constant 0 : i32
        %dma_start3A_432 = tpu.memref_slice %arg10[%run_scoped3A_425, %dma_start3A_431] : memref<2x80xi32, #tpu.memory_space<vmem>> -> memref<1x80xi32, #tpu.memory_space<vmem>>
        %dma_start3A_433 = tpu.memref_squeeze %dma_start3A_432 : memref<1x80xi32, #tpu.memory_space<vmem>> -> memref<80xi32, #tpu.memory_space<vmem>>
        %dma_start3A_434 = arith.constant 0 : i32
        %dma_start3A_435 = arith.constant 0 : i32
        %dma_start3A_436 = tpu.memref_slice %arg15[%dma_start3A_434, %dma_start3A_435] : memref<10240x128xf32, #tpu.memory_space<vmem_shared>> -> memref<10240x128xf32, #tpu.memory_space<vmem_shared>>
        tpu.enqueue_indirect_dma source(%dma_start3A_430 : memref<80x128xf32, #tpu.memory_space<vmem>>) target(%dma_start3A_436 : memref<10240x128xf32, #tpu.memory_space<vmem_shared>>) offsets(%dma_start3A_433 : memref<80xi32, #tpu.memory_space<vmem>>) semaphore(%run_scoped3A_426 : memref<!tpu.dma_semaphore, #tpu.memory_space<semaphore_mem>>) {add = true}
        %dma_wait3A_437 = arith.constant 0 : i32
        %dma_wait3A_438 = arith.constant 0 : i32
        %dma_wait3A_439 = tpu.memref_slice %arg11[%run_scoped3A_424, %dma_wait3A_437, %dma_wait3A_438] : memref<2x80x128xf32, #tpu.memory_space<vmem>> -> memref<1x80x128xf32, #tpu.memory_space<vmem>>
        %dma_wait3A_440 = tpu.memref_squeeze %dma_wait3A_439 : memref<1x80x128xf32, #tpu.memory_space<vmem>> -> memref<80x128xf32, #tpu.memory_space<vmem>>
        %dma_wait3A_441 = arith.constant 0 : i32
        %dma_wait3A_442 = tpu.memref_slice %arg10[%run_scoped3A_425, %dma_wait3A_441] : memref<2x80xi32, #tpu.memory_space<vmem>> -> memref<1x80xi32, #tpu.memory_space<vmem>>
        %dma_wait3A_443 = tpu.memref_squeeze %dma_wait3A_442 : memref<1x80xi32, #tpu.memory_space<vmem>> -> memref<80xi32, #tpu.memory_space<vmem>>
        %dma_wait3A_444 = arith.constant 0 : i32
        %dma_wait3A_445 = arith.constant 0 : i32
        %dma_wait3A_446 = tpu.memref_slice %arg15[%dma_wait3A_444, %dma_wait3A_445] : memref<10240x128xf32, #tpu.memory_space<vmem_shared>> -> memref<10240x128xf32, #tpu.memory_space<vmem_shared>>
        tpu.wait_indirect_dma semaphore(%run_scoped3A_426 : memref<!tpu.dma_semaphore, #tpu.memory_space<semaphore_mem>>) src(%dma_wait3A_440 : memref<80x128xf32, #tpu.memory_space<vmem>>) dst(%dma_wait3A_446 : memref<10240x128xf32, #tpu.memory_space<vmem_shared>>)
        tpu.yield
      }) : () -> ()
    }
    %scan3A_92 = arith.constant 62 : i32
    %dma_wait3A = arith.constant 1 : i32
    %dma_wait3A_93 = arith.constant 0 : i32
    %dma_wait3A_94 = arith.constant 0 : i32
    %dma_wait3A_95 = tpu.memref_slice %arg11[%dma_wait3A, %dma_wait3A_93, %dma_wait3A_94] : memref<2x80x128xf32, #tpu.memory_space<vmem>> -> memref<1x80x128xf32, #tpu.memory_space<vmem>>
    %dma_wait3A_96 = tpu.memref_squeeze %dma_wait3A_95 : memref<1x80x128xf32, #tpu.memory_space<vmem>> -> memref<80x128xf32, #tpu.memory_space<vmem>>
    %dma_wait3A_97 = arith.constant 0 : i32
    %dma_wait3A_98 = arith.constant 0 : i32
    %dma_wait3A_99 = tpu.memref_slice %arg8[%dma_wait3A_97, %dma_wait3A_98] : memref<320000x128xf32, #tpu.memory_space<hbm>> -> memref<80x128xf32, #tpu.memory_space<hbm>>
    %dma_wait3A_100 = arith.constant 0 : i32
    %dma_wait3A_101 = arith.constant 0 : i32
    %dma_wait3A_102 = tpu.memref_slice %arg8[%dma_wait3A_100, %dma_wait3A_101] : memref<320000x128xf32, #tpu.memory_space<hbm>> -> memref<80x128xf32, #tpu.memory_space<hbm>>
    %dma_wait3A_103 = arith.constant 0 : i32
    %dma_wait3A_104 = arith.constant 0 : i32
    %dma_wait3A_105 = tpu.memref_slice %arg11[%dma_wait3A, %dma_wait3A_103, %dma_wait3A_104] : memref<2x80x128xf32, #tpu.memory_space<vmem>> -> memref<1x80x128xf32, #tpu.memory_space<vmem>>
    %dma_wait3A_106 = tpu.memref_squeeze %dma_wait3A_105 : memref<1x80x128xf32, #tpu.memory_space<vmem>> -> memref<80x128xf32, #tpu.memory_space<vmem>>
    tpu.wait_dma2 semaphore(%arg19 : memref<!tpu.dma_semaphore, #tpu.memory_space<semaphore_mem>>) src(%dma_wait3A_106 : memref<80x128xf32, #tpu.memory_space<vmem>>) dst(%dma_wait3A_102 : memref<80x128xf32, #tpu.memory_space<hbm>>)
    %add3A_107 = arith.constant 3968 : i32
    %add3A_108 = arith.addi %add3A, %add3A_107 : i32
    %mul3A_109 = arith.constant 80 : i32
    %mul3A_110 = arith.muli %add3A_108, %mul3A_109 : i32
    %dma_wait3A_111 = arith.constant 0 : i32
    %dma_wait3A_112 = arith.constant 0 : i32
    %dma_wait3A_113 = tpu.memref_slice %arg10[%dma_wait3A_111, %dma_wait3A_112] : memref<2x80xi32, #tpu.memory_space<vmem>> -> memref<1x80xi32, #tpu.memory_space<vmem>>
    %dma_wait3A_114 = tpu.memref_squeeze %dma_wait3A_113 : memref<1x80xi32, #tpu.memory_space<vmem>> -> memref<80xi32, #tpu.memory_space<vmem>>
    %dma_wait3A_115 = tpu.memref_slice %arg2[%mul3A_110] : memref<320000xi32, #tpu.memory_space<hbm>> -> memref<80xi32, #tpu.memory_space<hbm>>
    %dma_wait3A_116 = arith.constant 0 : i32
    %dma_wait3A_117 = tpu.memref_slice %arg10[%dma_wait3A_111, %dma_wait3A_116] : memref<2x80xi32, #tpu.memory_space<vmem>> -> memref<1x80xi32, #tpu.memory_space<vmem>>
    %dma_wait3A_118 = tpu.memref_squeeze %dma_wait3A_117 : memref<1x80xi32, #tpu.memory_space<vmem>> -> memref<80xi32, #tpu.memory_space<vmem>>
    %dma_wait3A_119 = tpu.memref_slice %arg2[%mul3A_110] : memref<320000xi32, #tpu.memory_space<hbm>> -> memref<80xi32, #tpu.memory_space<hbm>>
    tpu.wait_dma2 semaphore(%arg16 : memref<!tpu.dma_semaphore, #tpu.memory_space<semaphore_mem>>) src(%dma_wait3A_119 : memref<80xi32, #tpu.memory_space<hbm>>) dst(%dma_wait3A_118 : memref<80xi32, #tpu.memory_space<vmem>>)
    %dma_wait3A_120 = arith.constant 0 : i32
    %dma_wait3A_121 = arith.constant 0 : i32
    %dma_wait3A_122 = arith.constant 0 : i32
    %dma_wait3A_123 = tpu.memref_slice %arg11[%dma_wait3A_120, %dma_wait3A_121, %dma_wait3A_122] : memref<2x80x128xf32, #tpu.memory_space<vmem>> -> memref<1x80x128xf32, #tpu.memory_space<vmem>>
    %dma_wait3A_124 = tpu.memref_squeeze %dma_wait3A_123 : memref<1x80x128xf32, #tpu.memory_space<vmem>> -> memref<80x128xf32, #tpu.memory_space<vmem>>
    %dma_wait3A_125 = arith.constant 0 : i32
    %dma_wait3A_126 = tpu.memref_slice %arg3[%mul3A_110, %dma_wait3A_125] : memref<320000x128xf32, #tpu.memory_space<hbm>> -> memref<80x128xf32, #tpu.memory_space<hbm>>
    %dma_wait3A_127 = arith.constant 0 : i32
    %dma_wait3A_128 = arith.constant 0 : i32
    %dma_wait3A_129 = tpu.memref_slice %arg11[%dma_wait3A_120, %dma_wait3A_127, %dma_wait3A_128] : memref<2x80x128xf32, #tpu.memory_space<vmem>> -> memref<1x80x128xf32, #tpu.memory_space<vmem>>
    %dma_wait3A_130 = tpu.memref_squeeze %dma_wait3A_129 : memref<1x80x128xf32, #tpu.memory_space<vmem>> -> memref<80x128xf32, #tpu.memory_space<vmem>>
    %dma_wait3A_131 = arith.constant 0 : i32
    %dma_wait3A_132 = tpu.memref_slice %arg3[%mul3A_110, %dma_wait3A_131] : memref<320000x128xf32, #tpu.memory_space<hbm>> -> memref<80x128xf32, #tpu.memory_space<hbm>>
    tpu.wait_dma2 semaphore(%arg16 : memref<!tpu.dma_semaphore, #tpu.memory_space<semaphore_mem>>) src(%dma_wait3A_132 : memref<80x128xf32, #tpu.memory_space<hbm>>) dst(%dma_wait3A_130 : memref<80x128xf32, #tpu.memory_space<vmem>>)
    %dma_wait3A_133 = arith.constant 0 : i32
    %dma_wait3A_134 = arith.constant 0 : i32
    %dma_wait3A_135 = arith.constant 0 : i32
    %dma_wait3A_136 = tpu.memref_slice %arg12[%dma_wait3A_133, %dma_wait3A_134, %dma_wait3A_135] : memref<2x80x128xf32, #tpu.memory_space<vmem>> -> memref<1x80x128xf32, #tpu.memory_space<vmem>>
    %dma_wait3A_137 = tpu.memref_squeeze %dma_wait3A_136 : memref<1x80x128xf32, #tpu.memory_space<vmem>> -> memref<80x128xf32, #tpu.memory_space<vmem>>
    %dma_wait3A_138 = arith.constant 0 : i32
    %dma_wait3A_139 = tpu.memref_slice %arg4[%mul3A_110, %dma_wait3A_138] : memref<320000x128xf32, #tpu.memory_space<hbm>> -> memref<80x128xf32, #tpu.memory_space<hbm>>
    %dma_wait3A_140 = arith.constant 0 : i32
    %dma_wait3A_141 = arith.constant 0 : i32
    %dma_wait3A_142 = tpu.memref_slice %arg12[%dma_wait3A_133, %dma_wait3A_140, %dma_wait3A_141] : memref<2x80x128xf32, #tpu.memory_space<vmem>> -> memref<1x80x128xf32, #tpu.memory_space<vmem>>
    %dma_wait3A_143 = tpu.memref_squeeze %dma_wait3A_142 : memref<1x80x128xf32, #tpu.memory_space<vmem>> -> memref<80x128xf32, #tpu.memory_space<vmem>>
    %dma_wait3A_144 = arith.constant 0 : i32
    %dma_wait3A_145 = tpu.memref_slice %arg4[%mul3A_110, %dma_wait3A_144] : memref<320000x128xf32, #tpu.memory_space<hbm>> -> memref<80x128xf32, #tpu.memory_space<hbm>>
    tpu.wait_dma2 semaphore(%arg16 : memref<!tpu.dma_semaphore, #tpu.memory_space<semaphore_mem>>) src(%dma_wait3A_145 : memref<80x128xf32, #tpu.memory_space<hbm>>) dst(%dma_wait3A_143 : memref<80x128xf32, #tpu.memory_space<vmem>>)
    %scan3A_146 = arith.constant 0 : i32
    %scan3A_147 = arith.constant 0 : i32
    %scan3A_148 = arith.constant 80 : i32
    %scan3A_149 = arith.addi %scan3A_147, %scan3A_148 : i32
    %scan3A_150 = arith.constant 1 : i32
    scf.for %scan3A_186 = %scan3A_147 to %scan3A_149 step %scan3A_150  : i32 {
      %get3A_187 = arith.constant 0 : i32
      %get3A_188 = arith.index_cast %get3A_187 : i32 to index
      %get3A_189 = arith.index_cast %scan3A_186 : i32 to index
      %get3A_190 = arith.constant 0 : index
      %get3A_191 = tpu.vector_load %arg11[%get3A_188, %get3A_189, %get3A_190] {strides = array<i32>} : memref<2x80x128xf32, #tpu.memory_space<vmem>>, vector<1x1x16xf32>,
      %get3A_192 = vector.shape_cast %get3A_191 : vector<1x1x16xf32> to vector<16xf32>
      %mul3A_193 = arith.mulf %get3A_192, %get3A_42 : vector<16xf32>
      %add3A_194 = arith.addf %mul3A_193, %get3A_66 : vector<16xf32>
      %get3A_195 = arith.constant 0 : i32
      %get3A_196 = arith.index_cast %get3A_195 : i32 to index
      %get3A_197 = arith.index_cast %scan3A_186 : i32 to index
      %get3A_198 = arith.constant 0 : index
      %get3A_199 = tpu.vector_load %arg12[%get3A_196, %get3A_197, %get3A_198] {strides = array<i32>} : memref<2x80x128xf32, #tpu.memory_space<vmem>>, vector<1x1x16xf32>,
      %get3A_200 = vector.shape_cast %get3A_199 : vector<1x1x16xf32> to vector<16xf32>
      %add3A_201 = arith.addf %add3A_194, %get3A_200 : vector<16xf32>
      %swap3A = arith.constant 0 : i32
      %swap3A_202 = arith.index_cast %swap3A : i32 to index
      %swap3A_203 = arith.index_cast %scan3A_186 : i32 to index
      %swap3A_204 = arith.constant 0 : index
      %swap3A_205 = tpu.vector_load %arg11[%swap3A_202, %swap3A_203, %swap3A_204] {strides = array<i32>} : memref<2x80x128xf32, #tpu.memory_space<vmem>>, vector<1x1x16xf32>,
      %swap3A_206 = vector.shape_cast %swap3A_205 : vector<1x1x16xf32> to vector<16xf32>
      %swap3A_207 = vector.shape_cast %add3A_201 : vector<16xf32> to vector<1x1x16xf32>
      tpu.vector_store %arg11[%swap3A_202, %swap3A_203, %swap3A_204], %swap3A_207 {strides = array<i32>} : memref<2x80x128xf32, #tpu.memory_space<vmem>>, vector<1x1x16xf32>,
      %get3A_208 = arith.constant 0 : i32
      %get3A_209 = arith.index_cast %get3A_208 : i32 to index
      %get3A_210 = arith.index_cast %scan3A_186 : i32 to index
      %get3A_211 = arith.constant 16 : index
      %get3A_212 = tpu.vector_load %arg11[%get3A_209, %get3A_210, %get3A_211] {strides = array<i32>} : memref<2x80x128xf32, #tpu.memory_space<vmem>>, vector<1x1x16xf32>,
      %get3A_213 = vector.shape_cast %get3A_212 : vector<1x1x16xf32> to vector<16xf32>
      %mul3A_214 = arith.mulf %get3A_213, %get3A_45 : vector<16xf32>
      %add3A_215 = arith.addf %mul3A_214, %get3A_69 : vector<16xf32>
      %get3A_216 = arith.constant 0 : i32
      %get3A_217 = arith.index_cast %get3A_216 : i32 to index
      %get3A_218 = arith.index_cast %scan3A_186 : i32 to index
      %get3A_219 = arith.constant 16 : index
      %get3A_220 = tpu.vector_load %arg12[%get3A_217, %get3A_218, %get3A_219] {strides = array<i32>} : memref<2x80x128xf32, #tpu.memory_space<vmem>>, vector<1x1x16xf32>,
      %get3A_221 = vector.shape_cast %get3A_220 : vector<1x1x16xf32> to vector<16xf32>
      %add3A_222 = arith.addf %add3A_215, %get3A_221 : vector<16xf32>
      %swap3A_223 = arith.constant 0 : i32
      %swap3A_224 = arith.index_cast %swap3A_223 : i32 to index
      %swap3A_225 = arith.index_cast %scan3A_186 : i32 to index
      %swap3A_226 = arith.constant 16 : index
      %swap3A_227 = tpu.vector_load %arg11[%swap3A_224, %swap3A_225, %swap3A_226] {strides = array<i32>} : memref<2x80x128xf32, #tpu.memory_space<vmem>>, vector<1x1x16xf32>,
      %swap3A_228 = vector.shape_cast %swap3A_227 : vector<1x1x16xf32> to vector<16xf32>
      %swap3A_229 = vector.shape_cast %add3A_222 : vector<16xf32> to vector<1x1x16xf32>
      tpu.vector_store %arg11[%swap3A_224, %swap3A_225, %swap3A_226], %swap3A_229 {strides = array<i32>} : memref<2x80x128xf32, #tpu.memory_space<vmem>>, vector<1x1x16xf32>,
      %get3A_230 = arith.constant 0 : i32
      %get3A_231 = arith.index_cast %get3A_230 : i32 to index
      %get3A_232 = arith.index_cast %scan3A_186 : i32 to index
      %get3A_233 = arith.constant 32 : index
      %get3A_234 = tpu.vector_load %arg11[%get3A_231, %get3A_232, %get3A_233] {strides = array<i32>} : memref<2x80x128xf32, #tpu.memory_space<vmem>>, vector<1x1x16xf32>,
      %get3A_235 = vector.shape_cast %get3A_234 : vector<1x1x16xf32> to vector<16xf32>
      %mul3A_236 = arith.mulf %get3A_235, %get3A_48 : vector<16xf32>
      %add3A_237 = arith.addf %mul3A_236, %get3A_72 : vector<16xf32>
      %get3A_238 = arith.constant 0 : i32
      %get3A_239 = arith.index_cast %get3A_238 : i32 to index
      %get3A_240 = arith.index_cast %scan3A_186 : i32 to index
      %get3A_241 = arith.constant 32 : index
      %get3A_242 = tpu.vector_load %arg12[%get3A_239, %get3A_240, %get3A_241] {strides = array<i32>} : memref<2x80x128xf32, #tpu.memory_space<vmem>>, vector<1x1x16xf32>,
      %get3A_243 = vector.shape_cast %get3A_242 : vector<1x1x16xf32> to vector<16xf32>
      %add3A_244 = arith.addf %add3A_237, %get3A_243 : vector<16xf32>
      %swap3A_245 = arith.constant 0 : i32
      %swap3A_246 = arith.index_cast %swap3A_245 : i32 to index
      %swap3A_247 = arith.index_cast %scan3A_186 : i32 to index
      %swap3A_248 = arith.constant 32 : index
      %swap3A_249 = tpu.vector_load %arg11[%swap3A_246, %swap3A_247, %swap3A_248] {strides = array<i32>} : memref<2x80x128xf32, #tpu.memory_space<vmem>>, vector<1x1x16xf32>,
      %swap3A_250 = vector.shape_cast %swap3A_249 : vector<1x1x16xf32> to vector<16xf32>
      %swap3A_251 = vector.shape_cast %add3A_244 : vector<16xf32> to vector<1x1x16xf32>
      tpu.vector_store %arg11[%swap3A_246, %swap3A_247, %swap3A_248], %swap3A_251 {strides = array<i32>} : memref<2x80x128xf32, #tpu.memory_space<vmem>>, vector<1x1x16xf32>,
      %get3A_252 = arith.constant 0 : i32
      %get3A_253 = arith.index_cast %get3A_252 : i32 to index
      %get3A_254 = arith.index_cast %scan3A_186 : i32 to index
      %get3A_255 = arith.constant 48 : index
      %get3A_256 = tpu.vector_load %arg11[%get3A_253, %get3A_254, %get3A_255] {strides = array<i32>} : memref<2x80x128xf32, #tpu.memory_space<vmem>>, vector<1x1x16xf32>,
      %get3A_257 = vector.shape_cast %get3A_256 : vector<1x1x16xf32> to vector<16xf32>
      %mul3A_258 = arith.mulf %get3A_257, %get3A_51 : vector<16xf32>
      %add3A_259 = arith.addf %mul3A_258, %get3A_75 : vector<16xf32>
      %get3A_260 = arith.constant 0 : i32
      %get3A_261 = arith.index_cast %get3A_260 : i32 to index
      %get3A_262 = arith.index_cast %scan3A_186 : i32 to index
      %get3A_263 = arith.constant 48 : index
      %get3A_264 = tpu.vector_load %arg12[%get3A_261, %get3A_262, %get3A_263] {strides = array<i32>} : memref<2x80x128xf32, #tpu.memory_space<vmem>>, vector<1x1x16xf32>,
      %get3A_265 = vector.shape_cast %get3A_264 : vector<1x1x16xf32> to vector<16xf32>
      %add3A_266 = arith.addf %add3A_259, %get3A_265 : vector<16xf32>
      %swap3A_267 = arith.constant 0 : i32
      %swap3A_268 = arith.index_cast %swap3A_267 : i32 to index
      %swap3A_269 = arith.index_cast %scan3A_186 : i32 to index
      %swap3A_270 = arith.constant 48 : index
      %swap3A_271 = tpu.vector_load %arg11[%swap3A_268, %swap3A_269, %swap3A_270] {strides = array<i32>} : memref<2x80x128xf32, #tpu.memory_space<vmem>>, vector<1x1x16xf32>,
      %swap3A_272 = vector.shape_cast %swap3A_271 : vector<1x1x16xf32> to vector<16xf32>
      %swap3A_273 = vector.shape_cast %add3A_266 : vector<16xf32> to vector<1x1x16xf32>
      tpu.vector_store %arg11[%swap3A_268, %swap3A_269, %swap3A_270], %swap3A_273 {strides = array<i32>} : memref<2x80x128xf32, #tpu.memory_space<vmem>>, vector<1x1x16xf32>,
      %get3A_274 = arith.constant 0 : i32
      %get3A_275 = arith.index_cast %get3A_274 : i32 to index
      %get3A_276 = arith.index_cast %scan3A_186 : i32 to index
      %get3A_277 = arith.constant 64 : index
      %get3A_278 = tpu.vector_load %arg11[%get3A_275, %get3A_276, %get3A_277] {strides = array<i32>} : memref<2x80x128xf32, #tpu.memory_space<vmem>>, vector<1x1x16xf32>,
      %get3A_279 = vector.shape_cast %get3A_278 : vector<1x1x16xf32> to vector<16xf32>
      %mul3A_280 = arith.mulf %get3A_279, %get3A_54 : vector<16xf32>
      %add3A_281 = arith.addf %mul3A_280, %get3A_78 : vector<16xf32>
      %get3A_282 = arith.constant 0 : i32
      %get3A_283 = arith.index_cast %get3A_282 : i32 to index
      %get3A_284 = arith.index_cast %scan3A_186 : i32 to index
      %get3A_285 = arith.constant 64 : index
      %get3A_286 = tpu.vector_load %arg12[%get3A_283, %get3A_284, %get3A_285] {strides = array<i32>} : memref<2x80x128xf32, #tpu.memory_space<vmem>>, vector<1x1x16xf32>,
      %get3A_287 = vector.shape_cast %get3A_286 : vector<1x1x16xf32> to vector<16xf32>
      %add3A_288 = arith.addf %add3A_281, %get3A_287 : vector<16xf32>
      %swap3A_289 = arith.constant 0 : i32
      %swap3A_290 = arith.index_cast %swap3A_289 : i32 to index
      %swap3A_291 = arith.index_cast %scan3A_186 : i32 to index
      %swap3A_292 = arith.constant 64 : index
      %swap3A_293 = tpu.vector_load %arg11[%swap3A_290, %swap3A_291, %swap3A_292] {strides = array<i32>} : memref<2x80x128xf32, #tpu.memory_space<vmem>>, vector<1x1x16xf32>,
      %swap3A_294 = vector.shape_cast %swap3A_293 : vector<1x1x16xf32> to vector<16xf32>
      %swap3A_295 = vector.shape_cast %add3A_288 : vector<16xf32> to vector<1x1x16xf32>
      tpu.vector_store %arg11[%swap3A_290, %swap3A_291, %swap3A_292], %swap3A_295 {strides = array<i32>} : memref<2x80x128xf32, #tpu.memory_space<vmem>>, vector<1x1x16xf32>,
      %get3A_296 = arith.constant 0 : i32
      %get3A_297 = arith.index_cast %get3A_296 : i32 to index
      %get3A_298 = arith.index_cast %scan3A_186 : i32 to index
      %get3A_299 = arith.constant 80 : index
      %get3A_300 = tpu.vector_load %arg11[%get3A_297, %get3A_298, %get3A_299] {strides = array<i32>} : memref<2x80x128xf32, #tpu.memory_space<vmem>>, vector<1x1x16xf32>,
      %get3A_301 = vector.shape_cast %get3A_300 : vector<1x1x16xf32> to vector<16xf32>
      %mul3A_302 = arith.mulf %get3A_301, %get3A_57 : vector<16xf32>
      %add3A_303 = arith.addf %mul3A_302, %get3A_81 : vector<16xf32>
      %get3A_304 = arith.constant 0 : i32
      %get3A_305 = arith.index_cast %get3A_304 : i32 to index
      %get3A_306 = arith.index_cast %scan3A_186 : i32 to index
      %get3A_307 = arith.constant 80 : index
      %get3A_308 = tpu.vector_load %arg12[%get3A_305, %get3A_306, %get3A_307] {strides = array<i32>} : memref<2x80x128xf32, #tpu.memory_space<vmem>>, vector<1x1x16xf32>,
      %get3A_309 = vector.shape_cast %get3A_308 : vector<1x1x16xf32> to vector<16xf32>
      %add3A_310 = arith.addf %add3A_303, %get3A_309 : vector<16xf32>
      %swap3A_311 = arith.constant 0 : i32
      %swap3A_312 = arith.index_cast %swap3A_311 : i32 to index
      %swap3A_313 = arith.index_cast %scan3A_186 : i32 to index
      %swap3A_314 = arith.constant 80 : index
      %swap3A_315 = tpu.vector_load %arg11[%swap3A_312, %swap3A_313, %swap3A_314] {strides = array<i32>} : memref<2x80x128xf32, #tpu.memory_space<vmem>>, vector<1x1x16xf32>,
      %swap3A_316 = vector.shape_cast %swap3A_315 : vector<1x1x16xf32> to vector<16xf32>
      %swap3A_317 = vector.shape_cast %add3A_310 : vector<16xf32> to vector<1x1x16xf32>
      tpu.vector_store %arg11[%swap3A_312, %swap3A_313, %swap3A_314], %swap3A_317 {strides = array<i32>} : memref<2x80x128xf32, #tpu.memory_space<vmem>>, vector<1x1x16xf32>,
      %get3A_318 = arith.constant 0 : i32
      %get3A_319 = arith.index_cast %get3A_318 : i32 to index
      %get3A_320 = arith.index_cast %scan3A_186 : i32 to index
      %get3A_321 = arith.constant 96 : index
      %get3A_322 = tpu.vector_load %arg11[%get3A_319, %get3A_320, %get3A_321] {strides = array<i32>} : memref<2x80x128xf32, #tpu.memory_space<vmem>>, vector<1x1x16xf32>,
      %get3A_323 = vector.shape_cast %get3A_322 : vector<1x1x16xf32> to vector<16xf32>
      %mul3A_324 = arith.mulf %get3A_323, %get3A_60 : vector<16xf32>
      %add3A_325 = arith.addf %mul3A_324, %get3A_84 : vector<16xf32>
      %get3A_326 = arith.constant 0 : i32
      %get3A_327 = arith.index_cast %get3A_326 : i32 to index
      %get3A_328 = arith.index_cast %scan3A_186 : i32 to index
      %get3A_329 = arith.constant 96 : index
      %get3A_330 = tpu.vector_load %arg12[%get3A_327, %get3A_328, %get3A_329] {strides = array<i32>} : memref<2x80x128xf32, #tpu.memory_space<vmem>>, vector<1x1x16xf32>,
      %get3A_331 = vector.shape_cast %get3A_330 : vector<1x1x16xf32> to vector<16xf32>
      %add3A_332 = arith.addf %add3A_325, %get3A_331 : vector<16xf32>
      %swap3A_333 = arith.constant 0 : i32
      %swap3A_334 = arith.index_cast %swap3A_333 : i32 to index
      %swap3A_335 = arith.index_cast %scan3A_186 : i32 to index
      %swap3A_336 = arith.constant 96 : index
      %swap3A_337 = tpu.vector_load %arg11[%swap3A_334, %swap3A_335, %swap3A_336] {strides = array<i32>} : memref<2x80x128xf32, #tpu.memory_space<vmem>>, vector<1x1x16xf32>,
      %swap3A_338 = vector.shape_cast %swap3A_337 : vector<1x1x16xf32> to vector<16xf32>
      %swap3A_339 = vector.shape_cast %add3A_332 : vector<16xf32> to vector<1x1x16xf32>
      tpu.vector_store %arg11[%swap3A_334, %swap3A_335, %swap3A_336], %swap3A_339 {strides = array<i32>} : memref<2x80x128xf32, #tpu.memory_space<vmem>>, vector<1x1x16xf32>,
      %get3A_340 = arith.constant 0 : i32
      %get3A_341 = arith.index_cast %get3A_340 : i32 to index
      %get3A_342 = arith.index_cast %scan3A_186 : i32 to index
      %get3A_343 = arith.constant 112 : index
      %get3A_344 = tpu.vector_load %arg11[%get3A_341, %get3A_342, %get3A_343] {strides = array<i32>} : memref<2x80x128xf32, #tpu.memory_space<vmem>>, vector<1x1x16xf32>,
      %get3A_345 = vector.shape_cast %get3A_344 : vector<1x1x16xf32> to vector<16xf32>
      %mul3A_346 = arith.mulf %get3A_345, %get3A_63 : vector<16xf32>
      %add3A_347 = arith.addf %mul3A_346, %get3A_87 : vector<16xf32>
      %get3A_348 = arith.constant 0 : i32
      %get3A_349 = arith.index_cast %get3A_348 : i32 to index
      %get3A_350 = arith.index_cast %scan3A_186 : i32 to index
      %get3A_351 = arith.constant 112 : index
      %get3A_352 = tpu.vector_load %arg12[%get3A_349, %get3A_350, %get3A_351] {strides = array<i32>} : memref<2x80x128xf32, #tpu.memory_space<vmem>>, vector<1x1x16xf32>,
      %get3A_353 = vector.shape_cast %get3A_352 : vector<1x1x16xf32> to vector<16xf32>
      %add3A_354 = arith.addf %add3A_347, %get3A_353 : vector<16xf32>
      %swap3A_355 = arith.constant 0 : i32
      %swap3A_356 = arith.index_cast %swap3A_355 : i32 to index
      %swap3A_357 = arith.index_cast %scan3A_186 : i32 to index
      %swap3A_358 = arith.constant 112 : index
      %swap3A_359 = tpu.vector_load %arg11[%swap3A_356, %swap3A_357, %swap3A_358] {strides = array<i32>} : memref<2x80x128xf32, #tpu.memory_space<vmem>>, vector<1x1x16xf32>,
      %swap3A_360 = vector.shape_cast %swap3A_359 : vector<1x1x16xf32> to vector<16xf32>
      %swap3A_361 = vector.shape_cast %add3A_354 : vector<16xf32> to vector<1x1x16xf32>
      tpu.vector_store %arg11[%swap3A_356, %swap3A_357, %swap3A_358], %swap3A_361 {strides = array<i32>} : memref<2x80x128xf32, #tpu.memory_space<vmem>>, vector<1x1x16xf32>,
    }
    %scan3A_151 = arith.constant 80 : i32
    %add3A_152 = arith.constant 3968 : i32
    %add3A_153 = arith.addi %add3A, %add3A_152 : i32
    %mul3A_154 = arith.constant 80 : i32
    %mul3A_155 = arith.muli %add3A_153, %mul3A_154 : i32
    %dma_start3A_156 = arith.constant 0 : i32
    %dma_start3A_157 = arith.constant 0 : i32
    %dma_start3A_158 = arith.constant 0 : i32
    %dma_start3A_159 = tpu.memref_slice %arg11[%dma_start3A_156, %dma_start3A_157, %dma_start3A_158] : memref<2x80x128xf32, #tpu.memory_space<vmem>> -> memref<1x80x128xf32, #tpu.memory_space<vmem>>
    %dma_start3A_160 = tpu.memref_squeeze %dma_start3A_159 : memref<1x80x128xf32, #tpu.memory_space<vmem>> -> memref<80x128xf32, #tpu.memory_space<vmem>>
    %dma_start3A_161 = arith.constant 0 : i32
    %dma_start3A_162 = tpu.memref_slice %arg8[%mul3A_155, %dma_start3A_161] : memref<320000x128xf32, #tpu.memory_space<hbm>> -> memref<80x128xf32, #tpu.memory_space<hbm>>
    %dma_start3A_163 = arith.constant 0 : i32
    %dma_start3A_164 = tpu.memref_slice %arg8[%mul3A_155, %dma_start3A_163] : memref<320000x128xf32, #tpu.memory_space<hbm>> -> memref<80x128xf32, #tpu.memory_space<hbm>>
    %dma_start3A_165 = arith.constant 0 : i32
    %dma_start3A_166 = arith.constant 0 : i32
    %dma_start3A_167 = tpu.memref_slice %arg11[%dma_start3A_156, %dma_start3A_165, %dma_start3A_166] : memref<2x80x128xf32, #tpu.memory_space<vmem>> -> memref<1x80x128xf32, #tpu.memory_space<vmem>>
    %dma_start3A_168 = tpu.memref_squeeze %dma_start3A_167 : memref<1x80x128xf32, #tpu.memory_space<vmem>> -> memref<80x128xf32, #tpu.memory_space<vmem>>
    tpu.enqueue_dma source(%dma_start3A_168 : memref<80x128xf32, #tpu.memory_space<vmem>>) target(%dma_start3A_164 : memref<80x128xf32, #tpu.memory_space<hbm>>) target_semaphore(%arg18 : memref<!tpu.dma_semaphore, #tpu.memory_space<semaphore_mem>>)
    %run_scoped3A = arith.constant 0 : i32
    %run_scoped3A_169 = arith.constant 0 : i32
    "tpu.region"() ({
      %run_scoped3A_186 = tpu.sem_alloc : memref<!tpu.dma_semaphore, #tpu.memory_space<semaphore_mem>>
      %dma_start3A_187 = arith.constant 0 : i32
      %dma_start3A_188 = arith.constant 0 : i32
      %dma_start3A_189 = tpu.memref_slice %arg11[%run_scoped3A, %dma_start3A_187, %dma_start3A_188] : memref<2x80x128xf32, #tpu.memory_space<vmem>> -> memref<1x80x128xf32, #tpu.memory_space<vmem>>
      %dma_start3A_190 = tpu.memref_squeeze %dma_start3A_189 : memref<1x80x128xf32, #tpu.memory_space<vmem>> -> memref<80x128xf32, #tpu.memory_space<vmem>>
      %dma_start3A_191 = arith.constant 0 : i32
      %dma_start3A_192 = tpu.memref_slice %arg10[%run_scoped3A_169, %dma_start3A_191] : memref<2x80xi32, #tpu.memory_space<vmem>> -> memref<1x80xi32, #tpu.memory_space<vmem>>
      %dma_start3A_193 = tpu.memref_squeeze %dma_start3A_192 : memref<1x80xi32, #tpu.memory_space<vmem>> -> memref<80xi32, #tpu.memory_space<vmem>>
      %dma_start3A_194 = arith.constant 0 : i32
      %dma_start3A_195 = arith.constant 0 : i32
      %dma_start3A_196 = tpu.memref_slice %arg15[%dma_start3A_194, %dma_start3A_195] : memref<10240x128xf32, #tpu.memory_space<vmem_shared>> -> memref<10240x128xf32, #tpu.memory_space<vmem_shared>>
      tpu.enqueue_indirect_dma source(%dma_start3A_190 : memref<80x128xf32, #tpu.memory_space<vmem>>) target(%dma_start3A_196 : memref<10240x128xf32, #tpu.memory_space<vmem_shared>>) offsets(%dma_start3A_193 : memref<80xi32, #tpu.memory_space<vmem>>) semaphore(%run_scoped3A_186 : memref<!tpu.dma_semaphore, #tpu.memory_space<semaphore_mem>>) {add = true}
      %dma_wait3A_197 = arith.constant 0 : i32
      %dma_wait3A_198 = arith.constant 0 : i32
      %dma_wait3A_199 = tpu.memref_slice %arg11[%run_scoped3A, %dma_wait3A_197, %dma_wait3A_198] : memref<2x80x128xf32, #tpu.memory_space<vmem>> -> memref<1x80x128xf32, #tpu.memory_space<vmem>>
      %dma_wait3A_200 = tpu.memref_squeeze %dma_wait3A_199 : memref<1x80x128xf32, #tpu.memory_space<vmem>> -> memref<80x128xf32, #tpu.memory_space<vmem>>
      %dma_wait3A_201 = arith.constant 0 : i32
      %dma_wait3A_202 = tpu.memref_slice %arg10[%run_scoped3A_169, %dma_wait3A_201] : memref<2x80xi32, #tpu.memory_space<vmem>> -> memref<1x80xi32, #tpu.memory_space<vmem>>
      %dma_wait3A_203 = tpu.memref_squeeze %dma_wait3A_202 : memref<1x80xi32, #tpu.memory_space<vmem>> -> memref<80xi32, #tpu.memory_space<vmem>>
      %dma_wait3A_204 = arith.constant 0 : i32
      %dma_wait3A_205 = arith.constant 0 : i32
      %dma_wait3A_206 = tpu.memref_slice %arg15[%dma_wait3A_204, %dma_wait3A_205] : memref<10240x128xf32, #tpu.memory_space<vmem_shared>> -> memref<10240x128xf32, #tpu.memory_space<vmem_shared>>
      tpu.wait_indirect_dma semaphore(%run_scoped3A_186 : memref<!tpu.dma_semaphore, #tpu.memory_space<semaphore_mem>>) src(%dma_wait3A_200 : memref<80x128xf32, #tpu.memory_space<vmem>>) dst(%dma_wait3A_206 : memref<10240x128xf32, #tpu.memory_space<vmem_shared>>)
      tpu.yield
    }) : () -> ()
    %dma_wait3A_170 = arith.constant 0 : i32
    %dma_wait3A_171 = arith.constant 0 : i32
    %dma_wait3A_172 = arith.constant 0 : i32
    %dma_wait3A_173 = tpu.memref_slice %arg11[%dma_wait3A_170, %dma_wait3A_171, %dma_wait3A_172] : memref<2x80x128xf32, #tpu.memory_space<vmem>> -> memref<1x80x128xf32, #tpu.memory_space<vmem>>
    %dma_wait3A_174 = tpu.memref_squeeze %dma_wait3A_173 : memref<1x80x128xf32, #tpu.memory_space<vmem>> -> memref<80x128xf32, #tpu.memory_space<vmem>>
    %dma_wait3A_175 = arith.constant 0 : i32
    %dma_wait3A_176 = arith.constant 0 : i32
    %dma_wait3A_177 = tpu.memref_slice %arg8[%dma_wait3A_175, %dma_wait3A_176] : memref<320000x128xf32, #tpu.memory_space<hbm>> -> memref<80x128xf32, #tpu.memory_space<hbm>>
    %dma_wait3A_178 = arith.constant 0 : i32
    %dma_wait3A_179 = arith.constant 0 : i32
    %dma_wait3A_180 = tpu.memref_slice %arg8[%dma_wait3A_178, %dma_wait3A_179] : memref<320000x128xf32, #tpu.memory_space<hbm>> -> memref<80x128xf32, #tpu.memory_space<hbm>>
    %dma_wait3A_181 = arith.constant 0 : i32
    %dma_wait3A_182 = arith.constant 0 : i32
    %dma_wait3A_183 = tpu.memref_slice %arg11[%dma_wait3A_170, %dma_wait3A_181, %dma_wait3A_182] : memref<2x80x128xf32, #tpu.memory_space<vmem>> -> memref<1x80x128xf32, #tpu.memory_space<vmem>>
    %dma_wait3A_184 = tpu.memref_squeeze %dma_wait3A_183 : memref<1x80x128xf32, #tpu.memory_space<vmem>> -> memref<80x128xf32, #tpu.memory_space<vmem>>
    tpu.wait_dma2 semaphore(%arg18 : memref<!tpu.dma_semaphore, #tpu.memory_space<semaphore_mem>>) src(%dma_wait3A_184 : memref<80x128xf32, #tpu.memory_space<vmem>>) dst(%dma_wait3A_180 : memref<80x128xf32, #tpu.memory_space<hbm>>)
    %barrier3A_185 = arith.constant 0 : index
    tpu.barrier barrier_id(%barrier3A_185)
    "tpu.region"() ({
      %run_scoped3A_186 = tpu.sem_alloc : memref<!tpu.dma_semaphore, #tpu.memory_space<semaphore_mem>>
      %dma_start3A_187 = arith.constant 0 : i32
      %dma_start3A_188 = tpu.memref_slice %arg9[%arg0, %mul3A_2, %dma_start3A_187] : memref<2x10240x128xf32, #tpu.memory_space<hbm>> -> memref<1x640x128xf32, #tpu.memory_space<hbm>>
      %dma_start3A_189 = tpu.memref_squeeze %dma_start3A_188 : memref<1x640x128xf32, #tpu.memory_space<hbm>> -> memref<640x128xf32, #tpu.memory_space<hbm>>
      %dma_start3A_190 = arith.constant 0 : i32
      %dma_start3A_191 = tpu.memref_slice %arg15[%mul3A_2, %dma_start3A_190] : memref<10240x128xf32, #tpu.memory_space<vmem_shared>> -> memref<640x128xf32, #tpu.memory_space<vmem_shared>>
      tpu.enqueue_dma source(%dma_start3A_191 : memref<640x128xf32, #tpu.memory_space<vmem_shared>>) target(%dma_start3A_189 : memref<640x128xf32, #tpu.memory_space<hbm>>) target_semaphore(%run_scoped3A_186 : memref<!tpu.dma_semaphore, #tpu.memory_space<semaphore_mem>>)
      %dma_wait3A_192 = arith.constant 0 : i32
      %dma_wait3A_193 = tpu.memref_slice %arg9[%arg0, %mul3A_2, %dma_wait3A_192] : memref<2x10240x128xf32, #tpu.memory_space<hbm>> -> memref<1x640x128xf32, #tpu.memory_space<hbm>>
      %dma_wait3A_194 = tpu.memref_squeeze %dma_wait3A_193 : memref<1x640x128xf32, #tpu.memory_space<hbm>> -> memref<640x128xf32, #tpu.memory_space<hbm>>
      %dma_wait3A_195 = arith.constant 0 : i32
      %dma_wait3A_196 = tpu.memref_slice %arg15[%mul3A_2, %dma_wait3A_195] : memref<10240x128xf32, #tpu.memory_space<vmem_shared>> -> memref<640x128xf32, #tpu.memory_space<vmem_shared>>
      tpu.wait_dma2 semaphore(%run_scoped3A_186 : memref<!tpu.dma_semaphore, #tpu.memory_space<semaphore_mem>>) src(%dma_wait3A_196 : memref<640x128xf32, #tpu.memory_space<vmem_shared>>) dst(%dma_wait3A_194 : memref<640x128xf32, #tpu.memory_space<hbm>>)
      tpu.yield
    }) : () -> ()
    return
  }
}

module attributes {stable_mosaic.version = 14 : i64} {
  func.func @body(%arg0: i32, %arg1: memref<4000x128xf32, #tpu.memory_space<vmem>>, %arg2: memref<4000x128xf32, #tpu.memory_space<vmem>>, %arg3: memref<128x128xf32, #tpu.memory_space<vmem>>, %arg4: memref<1x128xf32, #tpu.memory_space<vmem>>, %arg5: memref<128x128xf32, #tpu.memory_space<vmem>>, %arg6: memref<1x128xf32, #tpu.memory_space<vmem>>, %arg7: memref<4000x128xf32, #tpu.memory_space<vmem>>, %arg8: memref<1x128xf32, #tpu.memory_space<vmem>>, %arg9: memref<1x128xf32, #tpu.memory_space<vmem>>) attributes {dimension_semantics = [#tpu.dimension_semantics<arbitrary>], iteration_bounds = array<i64: 80>, scalar_prefetch = 0 : i64, scratch_operands = 0 : i64, tpu.core_type = #tpu.core_type<tc>, window_params = [{transform_indices = @transform_0, window_bounds = array<i64: 4000, 128>}, {transform_indices = @transform_1, window_bounds = array<i64: 4000, 128>}, {pipeline_mode = #tpu.pipeline_mode<synchronous>, transform_indices = @transform_2, window_bounds = array<i64: 128, 128>}, {pipeline_mode = #tpu.pipeline_mode<synchronous>, transform_indices = @transform_3, window_bounds = array<i64: 1, 128>}, {pipeline_mode = #tpu.pipeline_mode<synchronous>, transform_indices = @transform_4, window_bounds = array<i64: 128, 128>}, {pipeline_mode = #tpu.pipeline_mode<synchronous>, transform_indices = @transform_5, window_bounds = array<i64: 1, 128>}, {transform_indices = @transform_6, window_bounds = array<i64: 4000, 128>}, {pipeline_mode = #tpu.pipeline_mode<synchronous>, transform_indices = @transform_7, window_bounds = array<i64: 1, 128>}, {pipeline_mode = #tpu.pipeline_mode<synchronous>, transform_indices = @transform_8, window_bounds = array<i64: 1, 128>}]} {
    %get3A = arith.constant 0 : index
    %get3A_0 = arith.constant 0 : index
    %get3A_1 = vector.load %arg1[%get3A, %get3A_0] : memref<4000x128xf32, #tpu.memory_space<vmem>>, vector<4000x128xf32>
    %get3A_2 = arith.constant 0 : index
    %get3A_3 = arith.constant 0 : index
    %get3A_4 = vector.load %arg2[%get3A_2, %get3A_3] : memref<4000x128xf32, #tpu.memory_space<vmem>>, vector<4000x128xf32>
    %add3A = arith.addf %get3A_1, %get3A_4 : vector<4000x128xf32>
    %get3A_5 = arith.constant 0 : index
    %get3A_6 = arith.constant 0 : index
    %get3A_7 = vector.load %arg3[%get3A_5, %get3A_6] : memref<128x128xf32, #tpu.memory_space<vmem>>, vector<128x128xf32>
    %dot_general3A = arith.constant dense<0.000000e+00> : vector<4000x128xf32>
    %dot_general3A_8 = tpu.matmul %add3A, %get3A_7, %dot_general3A {dimension_numbers = #tpu.dot_dimension_numbers<[1], [0], [0], [1], [0, 0, 1, 1], [], []>, transpose_lhs_hint = false} : vector<4000x128xf32>, vector<128x128xf32>, vector<4000x128xf32> -> vector<4000x128xf32>
    %get3A_9 = arith.constant 0 : index
    %get3A_10 = arith.constant 0 : index
    %get3A_11 = vector.load %arg4[%get3A_9, %get3A_10] : memref<1x128xf32, #tpu.memory_space<vmem>>, vector<1x128xf32>
    %add3A_12 = vector.broadcast %get3A_11 : vector<1x128xf32> to vector<4000x128xf32>
    %add3A_13 = arith.addf %dot_general3A_8, %add3A_12 : vector<4000x128xf32>
    %max3A = arith.constant 0.000000e+00 : f32
    %max3A_14 = vector.broadcast %max3A : f32 to vector<4000x128xf32>
    %max3A_15 = arith.maximumf %add3A_13, %max3A_14 : vector<4000x128xf32>
    %get3A_16 = arith.constant 0 : index
    %get3A_17 = arith.constant 0 : index
    %get3A_18 = vector.load %arg5[%get3A_16, %get3A_17] : memref<128x128xf32, #tpu.memory_space<vmem>>, vector<128x128xf32>
    %dot_general3A_19 = arith.constant dense<0.000000e+00> : vector<4000x128xf32>
    %dot_general3A_20 = tpu.matmul %max3A_15, %get3A_18, %dot_general3A_19 {dimension_numbers = #tpu.dot_dimension_numbers<[1], [0], [0], [1], [0, 0, 1, 1], [], []>, transpose_lhs_hint = false} : vector<4000x128xf32>, vector<128x128xf32>, vector<4000x128xf32> -> vector<4000x128xf32>
    %get3A_21 = arith.constant 0 : index
    %get3A_22 = arith.constant 0 : index
    %get3A_23 = vector.load %arg6[%get3A_21, %get3A_22] : memref<1x128xf32, #tpu.memory_space<vmem>>, vector<1x128xf32>
    %add3A_24 = vector.broadcast %get3A_23 : vector<1x128xf32> to vector<4000x128xf32>
    %add3A_25 = arith.addf %dot_general3A_20, %add3A_24 : vector<4000x128xf32>
    %swap3A = arith.constant 0 : index
    %swap3A_26 = arith.constant 0 : index
    %swap3A_27 = vector.load %arg7[%swap3A, %swap3A_26] : memref<4000x128xf32, #tpu.memory_space<vmem>>, vector<4000x128xf32>
    tpu.vector_store %arg7[%swap3A, %swap3A_26], %add3A_25 {strides = array<i32>} : memref<4000x128xf32, #tpu.memory_space<vmem>>, vector<4000x128xf32>,
    %reduce_sum3A = arith.constant dense<0.000000e+00> : vector<128xf32>
    %reduce_sum3A_28 = vector.multi_reduction <add>, %add3A_25, %reduce_sum3A [0] : vector<4000x128xf32> to vector<128xf32>
    %broadcast_in_dim3A = vector.shape_cast %reduce_sum3A_28 : vector<128xf32> to vector<1x128xf32>
    %mul3A = arith.mulf %add3A_25, %add3A_25 : vector<4000x128xf32>
    %reduce_sum3A_29 = arith.constant dense<0.000000e+00> : vector<128xf32>
    %reduce_sum3A_30 = vector.multi_reduction <add>, %mul3A, %reduce_sum3A_29 [0] : vector<4000x128xf32> to vector<128xf32>
    %broadcast_in_dim3A_31 = vector.shape_cast %reduce_sum3A_30 : vector<128xf32> to vector<1x128xf32>
    %eq3A = arith.constant 0 : i32
    %eq3A_32 = arith.cmpi eq, %arg0, %eq3A : i32
    %convert_element_type3A = arith.extui %eq3A_32 : i1 to i32
    %cond3A = arith.constant 0 : i32
    %cond3A_33 = arith.cmpi ne, %convert_element_type3A, %cond3A : i32
    scf.if %cond3A_33 {
      %swap3A_38 = arith.constant 0 : index
      %swap3A_39 = arith.constant 0 : index
      %swap3A_40 = vector.load %arg8[%swap3A_38, %swap3A_39] : memref<1x128xf32, #tpu.memory_space<vmem>>, vector<1x128xf32>
      tpu.vector_store %arg8[%swap3A_38, %swap3A_39], %broadcast_in_dim3A {strides = array<i32>} : memref<1x128xf32, #tpu.memory_space<vmem>>, vector<1x128xf32>,
      %swap3A_41 = arith.constant 0 : index
      %swap3A_42 = arith.constant 0 : index
      %swap3A_43 = vector.load %arg9[%swap3A_41, %swap3A_42] : memref<1x128xf32, #tpu.memory_space<vmem>>, vector<1x128xf32>
      tpu.vector_store %arg9[%swap3A_41, %swap3A_42], %broadcast_in_dim3A_31 {strides = array<i32>} : memref<1x128xf32, #tpu.memory_space<vmem>>, vector<1x128xf32>,
    } else {
    }
    %ne3A = arith.constant 0 : i32
    %ne3A_34 = arith.cmpi ne, %arg0, %ne3A : i32
    %convert_element_type3A_35 = arith.extui %ne3A_34 : i1 to i32
    %cond3A_36 = arith.constant 0 : i32
    %cond3A_37 = arith.cmpi ne, %convert_element_type3A_35, %cond3A_36 : i32
    scf.if %cond3A_37 {
      %get3A_38 = arith.constant 0 : index
      %get3A_39 = arith.constant 0 : index
      %get3A_40 = vector.load %arg8[%get3A_38, %get3A_39] : memref<1x128xf32, #tpu.memory_space<vmem>>, vector<1x128xf32>
      %add3A_41 = arith.addf %get3A_40, %broadcast_in_dim3A : vector<1x128xf32>
      %swap3A_42 = arith.constant 0 : index
      %swap3A_43 = arith.constant 0 : index
      %swap3A_44 = vector.load %arg8[%swap3A_42, %swap3A_43] : memref<1x128xf32, #tpu.memory_space<vmem>>, vector<1x128xf32>
      tpu.vector_store %arg8[%swap3A_42, %swap3A_43], %add3A_41 {strides = array<i32>} : memref<1x128xf32, #tpu.memory_space<vmem>>, vector<1x128xf32>,
      %get3A_45 = arith.constant 0 : index
      %get3A_46 = arith.constant 0 : index
      %get3A_47 = vector.load %arg9[%get3A_45, %get3A_46] : memref<1x128xf32, #tpu.memory_space<vmem>>, vector<1x128xf32>
      %add3A_48 = arith.addf %get3A_47, %broadcast_in_dim3A_31 : vector<1x128xf32>
      %swap3A_49 = arith.constant 0 : index
      %swap3A_50 = arith.constant 0 : index
      %swap3A_51 = vector.load %arg9[%swap3A_49, %swap3A_50] : memref<1x128xf32, #tpu.memory_space<vmem>>, vector<1x128xf32>
      tpu.vector_store %arg9[%swap3A_49, %swap3A_50], %add3A_48 {strides = array<i32>} : memref<1x128xf32, #tpu.memory_space<vmem>>, vector<1x128xf32>,
    } else {
    }
    return
  }
  func.func @transform_0(%arg0: i32) -> (i32, i32) {
    %c0_i32 = arith.constant 0 : i32
    %c0_i32_0 = arith.constant 0 : i32
    return %arg0, %c0_i32 : i32, i32
  }
  func.func @transform_1(%arg0: i32) -> (i32, i32) {
    %c0_i32 = arith.constant 0 : i32
    %c0_i32_0 = arith.constant 0 : i32
    return %arg0, %c0_i32 : i32, i32
  }
  func.func @transform_2(%arg0: i32) -> (i32, i32) {
    %c0_i32 = arith.constant 0 : i32
    %c0_i32_0 = arith.constant 0 : i32
    %c0_i32_1 = arith.constant 0 : i32
    return %c0_i32, %c0_i32_0 : i32, i32
  }
  func.func @transform_3(%arg0: i32) -> (i32, i32) {
    %c0_i32 = arith.constant 0 : i32
    %c0_i32_0 = arith.constant 0 : i32
    %c0_i32_1 = arith.constant 0 : i32
    return %c0_i32, %c0_i32_0 : i32, i32
  }
  func.func @transform_4(%arg0: i32) -> (i32, i32) {
    %c0_i32 = arith.constant 0 : i32
    %c0_i32_0 = arith.constant 0 : i32
    %c0_i32_1 = arith.constant 0 : i32
    return %c0_i32, %c0_i32_0 : i32, i32
  }
  func.func @transform_5(%arg0: i32) -> (i32, i32) {
    %c0_i32 = arith.constant 0 : i32
    %c0_i32_0 = arith.constant 0 : i32
    %c0_i32_1 = arith.constant 0 : i32
    return %c0_i32, %c0_i32_0 : i32, i32
  }
  func.func @transform_6(%arg0: i32) -> (i32, i32) {
    %c0_i32 = arith.constant 0 : i32
    %c0_i32_0 = arith.constant 0 : i32
    return %arg0, %c0_i32 : i32, i32
  }
  func.func @transform_7(%arg0: i32) -> (i32, i32) {
    %c0_i32 = arith.constant 0 : i32
    %c0_i32_0 = arith.constant 0 : i32
    %c0_i32_1 = arith.constant 0 : i32
    return %c0_i32, %c0_i32_0 : i32, i32
  }
  func.func @transform_8(%arg0: i32) -> (i32, i32) {
    %c0_i32 = arith.constant 0 : i32
    %c0_i32_0 = arith.constant 0 : i32
    %c0_i32_1 = arith.constant 0 : i32
    return %c0_i32, %c0_i32_0 : i32, i32
  }
}

module attributes {stable_mosaic.version = 14 : i64} {
  func.func @body(%arg0: memref<10000x128xf32, #tpu.memory_space<vmem>>, %arg1: memref<2x10240x128xf32, #tpu.memory_space<vmem>>, %arg2: memref<128x128xf32, #tpu.memory_space<vmem>>, %arg3: memref<1x128xf32, #tpu.memory_space<vmem>>, %arg4: memref<128x128xf32, #tpu.memory_space<vmem>>, %arg5: memref<1x128xf32, #tpu.memory_space<vmem>>, %arg6: memref<1x128xf32, #tpu.memory_space<vmem>>, %arg7: memref<1x128xf32, #tpu.memory_space<vmem>>, %arg8: memref<10000x128xf32, #tpu.memory_space<vmem>>) attributes {dimension_semantics = [], scalar_prefetch = 0 : i64, scratch_operands = 0 : i64, tpu.core_type = #tpu.core_type<tc>} {
    %get3A = arith.constant 0 : index
    %get3A_0 = arith.constant 0 : index
    %get3A_1 = vector.load %arg0[%get3A, %get3A_0] : memref<10000x128xf32, #tpu.memory_space<vmem>>, vector<10000x128xf32>
    %get3A_2 = arith.constant 0 : index
    %get3A_3 = arith.constant 0 : index
    %get3A_4 = arith.constant 0 : index
    %get3A_5 = vector.load %arg1[%get3A_2, %get3A_3, %get3A_4] : memref<2x10240x128xf32, #tpu.memory_space<vmem>>, vector<1x10000x128xf32>
    %get3A_6 = vector.shape_cast %get3A_5 : vector<1x10000x128xf32> to vector<10000x128xf32>
    %get3A_7 = arith.constant 1 : index
    %get3A_8 = arith.constant 0 : index
    %get3A_9 = arith.constant 0 : index
    %get3A_10 = vector.load %arg1[%get3A_7, %get3A_8, %get3A_9] : memref<2x10240x128xf32, #tpu.memory_space<vmem>>, vector<1x10000x128xf32>
    %get3A_11 = vector.shape_cast %get3A_10 : vector<1x10000x128xf32> to vector<10000x128xf32>
    %add3A = arith.addf %get3A_6, %get3A_11 : vector<10000x128xf32>
    %add3A_12 = arith.addf %get3A_1, %add3A : vector<10000x128xf32>
    %get3A_13 = arith.constant 0 : index
    %get3A_14 = arith.constant 0 : index
    %get3A_15 = vector.load %arg2[%get3A_13, %get3A_14] : memref<128x128xf32, #tpu.memory_space<vmem>>, vector<128x128xf32>
    %dot_general3A = arith.constant dense<0.000000e+00> : vector<10000x128xf32>
    %dot_general3A_16 = tpu.matmul %add3A_12, %get3A_15, %dot_general3A {dimension_numbers = #tpu.dot_dimension_numbers<[1], [0], [0], [1], [0, 0, 1, 1], [], []>, transpose_lhs_hint = false} : vector<10000x128xf32>, vector<128x128xf32>, vector<10000x128xf32> -> vector<10000x128xf32>
    %get3A_17 = arith.constant 0 : index
    %get3A_18 = arith.constant 0 : index
    %get3A_19 = vector.load %arg3[%get3A_17, %get3A_18] : memref<1x128xf32, #tpu.memory_space<vmem>>, vector<1x128xf32>
    %add3A_20 = vector.broadcast %get3A_19 : vector<1x128xf32> to vector<10000x128xf32>
    %add3A_21 = arith.addf %dot_general3A_16, %add3A_20 : vector<10000x128xf32>
    %max3A = arith.constant 0.000000e+00 : f32
    %max3A_22 = vector.broadcast %max3A : f32 to vector<10000x128xf32>
    %max3A_23 = arith.maximumf %add3A_21, %max3A_22 : vector<10000x128xf32>
    %get3A_24 = arith.constant 0 : index
    %get3A_25 = arith.constant 0 : index
    %get3A_26 = vector.load %arg4[%get3A_24, %get3A_25] : memref<128x128xf32, #tpu.memory_space<vmem>>, vector<128x128xf32>
    %dot_general3A_27 = arith.constant dense<0.000000e+00> : vector<10000x128xf32>
    %dot_general3A_28 = tpu.matmul %max3A_23, %get3A_26, %dot_general3A_27 {dimension_numbers = #tpu.dot_dimension_numbers<[1], [0], [0], [1], [0, 0, 1, 1], [], []>, transpose_lhs_hint = false} : vector<10000x128xf32>, vector<128x128xf32>, vector<10000x128xf32> -> vector<10000x128xf32>
    %get3A_29 = arith.constant 0 : index
    %get3A_30 = arith.constant 0 : index
    %get3A_31 = vector.load %arg5[%get3A_29, %get3A_30] : memref<1x128xf32, #tpu.memory_space<vmem>>, vector<1x128xf32>
    %add3A_32 = vector.broadcast %get3A_31 : vector<1x128xf32> to vector<10000x128xf32>
    %add3A_33 = arith.addf %dot_general3A_28, %add3A_32 : vector<10000x128xf32>
    %reduce_sum3A = arith.constant dense<0.000000e+00> : vector<128xf32>
    %reduce_sum3A_34 = vector.multi_reduction <add>, %add3A_33, %reduce_sum3A [0] : vector<10000x128xf32> to vector<128xf32>
    %broadcast_in_dim3A = vector.shape_cast %reduce_sum3A_34 : vector<128xf32> to vector<1x128xf32>
    %mul3A = arith.constant 9.99999974E-5 : f32
    %mul3A_35 = vector.broadcast %mul3A : f32 to vector<1x128xf32>
    %mul3A_36 = arith.mulf %broadcast_in_dim3A, %mul3A_35 : vector<1x128xf32>
    %sub3A = vector.broadcast %mul3A_36 : vector<1x128xf32> to vector<10000x128xf32>
    %sub3A_37 = arith.subf %add3A_33, %sub3A : vector<10000x128xf32>
    %mul3A_38 = arith.mulf %sub3A_37, %sub3A_37 : vector<10000x128xf32>
    %reduce_sum3A_39 = arith.constant dense<0.000000e+00> : vector<128xf32>
    %reduce_sum3A_40 = vector.multi_reduction <add>, %mul3A_38, %reduce_sum3A_39 [0] : vector<10000x128xf32> to vector<128xf32>
    %broadcast_in_dim3A_41 = vector.shape_cast %reduce_sum3A_40 : vector<128xf32> to vector<1x128xf32>
    %mul3A_42 = arith.constant 9.99999974E-5 : f32
    %mul3A_43 = vector.broadcast %mul3A_42 : f32 to vector<1x128xf32>
    %mul3A_44 = arith.mulf %broadcast_in_dim3A_41, %mul3A_43 : vector<1x128xf32>
    %add3A_45 = arith.constant 9.99999974E-6 : f32
    %add3A_46 = vector.broadcast %add3A_45 : f32 to vector<1x128xf32>
    %add3A_47 = arith.addf %mul3A_44, %add3A_46 : vector<1x128xf32>
    %rsqrt3A = math.rsqrt %add3A_47 : vector<1x128xf32>
    %mul3A_48 = vector.broadcast %rsqrt3A : vector<1x128xf32> to vector<10000x128xf32>
    %mul3A_49 = arith.mulf %sub3A_37, %mul3A_48 : vector<10000x128xf32>
    %get3A_50 = arith.constant 0 : index
    %get3A_51 = arith.constant 0 : index
    %get3A_52 = vector.load %arg6[%get3A_50, %get3A_51] : memref<1x128xf32, #tpu.memory_space<vmem>>, vector<1x128xf32>
    %mul3A_53 = vector.broadcast %get3A_52 : vector<1x128xf32> to vector<10000x128xf32>
    %mul3A_54 = arith.mulf %mul3A_49, %mul3A_53 : vector<10000x128xf32>
    %get3A_55 = arith.constant 0 : index
    %get3A_56 = arith.constant 0 : index
    %get3A_57 = vector.load %arg7[%get3A_55, %get3A_56] : memref<1x128xf32, #tpu.memory_space<vmem>>, vector<1x128xf32>
    %add3A_58 = vector.broadcast %get3A_57 : vector<1x128xf32> to vector<10000x128xf32>
    %add3A_59 = arith.addf %mul3A_54, %add3A_58 : vector<10000x128xf32>
    %add3A_60 = arith.addf %add3A_59, %get3A_1 : vector<10000x128xf32>
    %swap3A = arith.constant 0 : index
    %swap3A_61 = arith.constant 0 : index
    %swap3A_62 = vector.load %arg8[%swap3A, %swap3A_61] : memref<10000x128xf32, #tpu.memory_space<vmem>>, vector<10000x128xf32>
    tpu.vector_store %arg8[%swap3A, %swap3A_61], %add3A_60 {strides = array<i32>} : memref<10000x128xf32, #tpu.memory_space<vmem>>, vector<10000x128xf32>,
    return
  }
}

</mosaic_0001>

<sc_bundles>
// kernel: kernel.6.cloned.1.call-start
scs
__scs_entry_jumppad:
0x0: {  	(pc) =	sbr.rel $0x88, $3  }
0x1: {  	(tag) =	ssettag $0x0;
	lr =	simm.s32 $0x1  }
0x2: {  	[smem:$0x3F92] =	sst lr;
	_ =	strace $0xD0000000  }
0x3: {  	_ = 	snop  }
0x4: {  	_ = 	snop  }
0x5: {  	_ = 	snop  }
0x6: {  	_ = 	snop  }
0x7: {  	_ = 	snop  }
__scs_overlays_trampoline_lowered:
0x8: {  	[smem:$0x3FA1] =	sst s0  }
0x9: {  	[smem:$0x3FA2] =	sst s1  }
0xa: {  	[smem:$0x3FA3] =	sst s2  }
0xb: {  	[smem:$0x3FA4] =	sst s3  }
0xc: {  	[smem:$0x3FA5] =	sst s4  }
0xd: {  	[smem:$0x3FA6] =	sst s5  }
0xe: {  	[smem:$0x3FA7] =	sst s6  }
0xf: {  	[smem:$0x3FA8] =	sst s7  }
0x10: {  	[smem:$0x3FA9] =	sst s8  }
0x11: {  	[smem:$0x3FAA] =	sst s9;
	s0 =	simm.s32 @!p0 $0x0  }
0x12: {  	s1 =	sld [smem:$0x3F90];
	s0 =	simm.s32 @p0 $0x1  }
0x13: {  	[smem:$0x3FAB] =	sst s0;
	s0 =	simm.s32 @!p1 $0x0  }
0x14: {  	s2 =	sld [smem:$0x3F8F];
	s0 =	simm.s32 @p1 $0x1  }
0x15: {  	[smem:$0x3FAC] =	sst s0;
	s0 =	simm.s32 @!p2 $0x0  }
0x16: {  	s3 =	sld [smem:$0x3FDB];
	s0 =	simm.s32 @p2 $0x1  }
0x17: {  	s4 =	simm.s32 $0x1BF5;
	[smem:$0x3FAE] =	sst s0  }
0x18: {  	s0 =	sld [smem:$0x3F91];
	_ =	swait.ge [sflag:s4], $0x0  }
0x19: {  	s7 =	sld [smem:$0x3F92]  }
0x1a: {  	s8 =	sadd.s32 $0xFFFFE003, lr  }
0x1b: {  	s9 =	sadd.s32 $0xFFFFFEF7, lr;
	s5 =	simm.s32 $0xFFFFFFFF;
	p2 =	slt.u32 s8, $0xFFFFF086  }
0x1c: {  	p1 =	slt.u32 s9, $0xF7A;
	s5 =	simm.s32 @!p2 $0x0  }
0x1d: {  	s5 =	simm.s32 @p1 $0x1;
	p0 =	seq.s32 s7, s2  }
0x1e: {  	s7 =	smul.u32 @!p0 $0xF7A, s2;
	p2 =	seq.s32 @!p0 s5, $0x0  }
0x1f: {  	s9 =	smul.u32 $0xF7A, s1;
	s8 =	simm.s32 @!p0 $0x1BF5;
	p2 =	por !p2, p0  }
0x20: {  	[sflag:s8] =	ssyncset.s32 @!p0 $0xFFFFF086;
	s6 =	sadd.s32 @!p0 s3, s7;
	s7 =	simm.s32 @!p0 $0x108  }
0x21: {  	s3 =	sadd.s32 s3, s9;
	s6 =	sadd.s32 @!p0 $0x88, s6;
	s7 =	simm.s32 @p2 $0x1082  }
0x22: {  	[simem:s7], [sflag:s8] =	dma.local @!p0 [hbm:s6], $0xF7A  }
0x23: {  	s9 =	sor.u32 $0xD0000000, s2;
	s6 =	simm.s32 $0x108;
	_ =	swait.ge @!p0 [sflag:s8], $0x0  }
0x24: {  	s3 =	sadd.s32 $0x88, s3;
	s6 =	simm.s32 @!p1 $0x1082;
	[sflag:s4] =	ssyncset.s32 $0xFFFFF086  }
0x25: {  	[simem:s6], [sflag:s4] =	dma.local [hbm:s3], $0xF7A  }
0x26: {  	[smem:$0x3F92] =	sst s1;
	(tag) =	ssettag s2;
	_ =	strace s9  }
0x27: {  	s1 =	sld [smem:$0x3FA2]  }
0x28: {  	s2 =	sld [smem:$0x3FA3]  }
0x29: {  	s4 =	sld [smem:$0x3FA5]  }
0x2a: {  	p0 =	seq.s32 s5, $0x0;
	s5 =	sld [smem:$0x3FA6]  }
0x2b: {  	s6 =	sld [smem:$0x3FA7]  }
0x2c: {  	s7 =	sld [smem:$0x3FA8]  }
0x2d: {  	s3 =	simm.s32 $0x108;
	s8 =	sld [smem:$0x3FA9]  }
0x2e: {  	s3 =	simm.s32 @!p0 $0x1082;
	s9 =	sld [smem:$0x3FAA]  }
0x2f: {  	lr =	sadd.s32 s0, s3;
	s0 =	sld [smem:$0x3FA1]  }
0x30: {  	s3 =	sld [smem:$0x3FA4]  }
0x31: {  	[smem:$0x3FAD] =	sst s10  }
0x32: {  	s10 =	sld [smem:$0x3FAB];
	_ =	sdelay $0x3  }
0x33: {  	p0 =	seq.s32 s10, $0x1;
	s10 =	sld [smem:$0x3FAD];
	_ =	sdelay $0x3  }
0x34: {  	[smem:$0x3FAD] =	sst s10  }
0x35: {  	s10 =	sld [smem:$0x3FAC];
	_ =	sdelay $0x3  }
0x36: {  	p1 =	seq.s32 s10, $0x1;
	s10 =	sld [smem:$0x3FAD];
	_ =	sdelay $0x3  }
0x37: {  	[smem:$0x3FAD] =	sst s10  }
0x38: {  	s10 =	sld [smem:$0x3FAE]  }
0x39: {  	_ = 	snop;
	(pc) =	sbr.ind lr, $3  }
0x3a: {  	_ = 	snop  }
0x3b: {  	_ = 	snop  }
0x3c: {  	p2 =	seq.s32 s10, $0x1;
	s10 =	sld [smem:$0x3FAD]  }
0x3d: {  	_ =	shalt  }
0x3e: {  	_ =	shalt  }
0x3f: {  	_ =	shalt  }
0x40: {  	_ =	shalt  }
0x41: {  	_ =	shalt  }
0x42: {  	_ =	shalt  }
0x43: {  	_ =	shalt  }
0x44: {  	_ =	shalt  }
0x45: {  	_ =	shalt  }
0x46: {  	_ =	shalt  }
0x47: {  	_ =	shalt  }
0x48: {  	_ =	shalt  }
0x49: {  	_ =	shalt  }
0x4a: {  	_ =	shalt  }
0x4b: {  	_ =	shalt  }
0x4c: {  	_ =	shalt  }
0x4d: {  	_ =	shalt  }
0x4e: {  	_ =	shalt  }
0x4f: {  	_ =	shalt  }
0x50: {  	_ =	shalt  }
0x51: {  	_ =	shalt  }
0x52: {  	_ =	shalt  }
0x53: {  	_ =	shalt  }
0x54: {  	_ =	shalt  }
0x55: {  	_ =	shalt  }
0x56: {  	_ =	shalt  }
0x57: {  	_ =	shalt  }
0x58: {  	_ =	shalt  }
0x59: {  	_ =	shalt  }
0x5a: {  	_ =	shalt  }
0x5b: {  	_ =	shalt  }
0x5c: {  	_ =	shalt  }
0x5d: {  	_ =	shalt  }
0x5e: {  	_ =	shalt  }
0x5f: {  	_ =	shalt  }
0x60: {  	_ =	shalt  }
0x61: {  	_ =	shalt  }
0x62: {  	_ =	shalt  }
0x63: {  	_ =	shalt  }
0x64: {  	_ =	shalt  }
0x65: {  	_ =	shalt  }
0x66: {  	_ =	shalt  }
0x67: {  	_ =	shalt  }
0x68: {  	_ =	shalt  }
0x69: {  	_ =	shalt  }
0x6a: {  	_ =	shalt  }
0x6b: {  	_ =	shalt  }
0x6c: {  	_ =	shalt  }
0x6d: {  	_ =	shalt  }
0x6e: {  	_ =	shalt  }
0x6f: {  	_ =	shalt  }
0x70: {  	_ =	shalt  }
0x71: {  	_ =	shalt  }
0x72: {  	_ =	shalt  }
0x73: {  	_ =	shalt  }
0x74: {  	_ =	shalt  }
0x75: {  	_ =	shalt  }
0x76: {  	_ =	shalt  }
0x77: {  	_ =	shalt  }
0x78: {  	_ =	shalt  }
0x79: {  	_ =	shalt  }
0x7a: {  	_ =	shalt  }
0x7b: {  	_ =	shalt  }
0x7c: {  	_ =	shalt  }
0x7d: {  	_ =	shalt  }
0x7e: {  	_ =	shalt  }
0x7f: {  	_ =	shalt  }
0x80: {  	_ =	shalt  }
0x81: {  	_ =	shalt  }
0x82: {  	_ =	shalt  }
0x83: {  	_ =	shalt  }
0x84: {  	_ =	shalt  }
0x85: {  	_ =	shalt  }
0x86: {  	_ =	shalt  }
0x87: {  	_ =	shalt  }
.Lfunc_end0:
.L_simem_size_0:
called_computation_lowered:
.L_overlay_start_0:
0x88: {  	s2 =	sld [smem:$0x3FD9]  }
0x89: {  	s3 =	sld [smem:$0x3FFE];
	_ =	sdelay $0x1  }
0x8a: {  	s1 =	srdreg.scid  }
0x8b: {  	s0 =	sand.u32 $0x1, s1  }
0x8c: {  	s14 =	sshll.u32 s0, $0xA;
	s2 =	sadd.s32 s3, s2  }
0x8d: {  	s2 =	sadd.s32 s2, s14  }
0x8e: {  	[smem:$0x3FB9] =	sst s2  }
0x8f: {  	_ = 	snop  }
0x90: {  	s2 =	sld [smem:$0x3FD0];
	_ =	sdelay $0x2  }
0x91: {  	s4 =	simm.s32 $0xA;
	s5 =	simm.s32 $0x10;
	s15 =	sld [smem:$0x3FC9]  }
0x92: {  	[smem:s5], [sflag:s4] =	dma.local [hbm:s2], $0x1  }
0x93: {  	_ =	swait.eq [sflag:s4], $0x1  }
0x94: {  	[sflag:s4] =	ssyncset.done $0x0  }
0x95: {  	s16 =	sld [smem:$0x10];
	[sflag:s4] =	ssyncadd.s32 $0xFFFFFFFF  }
0x96: {  	s17 =	sld [smem:$0x11];
	(tm) =	ssettm $0x1  }
0x97: {  	s18 =	sld [smem:$0x3FFB];
	_ =	sdelay $0x3  }
0x98: {  	_ =	strace s18  }
0x99: {  	s5 =	sld [smem:$0x3FFC];
	_ =	sdelay $0x3  }
0x9a: {  	_ =	strace s5  }
0x9b: {  	s5 =	sld [smem:$0x3FFD];
	_ =	sdelay $0x3  }
0x9c: {  	_ =	strace s5  }
0x9d: {  	_ =	strace $0x8FFFFFFF  }
0x9e: {  	s19 =	sld [smem:$0x3FDB];
	_ =	sdelay $0x1  }
0x9f: {  	s6 =	simm.s32 $_scs_section_size  }
0xa0: {  	s7 =	simm.s32 $_size__tile_overlayer_lowered;
	s8 =	simm.s32 $_tile_overlayer_lowered  }
0xa1: {  	s22 =	simm.s32 $0x1BFF;
	s21 =	sshll.u32 s8, $0x1;
	s5 =	sadd.s32 s6, s19  }
0xa2: {  	s9 =	simm.s32 $0x0;
	s20 =	sshll.u32 s7, $0x1;
	s7 =	sadd.s32 s21, s5  }
0xa3: {  	[timem:s9], [sflag:s22] =	dma.local [hbm:s7], s20  }
0xa4: {  	_ =	swait.ge [sflag:s22], s20  }
0xa5: {  	s6 =	ssub.s32 $0x0, s20;
	[sflag:s22] =	ssyncset.done $0x0  }
0xa6: {  	[sflag:s22] =	ssyncadd.s32 s6;
	_ =	sdelay $0x1  }
0xa7: {  	s23 =	simm.s32 $0x1B8B  }
0xa8: {  	_ =	swait.ge [sflag:s23], $0x1  }
0xa9: {  	[sflag:s23] =	ssyncset.done $0x0  }
0xaa: {  	s25 =	simm.s32 $0x1B8E;
	s24 =	sld [smem:$0x3FFE];
	[sflag:s23] =	ssyncadd.s32 $0xFFFFFFFF  }
0xab: {  	s26 =	simm.s32 $execute0_lowered;
	[smem:$0x3FD2] =	sst s25  }
0xac: {  	s7 =	sshll.u32 s26, $0x1;
	_ =	strace $0x80000046;
	[dreg:$0x1] =	wrdreg $0xFFFFFFFF  }
0xad: {  	s28 =	simm.s32 $_size_execute0_lowered;
	s5 =	sadd.s32 s5, s7;
	[dreg:$0x0] =	wrdreg $0x0  }
0xae: {  	s7 =	sshll.u32 s28, $0x1;
	[dreg:$0x2] =	wrdreg s5  }
0xaf: {  	[dreg:$0x3] =	wrdreg s7  }
0xb0: {  	[dreg:$0x4] =	wrdreg $0xC0  }
0xb1: {  	_ =	task [dreg:s9], $0x5FFFF  }
0xb2: {  	[dreg:$0x1] =	wrdreg $0xFFFFFFFF  }
0xb3: {  	[dreg:$0x0] =	wrdreg $0x60  }
0xb4: {  	[dreg:$0x2] =	wrdreg s16  }
0xb5: {  	[dreg:$0x3] =	wrdreg s24  }
0xb6: {  	[dreg:$0x4] =	wrdreg s15  }
0xb7: {  	[dreg:$0x5] =	wrdreg s17  }
0xb8: {  	[dreg:$0x6] =	wrdreg $0x81000  }
0xb9: {  	[dreg:$0x7] =	wrdreg $0x9  }
0xba: {  	_ =	task.clear_ibuf [dreg:s9], $0x8FFFF;
	_ =	strace $0x90000046  }
0xbb: {  	s29 =	simm.s32 $0x9;
	_ =	strace $0x80000048  }
0xbc: {  	_ =	swait.ge [sflag:s29], $0x1  }
0xbd: {  	[sflag:s29] =	ssyncadd.s32 $0xFFFFFFFF  }
0xbe: {  	_ =	strace $0x90000048  }
0xbf: {  	_ =	sfence  }
0xc0: {  	s30 =	sld [smem:$0x0];
	_ =	sdelay $0x2  }
0xc1: {  	s31 =	sshll.u32 s1, $0xD;
	s1 =	sshrl.u32 s1, $0x2  }
0xc2: {  	s3 =	sand.u32 $0x4000, s31;
	s1 =	sadd.s32 s1, s30  }
0xc3: {  	s0 =	sor.u32 s3, s0;
	s1 =	sshll.u32 s1, $0x11  }
0xc4: {  	s0 =	sor.u32 s1, s0  }
0xc5: {  	s0 =	sadd.s32 $0x8F2B, s0  }
0xc6: {  	[sflag:s0] =	ssyncadd.remote.s32 $0x1  }
0xc7: {  	_ =	sfence.sel $0xFFFF  }
0xc8: {  	[dreg:$0x0] =	wrdreg $0xFFFFFFFF;
	(pc) =	sbr.abs _section_cstart, $3  }
0xc9: {  	[dreg:$0x1] =	wrdreg $0xFFFFFFFF  }
0xca: {  	_ =	task.clear_ibuf [dreg:s9], $0x2FFFF;
	_ =	strace $0x9FFFFFFF  }
0xcb: {  	(tm) =	ssettm $0x7FFFFFFF  }
tec
execute0_lowered:
.L_overlay_start_1:
0x0: {  	(tag) =	ssettag $0x1  }
0x1: {  	s0 =	rddreg [dreg:$0x0]  }
0x2: {  	s8 =	rddreg [dreg:$0x1]  }
0x3: {  	s2 =	rddreg [dreg:$0x2]  }
0x4: {  	s4 =	rddreg [dreg:$0x3]  }
0x5: {  	s5 =	rddreg [dreg:$0x4]  }
0x6: {  	s1 =	srdreg.scid;
	s3 =	rddreg [dreg:$0x5];
	s6 =	simm.s32 $0x0  }
0x7: {  	s17 =	simm.s32 $0x100;
	s18 =	simm.s32 $0x2;
	s19 =	simm.s32 $0x80  }
0x8: {  	s20 =	simm.s32 $0x1;
	s9 =	sand.u32 $0x1, s1;
	s1 =	stileid.u32  }
0x9: {  	s21 =	simm.s32 $0x4100;
	[smem:$0x7FF] =	sst s6;
	s7 =	smul.u32 $0x140000, s9  }
0xa: {  	s22 =	simm.s32 $0x0;
	s10 =	smul.u32 $0x14000, s1;
	_ =	strace $0x80000047  }
0xb: {  	s11 =	smul.u32 $0x50000, s1;
	s30 =	ssub.s32 $0x2, s9;
	s12 =	sshll.u32 s1, $0x1  }
0xc: {  	s31 =	sshrl.u32 s30, $0x1;
	s15 =	sor.u32 s9, s12;
	s7 =	sadd.s32 s10, s7  }
0xd: {  	s11 =	sshrl.u32 s11, $0x2;
	s16 =	ssub.s32 s30, s31;
	s13 =	sshll.u32 s15, $0x7  }
0xe: {  	s15 =	ssub.s32 $0x9E3, s15;
	s10 =	sshrl.u32 s7, $0x3;
	s7 =	sadd.s32 $0x2800, s8  }
0xf: {  	s15 =	sshrl.u32 s15, $0x5;
	s14 =	sadd.s32 s10, s8;
	s8 =	sadd.s32 s11, s5  }
0x10: {  	s16 =	smax.u32 s16, $0x1;
	s9 =	sadd.s32 $0x4000, s8;
	s10 =	sadd.s32 $0x8000, s8  }
0x11: {  	v0 =	vimm.f32 $0.0e+00;
	s11 =	sadd.s32 $0xC000, s8;
	s12 =	sadd.s32 $0x10000, s8;
	s14 =	sadd.s32 $0xC600, s14  }
.LBB2_1:
0x12: {  	s23 =	simm.s32 $0x0;
	s24 =	simm.s32 $0x200  }
.LBB2_2:
0x13: {  	p0 =	sne.s32 s24, $0xFE00;
	[tilespmem:s23+$0x170] =	vst v0  }
0x14: {  	[tilespmem:s23+$0x100] =	vst v0  }
0x15: {  	[tilespmem:s23+$0x110] =	vst v0  }
.Ltmp0:
0x16: {  	[tilespmem:s23+$0x120] =	vst v0;
	(pc) =	sbr.rel @p0 .LBB2_2-.Ltmp0, $4  }
0x17: {  	[tilespmem:s23+$0x130] =	vst v0  }
0x18: {  	[tilespmem:s23+$0x140] =	vst v0  }
0x19: {  	[tilespmem:s23+$0x150] =	vst v0  }
0x1a: {  	[tilespmem:s23+$0x160] =	vst v0;
	s23 =	sshra.s32 s24, $0x2;
	s24 =	sadd.s32 $0x200, s24  }
0x1b: {  	[tilespmem:s23+$0x170] =	vst v0  }
0x1c: {  	[tilespmem:s23+$0x100] =	vst v0  }
0x1d: {  	[tilespmem:s23+$0x110] =	vst v0  }
0x1e: {  	[tilespmem:s23+$0x120] =	vst v0  }
0x1f: {  	[tilespmem:s23+$0x130] =	vst v0  }
0x20: {  	[tilespmem:s23+$0x140] =	vst v0  }
0x21: {  	[tilespmem:s23+$0x150] =	vst v0  }
0x22: {  	[tilespmem:s23+$0x160] =	vst v0  }
0x23: {  	[spmem:s8] =	stream.linear.scatter [tilespmem:s17], [sflag:$0x2], $0x4000, $0x38;
	[tilespmem:$0x1C100] =	vst v63  }
0x24: {  	_ =	swait.ge [sflag:s18], $0x4000  }
0x25: {  	[sflag:s18] =	ssyncset.done $0x0  }
0x26: {  	[sflag:s18] =	ssyncadd.s32 $0xFFFFC000  }
0x27: {  	[spmem:s9] =	stream.linear.scatter [tilespmem:s17], [sflag:$0x2], $0x4000, $0x38;
	[tilespmem:$0x1C100] =	vst v63  }
0x28: {  	_ =	swait.ge [sflag:s18], $0x4000  }
0x29: {  	[sflag:s18] =	ssyncset.done $0x0  }
0x2a: {  	[sflag:s18] =	ssyncadd.s32 $0xFFFFC000  }
0x2b: {  	[spmem:s10] =	stream.linear.scatter [tilespmem:s17], [sflag:$0x2], $0x4000, $0x38;
	[tilespmem:$0x1C100] =	vst v63  }
0x2c: {  	_ =	swait.ge [sflag:s18], $0x4000  }
0x2d: {  	[sflag:s18] =	ssyncset.done $0x0  }
0x2e: {  	[sflag:s18] =	ssyncadd.s32 $0xFFFFC000  }
0x2f: {  	[spmem:s11] =	stream.linear.scatter [tilespmem:s17], [sflag:$0x2], $0x4000, $0x38;
	[tilespmem:$0x1C100] =	vst v63  }
0x30: {  	_ =	swait.ge [sflag:s18], $0x4000  }
0x31: {  	[sflag:s18] =	ssyncset.done $0x0  }
0x32: {  	[sflag:s18] =	ssyncadd.s32 $0xFFFFC000  }
0x33: {  	[spmem:s12] =	stream.linear.scatter [tilespmem:s17], [sflag:$0x2], $0x4000, $0x38;
	[tilespmem:$0x1C100] =	vst v63  }
0x34: {  	_ =	swait.ge [sflag:s18], $0x4000  }
0x35: {  	[sflag:s18] =	ssyncset.done $0x0  }
0x36: {  	[sflag:s18] =	ssyncadd.s32 $0xFFFFC000  }
0x37: {  	s23 =	simm.s32 $0x0;
	s24 =	simm.s32 $0x0;
	[bflag:$0x0] =	sbarrier.arrive $0xFFFF  }
.LBB2_4:
0x38: {  	s25 =	sshll.u32 s24, $0xC  }
0x39: {  	s25 =	sor.u32 s13, s25  }
0x3a: {  	s26 =	sshrl.u32 s25, $0x3  }
0x3b: {  	s28 =	sadd.s32 s0, s26  }
0x3c: {  	[tilespmem:s23], [sflag:$0x2] =	stream.linear.gather [hbm4b:s28+s23], $0x80, $0x38;
	[tilespmem:$0x1C100] =	vst v63  }
0x3d: {  	_ =	swait.ge [sflag:s18], $0x80  }
0x3e: {  	[sflag:s18] =	ssyncset.done $0x0  }
0x3f: {  	s26 =	sadd.s32 s7, s26;
	[sflag:s18] =	ssyncadd.s32 $0xFFFFFF80  }
0x40: {  	[tilespmem:s19], [sflag:$0x2] =	stream.linear.gather [hbm4b:s26+s23], $0x80, $0x38;
	[tilespmem:$0x1C100] =	vst v63  }
0x41: {  	_ =	swait.ge [sflag:s18], $0x80  }
0x42: {  	[sflag:s18] =	ssyncset.done $0x0  }
0x43: {  	[sflag:s18] =	ssyncadd.s32 $0xFFFFFF80  }
0x44: {  	[tilespmem:s17], [sflag:$0x1] =	stream.indirect.gather [hbm4b:s2+s19], $0x80, s23, s19, $0xb8;
	[tilespmem:$0x1C100] =	vst v63  }
0x45: {  	_ =	swait.ge [sflag:s20], $0x4000  }
0x46: {  	[sflag:s20] =	ssyncset.done $0x0  }
0x47: {  	[sflag:s20] =	ssyncadd.s32 $0xFFFFC000  }
0x48: {  	[spmem:s5] =	stream.indirect.scatter.add.f32 [tilespmem:s17], [sflag:$0x2], $0x80, s19, s19, $0xb8;
	[tilespmem:$0x1C100] =	vst v63  }
0x49: {  	_ =	swait.ge [sflag:s18], $0x4000  }
0x4a: {  	[sflag:s18] =	ssyncset.done $0x0  }
0x4b: {  	[sflag:s18] =	ssyncadd.s32 $0xFFFFC000  }
0x4c: {  	[tilespmem:s21], [sflag:$0x1] =	stream.indirect.gather [hbm4b:s2+s19], $0x80, s19, s19, $0xb8;
	[tilespmem:$0x1C100] =	vst v63  }
0x4d: {  	_ =	swait.ge [sflag:s20], $0x4000  }
0x4e: {  	[sflag:s20] =	ssyncset.done $0x0  }
0x4f: {  	s26 =	simm.s32 $0x0;
	[sflag:s20] =	ssyncadd.s32 $0xFFFFC000  }
0x50: {  	v8 =	vld [tilespmem:s26+$0x100]  }
0x51: {  	v12 =	vld [tilespmem:s26+$0x110]  }
0x52: {  	v6 =	vld [tilespmem:s26+$0x120]  }
0x53: {  	v5 =	vld [tilespmem:s26+$0x130]  }
0x54: {  	v4 =	vld [tilespmem:s26+$0x140]  }
0x55: {  	v3 =	vld [tilespmem:s26+$0x150]  }
0x56: {  	v2 =	vld [tilespmem:s26+$0x160]  }
0x57: {  	v1 =	vld [tilespmem:s26+$0x170]  }
0x58: {  	v13 =	vld [tilespmem:s26+$0x4100]  }
0x59: {  	v14 =	vld [tilespmem:s26+$0x4110]  }
0x5a: {  	v11 =	vld [tilespmem:s26+$0x4120]  }
0x5b: {  	v10 =	vld [tilespmem:s26+$0x4130]  }
0x5c: {  	v9 =	vld [tilespmem:s26+$0x4140]  }
0x5d: {  	v7 =	vld [tilespmem:s26+$0x4150];
	v13 =	vadd.f32 v8, v13  }
0x5e: {  	s28 =	simm.s32 $0x200;
	v12 =	vadd.f32 v12, v14;
	v8 =	vld [tilespmem:s26+$0x4160]  }
.LBB2_5:
0x5f: {  	s29 =	sshra.s32 s28, $0x2;
	p0 =	sne.s32 s28, $0xFE00;
	[tilespmem:s26+$0x4100] =	vst v13;
	v6 =	vadd.f32 v6, v11;
	v11 =	vld [tilespmem:s26+$0x4170]  }
0x60: {  	v13 =	vld [tilespmem:s29+$0x100];
	[tilespmem:s26+$0x4110] =	vst v12;
	v5 =	vadd.f32 v5, v10  }
0x61: {  	v12 =	vld [tilespmem:s29+$0x110];
	[tilespmem:s26+$0x4120] =	vst v6;
	v4 =	vadd.f32 v4, v9  }
0x62: {  	v6 =	vld [tilespmem:s29+$0x120];
	[tilespmem:s26+$0x4130] =	vst v5;
	v3 =	vadd.f32 v3, v7  }
0x63: {  	v5 =	vld [tilespmem:s29+$0x130];
	[tilespmem:s26+$0x4140] =	vst v4;
	v2 =	vadd.f32 v2, v8  }
0x64: {  	v4 =	vld [tilespmem:s29+$0x140];
	[tilespmem:s26+$0x4150] =	vst v3;
	v1 =	vadd.f32 v1, v11  }
0x65: {  	v3 =	vld [tilespmem:s29+$0x150];
	[tilespmem:s26+$0x4160] =	vst v2  }
0x66: {  	v2 =	vld [tilespmem:s29+$0x160];
	[tilespmem:s26+$0x4170] =	vst v1;
	s26 =	smov.u32 s29  }
0x67: {  	v1 =	vld [tilespmem:s26+$0x170]  }
0x68: {  	v7 =	vld [tilespmem:s26+$0x4100]  }
0x69: {  	v8 =	vld [tilespmem:s26+$0x4110]  }
.Ltmp1:
0x6a: {  	v11 =	vld [tilespmem:s26+$0x4120];
	(pc) =	sbr.rel @p0 .LBB2_5-.Ltmp1, $4  }
0x6b: {  	v10 =	vld [tilespmem:s26+$0x4130]  }
0x6c: {  	v9 =	vld [tilespmem:s26+$0x4140]  }
0x6d: {  	v13 =	vadd.f32 v13, v7;
	v7 =	vld [tilespmem:s26+$0x4150]  }
0x6e: {  	s28 =	sadd.s32 $0x200, s28;
	v12 =	vadd.f32 v12, v8;
	v8 =	vld [tilespmem:s26+$0x4160]  }
0x6f: {  	[tilespmem:s26+$0x4100] =	vst v13;
	v6 =	vadd.f32 v6, v11;
	v63 =	vld [tilespmem:s26+$0x4170]  }
0x70: {  	[tilespmem:s26+$0x4110] =	vst v12;
	v5 =	vadd.f32 v5, v10  }
0x71: {  	[tilespmem:s26+$0x4120] =	vst v6;
	v4 =	vadd.f32 v4, v9  }
0x72: {  	[tilespmem:s26+$0x4130] =	vst v5;
	v3 =	vadd.f32 v3, v7  }
0x73: {  	[tilespmem:s26+$0x4140] =	vst v4;
	v2 =	vadd.f32 v2, v8  }
0x74: {  	s24 =	sadd.s32 $0x1, s24;
	[tilespmem:s26+$0x4150] =	vst v3;
	v1 =	vadd.f32 v1, v63  }
0x75: {  	s25 =	sshll.u32 s25, $0x4;
	p0 =	sne.s32 s24, s15;
	[tilespmem:s26+$0x4160] =	vst v2  }
.Ltmp2:
0x76: {  	s25 =	sadd.s32 s4, s25;
	[tilespmem:s26+$0x4170] =	vst v1;
	(pc) =	sbr.rel @p0 .LBB2_4-.Ltmp2, $4  }
0x77: {  	[hbm4b:s25+s6] =	stream.linear.scatter [tilespmem:s21], [sflag:$0x2], $0x4000, $0x38;
	[tilespmem:$0x1C100] =	vst v63  }
0x78: {  	_ =	swait.ge [sflag:s18], $0x4000  }
0x79: {  	[sflag:s18] =	ssyncset.done $0x0  }
0x7a: {  	[sflag:s18] =	ssyncadd.s32 $0xFFFFC000  }
0x7b: {  	s22 =	sadd.s32 $0x1, s22  }
0x7c: {  	s23 =	sshll.u32 s1, $0x6;
	[bflag:$0x0] =	sbarrier.arrive $0xFFFF;
	p0 =	sne.s32 s22, s16  }
.Ltmp3:
0x7d: {  	s24 =	sshrl.u32 s8, $0x3;
	s23 =	sor.u32 $0x1C02, s23;
	(pc) =	sbr.rel @p0 .LBB2_1-.Ltmp3, $4  }
0x7e: {  	[hbm:s14], [sflag:s23] =	dma.local [spmem:s24], $0x2800  }
0x7f: {  	_ =	swait.ge [sflag:s18], $0x2800  }
0x80: {  	[sflag:s18] =	ssyncset.done $0x0  }
0x81: {  	[sflag:s18] =	ssyncadd.s32 $0xFFFFD800  }
0x82: {  	_ =	sfence.sel $0x180000  }
0x83: {  	[bflag:$0x0] =	sbarrier.arrive $0xFFFF  }
0x84: {  	p0 =	sne.s32 s1, $0x0;
	_ =	strace $0x90000047  }
0x85: {  	s0 =	sadd.s32 @!p0 $0x100000, s3;
	[bflag:$0x2] =	sbarrier.arrive $0xFFFF  }
0x86: {  	[sflag:s0] =	ssyncadd.tile.s32 @!p0 $0x1;
	_ =	shalt  }
.Lfunc_end2:
_tile_overlayer_lowered:
.L_overlay_start_2:
0x87: {  	(tag) =	ssettag $0x2  }
0x88: {  	s0 =	rddreg [dreg:$0x0];
	s2 =	stileid.u32  }
0x89: {  	s1 =	rddreg [dreg:$0x1];
	p0 =	sne.s32 s2, $0x0  }
0x8a: {  	s3 =	rddreg [dreg:$0x2];
	[bflag:$0x3] =	sbarrier.arrive $0xFFFF;
	s2 =	simm.s32 @!p0 $0x1C02  }
0x8b: {  	[timem:s3], [sflag:s2] =	dma.local @!p0 [hbm:s0], s1  }
0x8c: {  	s0 =	simm.s32 @!p0 $0x2  }
0x8d: {  	_ =	swait.ge @!p0 [sflag:s0], s1  }
0x8e: {  	s1 =	ssub.s32 @!p0 $0x0, s1;
	[sflag:s0] =	ssyncset.done @!p0 $0x0  }
0x8f: {  	[sflag:s0] =	ssyncadd.s32 @!p0 s1  }
0x90: {  	[bflag:$0x3] =	sbarrier.arrive $0xFFFF  }
0x91: {  	_ =	shalt  }

// kernel: kernel.9.cloned.1.call-start
scs
__scs_entry_jumppad:
0x0: {  	(pc) =	sbr.rel $0x88, $3  }
0x1: {  	(tag) =	ssettag $0x0;
	lr =	simm.s32 $0x1  }
0x2: {  	[smem:$0x3F92] =	sst lr;
	_ =	strace $0xD0000000  }
0x3: {  	_ = 	snop  }
0x4: {  	_ = 	snop  }
0x5: {  	_ = 	snop  }
0x6: {  	_ = 	snop  }
0x7: {  	_ = 	snop  }
__scs_overlays_trampoline_lowered:
0x8: {  	[smem:$0x3FA1] =	sst s0  }
0x9: {  	[smem:$0x3FA2] =	sst s1  }
0xa: {  	[smem:$0x3FA3] =	sst s2  }
0xb: {  	[smem:$0x3FA4] =	sst s3  }
0xc: {  	[smem:$0x3FA5] =	sst s4  }
0xd: {  	[smem:$0x3FA6] =	sst s5  }
0xe: {  	[smem:$0x3FA7] =	sst s6  }
0xf: {  	[smem:$0x3FA8] =	sst s7  }
0x10: {  	[smem:$0x3FA9] =	sst s8  }
0x11: {  	[smem:$0x3FAA] =	sst s9;
	s0 =	simm.s32 @!p0 $0x0  }
0x12: {  	s1 =	sld [smem:$0x3F90];
	s0 =	simm.s32 @p0 $0x1  }
0x13: {  	[smem:$0x3FAB] =	sst s0;
	s0 =	simm.s32 @!p1 $0x0  }
0x14: {  	s2 =	sld [smem:$0x3F8F];
	s0 =	simm.s32 @p1 $0x1  }
0x15: {  	[smem:$0x3FAC] =	sst s0;
	s0 =	simm.s32 @!p2 $0x0  }
0x16: {  	s3 =	sld [smem:$0x3FDB];
	s0 =	simm.s32 @p2 $0x1  }
0x17: {  	s4 =	simm.s32 $0x1BF5;
	[smem:$0x3FAE] =	sst s0  }
0x18: {  	s0 =	sld [smem:$0x3F91];
	_ =	swait.ge [sflag:s4], $0x0  }
0x19: {  	s7 =	sld [smem:$0x3F92]  }
0x1a: {  	s8 =	sadd.s32 $0xFFFFE003, lr  }
0x1b: {  	s9 =	sadd.s32 $0xFFFFFEF7, lr;
	s5 =	simm.s32 $0xFFFFFFFF;
	p2 =	slt.u32 s8, $0xFFFFF086  }
0x1c: {  	p1 =	slt.u32 s9, $0xF7A;
	s5 =	simm.s32 @!p2 $0x0  }
0x1d: {  	s5 =	simm.s32 @p1 $0x1;
	p0 =	seq.s32 s7, s2  }
0x1e: {  	s7 =	smul.u32 @!p0 $0xF7A, s2;
	p2 =	seq.s32 @!p0 s5, $0x0  }
0x1f: {  	s9 =	smul.u32 $0xF7A, s1;
	s8 =	simm.s32 @!p0 $0x1BF5;
	p2 =	por !p2, p0  }
0x20: {  	[sflag:s8] =	ssyncset.s32 @!p0 $0xFFFFF086;
	s6 =	sadd.s32 @!p0 s3, s7;
	s7 =	simm.s32 @!p0 $0x108  }
0x21: {  	s3 =	sadd.s32 s3, s9;
	s6 =	sadd.s32 @!p0 $0x88, s6;
	s7 =	simm.s32 @p2 $0x1082  }
0x22: {  	[simem:s7], [sflag:s8] =	dma.local @!p0 [hbm:s6], $0xF7A  }
0x23: {  	s9 =	sor.u32 $0xD0000000, s2;
	s6 =	simm.s32 $0x108;
	_ =	swait.ge @!p0 [sflag:s8], $0x0  }
0x24: {  	s3 =	sadd.s32 $0x88, s3;
	s6 =	simm.s32 @!p1 $0x1082;
	[sflag:s4] =	ssyncset.s32 $0xFFFFF086  }
0x25: {  	[simem:s6], [sflag:s4] =	dma.local [hbm:s3], $0xF7A  }
0x26: {  	[smem:$0x3F92] =	sst s1;
	(tag) =	ssettag s2;
	_ =	strace s9  }
0x27: {  	s1 =	sld [smem:$0x3FA2]  }
0x28: {  	s2 =	sld [smem:$0x3FA3]  }
0x29: {  	s4 =	sld [smem:$0x3FA5]  }
0x2a: {  	p0 =	seq.s32 s5, $0x0;
	s5 =	sld [smem:$0x3FA6]  }
0x2b: {  	s6 =	sld [smem:$0x3FA7]  }
0x2c: {  	s7 =	sld [smem:$0x3FA8]  }
0x2d: {  	s3 =	simm.s32 $0x108;
	s8 =	sld [smem:$0x3FA9]  }
0x2e: {  	s3 =	simm.s32 @!p0 $0x1082;
	s9 =	sld [smem:$0x3FAA]  }
0x2f: {  	lr =	sadd.s32 s0, s3;
	s0 =	sld [smem:$0x3FA1]  }
0x30: {  	s3 =	sld [smem:$0x3FA4]  }
0x31: {  	[smem:$0x3FAD] =	sst s10  }
0x32: {  	s10 =	sld [smem:$0x3FAB];
	_ =	sdelay $0x3  }
0x33: {  	p0 =	seq.s32 s10, $0x1;
	s10 =	sld [smem:$0x3FAD];
	_ =	sdelay $0x3  }
0x34: {  	[smem:$0x3FAD] =	sst s10  }
0x35: {  	s10 =	sld [smem:$0x3FAC];
	_ =	sdelay $0x3  }
0x36: {  	p1 =	seq.s32 s10, $0x1;
	s10 =	sld [smem:$0x3FAD];
	_ =	sdelay $0x3  }
0x37: {  	[smem:$0x3FAD] =	sst s10  }
0x38: {  	s10 =	sld [smem:$0x3FAE]  }
0x39: {  	_ = 	snop;
	(pc) =	sbr.ind lr, $3  }
0x3a: {  	_ = 	snop  }
0x3b: {  	_ = 	snop  }
0x3c: {  	p2 =	seq.s32 s10, $0x1;
	s10 =	sld [smem:$0x3FAD]  }
0x3d: {  	_ =	shalt  }
0x3e: {  	_ =	shalt  }
0x3f: {  	_ =	shalt  }
0x40: {  	_ =	shalt  }
0x41: {  	_ =	shalt  }
0x42: {  	_ =	shalt  }
0x43: {  	_ =	shalt  }
0x44: {  	_ =	shalt  }
0x45: {  	_ =	shalt  }
0x46: {  	_ =	shalt  }
0x47: {  	_ =	shalt  }
0x48: {  	_ =	shalt  }
0x49: {  	_ =	shalt  }
0x4a: {  	_ =	shalt  }
0x4b: {  	_ =	shalt  }
0x4c: {  	_ =	shalt  }
0x4d: {  	_ =	shalt  }
0x4e: {  	_ =	shalt  }
0x4f: {  	_ =	shalt  }
0x50: {  	_ =	shalt  }
0x51: {  	_ =	shalt  }
0x52: {  	_ =	shalt  }
0x53: {  	_ =	shalt  }
0x54: {  	_ =	shalt  }
0x55: {  	_ =	shalt  }
0x56: {  	_ =	shalt  }
0x57: {  	_ =	shalt  }
0x58: {  	_ =	shalt  }
0x59: {  	_ =	shalt  }
0x5a: {  	_ =	shalt  }
0x5b: {  	_ =	shalt  }
0x5c: {  	_ =	shalt  }
0x5d: {  	_ =	shalt  }
0x5e: {  	_ =	shalt  }
0x5f: {  	_ =	shalt  }
0x60: {  	_ =	shalt  }
0x61: {  	_ =	shalt  }
0x62: {  	_ =	shalt  }
0x63: {  	_ =	shalt  }
0x64: {  	_ =	shalt  }
0x65: {  	_ =	shalt  }
0x66: {  	_ =	shalt  }
0x67: {  	_ =	shalt  }
0x68: {  	_ =	shalt  }
0x69: {  	_ =	shalt  }
0x6a: {  	_ =	shalt  }
0x6b: {  	_ =	shalt  }
0x6c: {  	_ =	shalt  }
0x6d: {  	_ =	shalt  }
0x6e: {  	_ =	shalt  }
0x6f: {  	_ =	shalt  }
0x70: {  	_ =	shalt  }
0x71: {  	_ =	shalt  }
0x72: {  	_ =	shalt  }
0x73: {  	_ =	shalt  }
0x74: {  	_ =	shalt  }
0x75: {  	_ =	shalt  }
0x76: {  	_ =	shalt  }
0x77: {  	_ =	shalt  }
0x78: {  	_ =	shalt  }
0x79: {  	_ =	shalt  }
0x7a: {  	_ =	shalt  }
0x7b: {  	_ =	shalt  }
0x7c: {  	_ =	shalt  }
0x7d: {  	_ =	shalt  }
0x7e: {  	_ =	shalt  }
0x7f: {  	_ =	shalt  }
0x80: {  	_ =	shalt  }
0x81: {  	_ =	shalt  }
0x82: {  	_ =	shalt  }
0x83: {  	_ =	shalt  }
0x84: {  	_ =	shalt  }
0x85: {  	_ =	shalt  }
0x86: {  	_ =	shalt  }
0x87: {  	_ =	shalt  }
.Lfunc_end0:
.L_simem_size_0:
called_computation.1_lowered:
.L_overlay_start_0:
0x88: {  	s2 =	sld [smem:$0x3FD9]  }
0x89: {  	s3 =	sld [smem:$0x3FFE];
	_ =	sdelay $0x1  }
0x8a: {  	s1 =	srdreg.scid  }
0x8b: {  	s0 =	sand.u32 $0x1, s1  }
0x8c: {  	s14 =	sshll.u32 s0, $0xA;
	s2 =	sadd.s32 s3, s2  }
0x8d: {  	s2 =	sadd.s32 s2, s14  }
0x8e: {  	[smem:$0x3FB9] =	sst s2  }
0x8f: {  	_ = 	snop  }
0x90: {  	s2 =	sld [smem:$0x3FD0];
	_ =	sdelay $0x2  }
0x91: {  	s4 =	simm.s32 $0xA;
	s5 =	simm.s32 $0x10;
	s15 =	sld [smem:$0x3FC8]  }
0x92: {  	[smem:s5], [sflag:s4] =	dma.local [hbm:s2], $0x1  }
0x93: {  	_ =	swait.eq [sflag:s4], $0x1  }
0x94: {  	[sflag:s4] =	ssyncset.done $0x0  }
0x95: {  	s16 =	sld [smem:$0x10];
	[sflag:s4] =	ssyncadd.s32 $0xFFFFFFFF  }
0x96: {  	s17 =	sld [smem:$0x11];
	(tm) =	ssettm $0x1  }
0x97: {  	s18 =	sld [smem:$0x3FFB];
	_ =	sdelay $0x3  }
0x98: {  	_ =	strace s18  }
0x99: {  	s5 =	sld [smem:$0x3FFC];
	_ =	sdelay $0x3  }
0x9a: {  	_ =	strace s5  }
0x9b: {  	s5 =	sld [smem:$0x3FFD];
	_ =	sdelay $0x3  }
0x9c: {  	_ =	strace s5  }
0x9d: {  	_ =	strace $0x8FFFFFFF  }
0x9e: {  	s19 =	sld [smem:$0x3FDB];
	_ =	sdelay $0x1  }
0x9f: {  	s6 =	simm.s32 $_scs_section_size  }
0xa0: {  	s7 =	simm.s32 $_size__tile_overlayer_lowered;
	s8 =	simm.s32 $_tile_overlayer_lowered  }
0xa1: {  	s22 =	simm.s32 $0x1BFF;
	s21 =	sshll.u32 s8, $0x1;
	s5 =	sadd.s32 s6, s19  }
0xa2: {  	s9 =	simm.s32 $0x0;
	s20 =	sshll.u32 s7, $0x1;
	s7 =	sadd.s32 s21, s5  }
0xa3: {  	[timem:s9], [sflag:s22] =	dma.local [hbm:s7], s20  }
0xa4: {  	_ =	swait.ge [sflag:s22], s20  }
0xa5: {  	s6 =	ssub.s32 $0x0, s20;
	[sflag:s22] =	ssyncset.done $0x0  }
0xa6: {  	[sflag:s22] =	ssyncadd.s32 s6;
	_ =	sdelay $0x1  }
0xa7: {  	s23 =	simm.s32 $0x1B8B  }
0xa8: {  	_ =	swait.ge [sflag:s23], $0x1  }
0xa9: {  	[sflag:s23] =	ssyncset.done $0x0  }
0xaa: {  	s25 =	simm.s32 $0x1B8E;
	s24 =	sld [smem:$0x3FFE];
	[sflag:s23] =	ssyncadd.s32 $0xFFFFFFFF  }
0xab: {  	s26 =	simm.s32 $execute0_lowered;
	[smem:$0x3FD2] =	sst s25  }
0xac: {  	s7 =	sshll.u32 s26, $0x1;
	_ =	strace $0x80000049;
	[dreg:$0x1] =	wrdreg $0xFFFFFFFF  }
0xad: {  	s28 =	simm.s32 $_size_execute0_lowered;
	s5 =	sadd.s32 s5, s7;
	[dreg:$0x0] =	wrdreg $0x0  }
0xae: {  	s7 =	sshll.u32 s28, $0x1;
	[dreg:$0x2] =	wrdreg s5  }
0xaf: {  	[dreg:$0x3] =	wrdreg s7  }
0xb0: {  	[dreg:$0x4] =	wrdreg $0xC0  }
0xb1: {  	_ =	task [dreg:s9], $0x5FFFF  }
0xb2: {  	[dreg:$0x1] =	wrdreg $0xFFFFFFFF  }
0xb3: {  	[dreg:$0x0] =	wrdreg $0x60  }
0xb4: {  	[dreg:$0x2] =	wrdreg s24  }
0xb5: {  	[dreg:$0x3] =	wrdreg s15  }
0xb6: {  	[dreg:$0x4] =	wrdreg s16  }
0xb7: {  	[dreg:$0x5] =	wrdreg s17  }
0xb8: {  	[dreg:$0x6] =	wrdreg $0xA2000  }
0xb9: {  	[dreg:$0x7] =	wrdreg $0x9  }
0xba: {  	_ =	task.clear_ibuf [dreg:s9], $0x8FFFF;
	_ =	strace $0x90000049  }
0xbb: {  	s29 =	simm.s32 $0x9;
	_ =	strace $0x8000004B  }
0xbc: {  	_ =	swait.ge [sflag:s29], $0x1  }
0xbd: {  	[sflag:s29] =	ssyncadd.s32 $0xFFFFFFFF  }
0xbe: {  	_ =	strace $0x9000004B  }
0xbf: {  	_ =	sfence  }
0xc0: {  	s30 =	sld [smem:$0x0];
	_ =	sdelay $0x2  }
0xc1: {  	s31 =	sshll.u32 s1, $0xD;
	s1 =	sshrl.u32 s1, $0x2  }
0xc2: {  	s3 =	sand.u32 $0x4000, s31;
	s1 =	sadd.s32 s1, s30  }
0xc3: {  	s0 =	sor.u32 s3, s0;
	s1 =	sshll.u32 s1, $0x11  }
0xc4: {  	s0 =	sor.u32 s1, s0  }
0xc5: {  	s0 =	sadd.s32 $0x8F2B, s0  }
0xc6: {  	[sflag:s0] =	ssyncadd.remote.s32 $0x1  }
0xc7: {  	_ =	sfence.sel $0xFFFF  }
0xc8: {  	[dreg:$0x0] =	wrdreg $0xFFFFFFFF;
	(pc) =	sbr.abs _section_cstart, $3  }
0xc9: {  	[dreg:$0x1] =	wrdreg $0xFFFFFFFF  }
0xca: {  	_ =	task.clear_ibuf [dreg:s9], $0x2FFFF;
	_ =	strace $0x9FFFFFFF  }
0xcb: {  	(tm) =	ssettm $0x7FFFFFFF  }
tec
execute0_lowered:
.L_overlay_start_1:
0x0: {  	(tag) =	ssettag $0x1  }
0x1: {  	s0 =	rddreg [dreg:$0x0]  }
0x2: {  	s1 =	rddreg [dreg:$0x1]  }
0x3: {  	s3 =	rddreg [dreg:$0x3]  }
0x4: {  	s4 =	rddreg [dreg:$0x4];
	s2 =	srdreg.scid;
	s6 =	simm.s32 $0x0  }
0x5: {  	s13 =	stileid.u32;
	s28 =	simm.s32 $0x2900;
	s29 =	simm.s32 $0x7900  }
0x6: {  	s30 =	simm.s32 $0x1;
	s31 =	simm.s32 $0x50;
	s19 =	simm.s32 $0x0  }
0x7: {  	s2 =	sand.u32 $0x1, s2;
	[smem:$0x7FF] =	sst s6;
	s9 =	smul.u32 $0x14000, s13  }
0x8: {  	s7 =	sadd.s32 $0x2800, s0;
	s8 =	sadd.s32 $0x5C600, s0;
	s21 =	smul.u32 $0x50000, s13  }
0x9: {  	s10 =	sadd.s32 $0x53E600, s0;
	s20 =	sshll.u32 s13, $0x1;
	s5 =	smul.u32 $0x140000, s2  }
0xa: {  	_ =	strace $0x8000004A;
	[dreg:$0x6] =	wrdreg s10;
	s10 =	sor.u32 s2, s20  }
0xb: {  	s26 =	sshll.u32 s13, $0x6;
	s2 =	ssub.s32 $0x2, s2;
	s22 =	smul.u32 $0xA, s10  }
0xc: {  	s20 =	simm.s32 $0x5;
	s11 =	sshrl.u32 s2, $0x1;
	s12 =	smul.u32 $0x2800, s10  }
0xd: {  	s23 =	smul.u32 $0x500, s10;
	s15 =	sor.u32 $0x40, s10;
	s5 =	sadd.s32 s9, s5  }
0xe: {  	s9 =	sshrl.u32 s21, $0x2;
	s2 =	ssub.s32 s2, s11;
	s5 =	sshrl.u32 s5, $0x3  }
0xf: {  	s9 =	sadd.s32 s9, s4;
	s24 =	sshrl.u32 s12, $0x3;
	s25 =	sadd.s32 s8, s23  }
0x10: {  	s11 =	sadd.s32 s1, s23;
	s18 =	smax.u32 s2, $0x1;
	s2 =	simm.s32 $0x4  }
0x11: {  	s0 =	sadd.s32 s5, s0;
	s5 =	sadd.s32 s7, s22;
	[dreg:$0x9] =	wrdreg s25  }
0x12: {  	[dreg:$0xa] =	wrdreg s11;
	s22 =	sor.u32 $0x1C05, s26;
	s23 =	sshrl.u32 s9, $0x3  }
0x13: {  	s25 =	simm.s32 $0x5100;
	s26 =	simm.s32 $0x80;
	s14 =	sadd.s32 $0xC600, s0  }
0x14: {  	[dreg:$0x8] =	wrdreg s5;
	s5 =	sadd.s32 s3, s24;
	s17 =	sadd.s32 $0x53E800, s0  }
0x15: {  	s24 =	simm.s32 $0x100;
	[dreg:$0x7] =	wrdreg s14;
	s5 =	sadd.s32 $0x4D8000, s5  }
0x16: {  	s0 =	simm.s32 $0x3;
	[dreg:$0xb] =	wrdreg s5;
	s5 =	simm.s32 $0x2  }
.LBB2_1:
0x17: {  	s9 =	rddreg [dreg:$0x6];
	s11 =	simm.s32 $0xA100  }
0x18: {  	[tilespmem:s11], [sflag:$0x5] =	stream.linear.gather [hbm4b:s9+s6], $0x80, $0x38;
	[tilespmem:$0x1E200] =	vst v63  }
0x19: {  	_ =	swait.ge [sflag:s20], $0x80  }
0x1a: {  	[sflag:s20] =	ssyncset.done $0x0  }
0x1b: {  	[sflag:s20] =	ssyncadd.s32 $0xFFFFFF80  }
0x1c: {  	s12 =	simm.s32 $0xA180;
	s11 =	rddreg [dreg:$0x2]  }
0x1d: {  	[tilespmem:s12], [sflag:$0x5] =	stream.linear.gather [hbm4b:s11+s6], $0x80, $0x38;
	[tilespmem:$0x1E200] =	vst v63  }
0x1e: {  	_ =	swait.ge [sflag:s20], $0x80  }
0x1f: {  	[sflag:s20] =	ssyncset.done $0x0  }
0x20: {  	s13 =	rddreg [dreg:$0x7];
	[sflag:s20] =	ssyncadd.s32 $0xFFFFFF80  }
0x21: {  	[spmem:s23], [sflag:s22] =	dma.local [hbm:s13], $0x2800  }
0x22: {  	_ =	swait.ge [sflag:s20], $0x2800  }
0x23: {  	[sflag:s20] =	ssyncset.done $0x0  }
0x24: {  	[sflag:s20] =	ssyncadd.s32 $0xFFFFD800  }
0x25: {  	[bflag:$0x0] =	sbarrier.arrive $0xFFFF  }
0x26: {  	s14 =	rddreg [dreg:$0x8]  }
0x27: {  	[tilespmem:s6], [sflag:$0x1] =	stream.linear.gather [hbm4b:s14+s6], $0x50, $0x38;
	[tilespmem:$0x1E200] =	vst v63  }
0x28: {  	s16 =	rddreg [dreg:$0x9]  }
0x29: {  	[tilespmem:s24], [sflag:$0x1] =	stream.linear.gather [hbm4b:s16+s6], $0x2800, $0x38;
	[tilespmem:$0x1E200] =	vst v63  }
0x2a: {  	s21 =	rddreg [dreg:$0xa]  }
0x2b: {  	[tilespmem:s25], [sflag:$0x1] =	stream.linear.gather [hbm4b:s21+s6], $0x2800, $0x38;
	[tilespmem:$0x1E200] =	vst v63  }
0x2c: {  	v11 =	vld [tilespmem:$0xA100]  }
0x2d: {  	v13 =	vld [tilespmem:$0xA110]  }
0x2e: {  	v10 =	vld [tilespmem:$0xA120]  }
0x2f: {  	v8 =	vld [tilespmem:$0xA130]  }
0x30: {  	v6 =	vld [tilespmem:$0xA140]  }
0x31: {  	v4 =	vld [tilespmem:$0xA150]  }
0x32: {  	v2 =	vld [tilespmem:$0xA160]  }
0x33: {  	v0 =	vld [tilespmem:$0xA170]  }
0x34: {  	v15 =	vld [tilespmem:$0xA180]  }
0x35: {  	v14 =	vld [tilespmem:$0xA190]  }
0x36: {  	v12 =	vld [tilespmem:$0xA1A0]  }
0x37: {  	v9 =	vld [tilespmem:$0xA1B0]  }
0x38: {  	v7 =	vld [tilespmem:$0xA1C0]  }
0x39: {  	v5 =	vld [tilespmem:$0xA1D0]  }
0x3a: {  	v3 =	vld [tilespmem:$0xA1E0]  }
0x3b: {  	s21 =	simm.s32 $0x0;
	v1 =	vld [tilespmem:$0xA1F0]  }
.LBB2_2:
0x3c: {  	s11 =	sshll.u32 s21, $0x6  }
0x3d: {  	p0 =	seq.s32 s21, $0x0;
	s12 =	sor.u32 s11, s10  }
0x3e: {  	s9 =	simm.s32 @!p0 $0x4;
	s13 =	sor.u32 $0x20, s12  }
0x3f: {  	_ =	swait.ge @!p0 [sflag:s9], $0x2800;
	s14 =	smul.u32 $0xA, s13  }
0x40: {  	s16 =	simm.s32 $0x0;
	[sflag:s9] =	ssyncset.done @!p0 $0x0  }
0x41: {  	[sflag:s9] =	ssyncadd.s32 @!p0 $0xFFFFD800;
	s9 =	smul.u32 $0x500, s13;
	s14 =	sadd.s32 s7, s14  }
0x42: {  	[tilespmem:s26], [sflag:$0x2] =	stream.linear.gather [hbm4b:s14+s16], $0x50, $0x38;
	[tilespmem:$0x1E200] =	vst v63  }
0x43: {  	s13 =	sadd.s32 s8, s9  }
0x44: {  	[tilespmem:s28], [sflag:$0x2] =	stream.linear.gather [hbm4b:s13+s16], $0x2800, $0x38;
	[tilespmem:$0x1E200] =	vst v63  }
0x45: {  	s14 =	sadd.s32 s1, s9  }
0x46: {  	[tilespmem:s29], [sflag:$0x2] =	stream.linear.gather [hbm4b:s14+s16], $0x2800, $0x38;
	[tilespmem:$0x1E200] =	vst v63  }
0x47: {  	_ =	swait.ge [sflag:s30], $0x50  }
0x48: {  	[sflag:s30] =	ssyncset.done $0x0  }
0x49: {  	[sflag:s30] =	ssyncadd.s32 $0xFFFFFFB0  }
0x4a: {  	_ =	swait.ge [sflag:s30], $0x2800  }
0x4b: {  	[sflag:s30] =	ssyncset.done $0x0  }
0x4c: {  	[sflag:s30] =	ssyncadd.s32 $0xFFFFD800  }
0x4d: {  	_ =	swait.ge [sflag:s30], $0x2800  }
0x4e: {  	[sflag:s30] =	ssyncset.done $0x0  }
0x4f: {  	s13 =	simm.s32 $0x0;
	[sflag:s30] =	ssyncadd.s32 $0xFFFFD800  }
0x50: {  	v19 =	vld [tilespmem:s13+$0x5100]  }
0x51: {  	v18 =	vld [tilespmem:s13+$0x5110]  }
0x52: {  	v17 =	vld [tilespmem:s13+$0x5120]  }
0x53: {  	v16 =	vld [tilespmem:s13+$0x5130]  }
0x54: {  	v20 =	vld [tilespmem:s13+$0x100]  }
0x55: {  	v25 =	vld [tilespmem:s13+$0x110]  }
0x56: {  	v24 =	vld [tilespmem:s13+$0x120]  }
0x57: {  	v23 =	vld [tilespmem:s13+$0x130]  }
0x58: {  	v22 =	vld [tilespmem:s13+$0x140]  }
0x59: {  	v21 =	vld [tilespmem:s13+$0x150];
	v26 =	vmul.f32 v20, v11  }
0x5a: {  	s14 =	simm.s32 $0x200;
	v25 =	vmul.f32 v25, v13;
	v20 =	vld [tilespmem:s13+$0x160]  }
.LBB2_3:
0x5b: {  	p0 =	sne.s32 s14, $0x9E00;
	v26 =	vadd.f32 v26, v15;
	v24 =	vmul.f32 v24, v10;
	v27 =	vld [tilespmem:s13+$0x170]  }
0x5c: {  	v25 =	vadd.f32 v25, v14;
	v23 =	vmul.f32 v23, v8;
	v28 =	vld [tilespmem:s13+$0x5140]  }
0x5d: {  	v19 =	vadd.f32 v26, v19;
	v24 =	vadd.f32 v24, v12;
	v22 =	vmul.f32 v22, v6;
	v26 =	vld [tilespmem:s13+$0x5150]  }
0x5e: {  	v18 =	vadd.f32 v25, v18;
	v23 =	vadd.f32 v23, v9;
	v21 =	vmul.f32 v21, v4;
	v25 =	vld [tilespmem:s13+$0x5160]  }
0x5f: {  	s16 =	sshra.s32 s14, $0x2;
	[tilespmem:s13+$0x100] =	vst v19;
	v17 =	vadd.f32 v24, v17;
	v22 =	vadd.f32 v22, v7;
	v20 =	vmul.f32 v20, v2;
	v24 =	vld [tilespmem:s13+$0x5170]  }
0x60: {  	v19 =	vld [tilespmem:s16+$0x5100];
	[tilespmem:s13+$0x110] =	vst v18;
	v16 =	vadd.f32 v23, v16;
	v21 =	vadd.f32 v21, v5;
	v23 =	vmul.f32 v27, v0  }
0x61: {  	v18 =	vld [tilespmem:s16+$0x5110];
	[tilespmem:s13+$0x120] =	vst v17;
	v22 =	vadd.f32 v22, v28;
	v20 =	vadd.f32 v20, v3  }
0x62: {  	v17 =	vld [tilespmem:s16+$0x5120];
	[tilespmem:s13+$0x130] =	vst v16;
	v21 =	vadd.f32 v21, v26;
	v23 =	vadd.f32 v23, v1  }
0x63: {  	v16 =	vld [tilespmem:s16+$0x5130];
	[tilespmem:s13+$0x140] =	vst v22;
	v20 =	vadd.f32 v20, v25  }
0x64: {  	v25 =	vld [tilespmem:s16+$0x100];
	[tilespmem:s13+$0x150] =	vst v21;
	v21 =	vadd.f32 v23, v24  }
0x65: {  	v27 =	vld [tilespmem:s16+$0x110];
	[tilespmem:s13+$0x160] =	vst v20  }
.Ltmp0:
0x66: {  	v24 =	vld [tilespmem:s16+$0x120];
	[tilespmem:s13+$0x170] =	vst v21;
	s13 =	smov.u32 s16;
	(pc) =	sbr.rel @p0 .LBB2_3-.Ltmp0, $4  }
0x67: {  	v23 =	vld [tilespmem:s13+$0x130]  }
0x68: {  	v22 =	vld [tilespmem:s13+$0x140]  }
0x69: {  	v26 =	vmul.f32 v25, v11;
	v21 =	vld [tilespmem:s13+$0x150]  }
0x6a: {  	s14 =	sadd.s32 $0x200, s14;
	v25 =	vmul.f32 v27, v13;
	v20 =	vld [tilespmem:s13+$0x160]  }
0x6b: {  	v26 =	vadd.f32 v26, v15;
	v27 =	vld [tilespmem:s13+$0x170];
	v24 =	vmul.f32 v24, v10  }
0x6c: {  	v28 =	vld [tilespmem:s13+$0x5140];
	v25 =	vadd.f32 v25, v14;
	v23 =	vmul.f32 v23, v8  }
0x6d: {  	v19 =	vadd.f32 v26, v19;
	v26 =	vld [tilespmem:s13+$0x5150];
	v24 =	vadd.f32 v24, v12;
	v22 =	vmul.f32 v22, v6  }
0x6e: {  	v29 =	vld [tilespmem:s13+$0x5160];
	v18 =	vadd.f32 v25, v18;
	v23 =	vadd.f32 v23, v9;
	v21 =	vmul.f32 v21, v4  }
0x6f: {  	[tilespmem:s13+$0x100] =	vst v19;
	v17 =	vadd.f32 v24, v17;
	v19 =	vadd.f32 v22, v7;
	v20 =	vmul.f32 v20, v2;
	v22 =	vld [tilespmem:s13+$0x5170]  }
0x70: {  	[tilespmem:s13+$0x110] =	vst v18;
	v16 =	vadd.f32 v23, v16;
	v18 =	vadd.f32 v21, v5;
	v21 =	vmul.f32 v27, v0  }
0x71: {  	[tilespmem:s13+$0x120] =	vst v17;
	v17 =	vadd.f32 v19, v28;
	v19 =	vadd.f32 v20, v3  }
0x72: {  	[tilespmem:s13+$0x130] =	vst v16;
	v16 =	vadd.f32 v18, v26;
	v18 =	vadd.f32 v21, v1  }
0x73: {  	[tilespmem:s13+$0x140] =	vst v17;
	v17 =	vadd.f32 v19, v29  }
0x74: {  	s12 =	smul.u32 $0x500, s12;
	[tilespmem:s13+$0x150] =	vst v16;
	v16 =	vadd.f32 v18, v22  }
0x75: {  	[tilespmem:s13+$0x160] =	vst v17  }
0x76: {  	s12 =	sadd.s32 s3, s12;
	[tilespmem:s13+$0x170] =	vst v16;
	s13 =	simm.s32 $0x0  }
0x77: {  	[hbm4b:s12+s13] =	stream.linear.scatter [tilespmem:s24], [sflag:$0x3], $0x2800, $0x38;
	[tilespmem:$0x1E200] =	vst v63  }
0x78: {  	_ = 	snop  }
0x79: {  	[spmem:s4] =	stream.indirect.scatter.add.f32 [tilespmem:s24], [sflag:$0x5], $0x80, s13, s31, $0xb8;
	[tilespmem:$0x1E200] =	vst v63  }
0x7a: {  	_ =	swait.ge [sflag:s20], $0x2800  }
0x7b: {  	[sflag:s20] =	ssyncset.done $0x0  }
0x7c: {  	s11 =	sadd.s32 s15, s11;
	[sflag:s20] =	ssyncadd.s32 $0xFFFFD800  }
0x7d: {  	s14 =	smul.u32 $0xA, s11;
	_ =	swait.ge [sflag:s0], $0x2800  }
0x7e: {  	[sflag:s0] =	ssyncset.done $0x0  }
0x7f: {  	s11 =	smul.u32 $0x500, s11;
	s12 =	sadd.s32 s7, s14;
	[sflag:s0] =	ssyncadd.s32 $0xFFFFD800  }
0x80: {  	[tilespmem:s13], [sflag:$0x1] =	stream.linear.gather [hbm4b:s12+s13], $0x50, $0x38;
	[tilespmem:$0x1E200] =	vst v63  }
0x81: {  	s16 =	sadd.s32 s8, s11  }
0x82: {  	[tilespmem:s24], [sflag:$0x1] =	stream.linear.gather [hbm4b:s16+s13], $0x2800, $0x38;
	[tilespmem:$0x1E200] =	vst v63  }
0x83: {  	s11 =	sadd.s32 s1, s11  }
0x84: {  	[tilespmem:s25], [sflag:$0x1] =	stream.linear.gather [hbm4b:s11+s13], $0x2800, $0x38;
	[tilespmem:$0x1E200] =	vst v63  }
0x85: {  	_ =	swait.ge [sflag:s5], $0x50  }
0x86: {  	[sflag:s5] =	ssyncset.done $0x0  }
0x87: {  	[sflag:s5] =	ssyncadd.s32 $0xFFFFFFB0  }
0x88: {  	_ =	swait.ge [sflag:s5], $0x2800  }
0x89: {  	[sflag:s5] =	ssyncset.done $0x0  }
0x8a: {  	[sflag:s5] =	ssyncadd.s32 $0xFFFFD800  }
0x8b: {  	_ =	swait.ge [sflag:s5], $0x2800  }
0x8c: {  	[sflag:s5] =	ssyncset.done $0x0  }
0x8d: {  	s11 =	simm.s32 $0x0;
	[sflag:s5] =	ssyncadd.s32 $0xFFFFD800  }
0x8e: {  	v19 =	vld [tilespmem:s11+$0x7900]  }
0x8f: {  	v18 =	vld [tilespmem:s11+$0x7910]  }
0x90: {  	v17 =	vld [tilespmem:s11+$0x7920]  }
0x91: {  	v16 =	vld [tilespmem:s11+$0x7930]  }
0x92: {  	v20 =	vld [tilespmem:s11+$0x2900]  }
0x93: {  	v25 =	vld [tilespmem:s11+$0x2910]  }
0x94: {  	v24 =	vld [tilespmem:s11+$0x2920]  }
0x95: {  	v23 =	vld [tilespmem:s11+$0x2930]  }
0x96: {  	v22 =	vld [tilespmem:s11+$0x2940]  }
0x97: {  	v21 =	vld [tilespmem:s11+$0x2950];
	v26 =	vmul.f32 v20, v11  }
0x98: {  	s12 =	simm.s32 $0x200;
	v25 =	vmul.f32 v25, v13;
	v20 =	vld [tilespmem:s11+$0x2960]  }
.LBB2_5:
0x99: {  	p0 =	sne.s32 s12, $0x9E00;
	v26 =	vadd.f32 v26, v15;
	v24 =	vmul.f32 v24, v10;
	v27 =	vld [tilespmem:s11+$0x2970]  }
0x9a: {  	v25 =	vadd.f32 v25, v14;
	v23 =	vmul.f32 v23, v8;
	v28 =	vld [tilespmem:s11+$0x7940]  }
0x9b: {  	v19 =	vadd.f32 v26, v19;
	v24 =	vadd.f32 v24, v12;
	v22 =	vmul.f32 v22, v6;
	v26 =	vld [tilespmem:s11+$0x7950]  }
0x9c: {  	v18 =	vadd.f32 v25, v18;
	v23 =	vadd.f32 v23, v9;
	v21 =	vmul.f32 v21, v4;
	v25 =	vld [tilespmem:s11+$0x7960]  }
0x9d: {  	s13 =	sshra.s32 s12, $0x2;
	[tilespmem:s11+$0x2900] =	vst v19;
	v17 =	vadd.f32 v24, v17;
	v22 =	vadd.f32 v22, v7;
	v20 =	vmul.f32 v20, v2;
	v24 =	vld [tilespmem:s11+$0x7970]  }
0x9e: {  	v19 =	vld [tilespmem:s13+$0x7900];
	[tilespmem:s11+$0x2910] =	vst v18;
	v16 =	vadd.f32 v23, v16;
	v21 =	vadd.f32 v21, v5;
	v23 =	vmul.f32 v27, v0  }
0x9f: {  	v18 =	vld [tilespmem:s13+$0x7910];
	[tilespmem:s11+$0x2920] =	vst v17;
	v22 =	vadd.f32 v22, v28;
	v20 =	vadd.f32 v20, v3  }
0xa0: {  	v17 =	vld [tilespmem:s13+$0x7920];
	[tilespmem:s11+$0x2930] =	vst v16;
	v21 =	vadd.f32 v21, v26;
	v23 =	vadd.f32 v23, v1  }
0xa1: {  	v16 =	vld [tilespmem:s13+$0x7930];
	[tilespmem:s11+$0x2940] =	vst v22;
	v20 =	vadd.f32 v20, v25  }
0xa2: {  	v25 =	vld [tilespmem:s13+$0x2900];
	[tilespmem:s11+$0x2950] =	vst v21;
	v21 =	vadd.f32 v23, v24  }
0xa3: {  	v27 =	vld [tilespmem:s13+$0x2910];
	[tilespmem:s11+$0x2960] =	vst v20  }
.Ltmp1:
0xa4: {  	v24 =	vld [tilespmem:s13+$0x2920];
	[tilespmem:s11+$0x2970] =	vst v21;
	s11 =	smov.u32 s13;
	(pc) =	sbr.rel @p0 .LBB2_5-.Ltmp1, $4  }
0xa5: {  	v23 =	vld [tilespmem:s11+$0x2930]  }
0xa6: {  	v22 =	vld [tilespmem:s11+$0x2940]  }
0xa7: {  	v26 =	vmul.f32 v25, v11;
	v21 =	vld [tilespmem:s11+$0x2950]  }
0xa8: {  	s12 =	sadd.s32 $0x200, s12;
	v25 =	vmul.f32 v27, v13;
	v20 =	vld [tilespmem:s11+$0x2960]  }
0xa9: {  	v26 =	vadd.f32 v26, v15;
	v27 =	vld [tilespmem:s11+$0x2970];
	v24 =	vmul.f32 v24, v10  }
0xaa: {  	v28 =	vld [tilespmem:s11+$0x7940];
	v25 =	vadd.f32 v25, v14;
	v23 =	vmul.f32 v23, v8  }
0xab: {  	v57 =	vld [tilespmem:s11+$0x7950];
	v19 =	vadd.f32 v26, v19;
	v24 =	vadd.f32 v24, v12;
	v22 =	vmul.f32 v22, v6  }
0xac: {  	v29 =	vld [tilespmem:s11+$0x7960];
	v18 =	vadd.f32 v25, v18;
	v23 =	vadd.f32 v23, v9;
	v21 =	vmul.f32 v21, v4  }
0xad: {  	v59 =	vld [tilespmem:s11+$0x7970];
	[tilespmem:s11+$0x2900] =	vst v19;
	v17 =	vadd.f32 v24, v17;
	v58 =	vadd.f32 v22, v7;
	v20 =	vmul.f32 v20, v2  }
0xae: {  	[tilespmem:s11+$0x2910] =	vst v18;
	v16 =	vadd.f32 v23, v16;
	v60 =	vadd.f32 v21, v5;
	v61 =	vmul.f32 v27, v0  }
0xaf: {  	[tilespmem:s11+$0x2920] =	vst v17;
	v17 =	vadd.f32 v58, v28;
	v62 =	vadd.f32 v20, v3  }
0xb0: {  	[tilespmem:s11+$0x2930] =	vst v16;
	v16 =	vadd.f32 v60, v57;
	v63 =	vadd.f32 v61, v1  }
0xb1: {  	[tilespmem:s11+$0x2940] =	vst v17;
	v17 =	vadd.f32 v62, v29  }
0xb2: {  	[tilespmem:s11+$0x2950] =	vst v16;
	v16 =	vadd.f32 v63, v59  }
0xb3: {  	s21 =	sadd.s32 $0x1, s21;
	[tilespmem:s11+$0x2960] =	vst v17  }
0xb4: {  	s9 =	sadd.s32 s3, s9;
	p0 =	sne.s32 s21, $0x3E;
	[tilespmem:s11+$0x2970] =	vst v16  }
0xb5: {  	[hbm4b:s9+s6] =	stream.linear.scatter [tilespmem:s28], [sflag:$0x4], $0x2800, $0x38;
	[tilespmem:$0x1E200] =	vst v63  }
.Ltmp2:
0xb6: {  	_ = 	snop;
	(pc) =	sbr.rel @p0 .LBB2_2-.Ltmp2, $4  }
0xb7: {  	[spmem:s4] =	stream.indirect.scatter.add.f32 [tilespmem:s28], [sflag:$0x5], $0x80, s26, s31, $0xb8;
	[tilespmem:$0x1E200] =	vst v63  }
0xb8: {  	_ =	swait.ge [sflag:s20], $0x2800  }
0xb9: {  	[sflag:s20] =	ssyncset.done $0x0  }
0xba: {  	[sflag:s20] =	ssyncadd.s32 $0xFFFFD800  }
0xbb: {  	_ =	swait.ge [sflag:s2], $0x2800  }
0xbc: {  	[sflag:s2] =	ssyncset.done $0x0  }
0xbd: {  	[sflag:s2] =	ssyncadd.s32 $0xFFFFD800  }
0xbe: {  	_ =	swait.ge [sflag:s30], $0x50  }
0xbf: {  	[sflag:s30] =	ssyncset.done $0x0  }
0xc0: {  	[sflag:s30] =	ssyncadd.s32 $0xFFFFFFB0  }
0xc1: {  	_ =	swait.ge [sflag:s30], $0x2800  }
0xc2: {  	[sflag:s30] =	ssyncset.done $0x0  }
0xc3: {  	[sflag:s30] =	ssyncadd.s32 $0xFFFFD800  }
0xc4: {  	_ =	swait.ge [sflag:s30], $0x2800  }
0xc5: {  	[sflag:s30] =	ssyncset.done $0x0  }
0xc6: {  	s9 =	simm.s32 $0x0;
	[sflag:s30] =	ssyncadd.s32 $0xFFFFD800  }
0xc7: {  	v19 =	vld [tilespmem:s9+$0x5100]  }
0xc8: {  	v18 =	vld [tilespmem:s9+$0x5110]  }
0xc9: {  	v17 =	vld [tilespmem:s9+$0x5120]  }
0xca: {  	v16 =	vld [tilespmem:s9+$0x5130]  }
0xcb: {  	v20 =	vld [tilespmem:s9+$0x100]  }
0xcc: {  	v25 =	vld [tilespmem:s9+$0x110]  }
0xcd: {  	v24 =	vld [tilespmem:s9+$0x120]  }
0xce: {  	v23 =	vld [tilespmem:s9+$0x130]  }
0xcf: {  	v22 =	vld [tilespmem:s9+$0x140]  }
0xd0: {  	v21 =	vld [tilespmem:s9+$0x150];
	v26 =	vmul.f32 v20, v11  }
0xd1: {  	s11 =	simm.s32 $0x200;
	v25 =	vmul.f32 v25, v13;
	v20 =	vld [tilespmem:s9+$0x160]  }
.LBB2_8:
0xd2: {  	p0 =	sne.s32 s11, $0x9E00;
	v26 =	vadd.f32 v26, v15;
	v24 =	vmul.f32 v24, v10;
	v27 =	vld [tilespmem:s9+$0x170]  }
0xd3: {  	v25 =	vadd.f32 v25, v14;
	v23 =	vmul.f32 v23, v8;
	v28 =	vld [tilespmem:s9+$0x5140]  }
0xd4: {  	v19 =	vadd.f32 v26, v19;
	v24 =	vadd.f32 v24, v12;
	v22 =	vmul.f32 v22, v6;
	v26 =	vld [tilespmem:s9+$0x5150]  }
0xd5: {  	v18 =	vadd.f32 v25, v18;
	v23 =	vadd.f32 v23, v9;
	v21 =	vmul.f32 v21, v4;
	v25 =	vld [tilespmem:s9+$0x5160]  }
0xd6: {  	s12 =	sshra.s32 s11, $0x2;
	[tilespmem:s9+$0x100] =	vst v19;
	v17 =	vadd.f32 v24, v17;
	v22 =	vadd.f32 v22, v7;
	v20 =	vmul.f32 v20, v2;
	v24 =	vld [tilespmem:s9+$0x5170]  }
0xd7: {  	v19 =	vld [tilespmem:s12+$0x5100];
	[tilespmem:s9+$0x110] =	vst v18;
	v16 =	vadd.f32 v23, v16;
	v21 =	vadd.f32 v21, v5;
	v23 =	vmul.f32 v27, v0  }
0xd8: {  	v18 =	vld [tilespmem:s12+$0x5110];
	[tilespmem:s9+$0x120] =	vst v17;
	v22 =	vadd.f32 v22, v28;
	v20 =	vadd.f32 v20, v3  }
0xd9: {  	v17 =	vld [tilespmem:s12+$0x5120];
	[tilespmem:s9+$0x130] =	vst v16;
	v21 =	vadd.f32 v21, v26;
	v23 =	vadd.f32 v23, v1  }
0xda: {  	v16 =	vld [tilespmem:s12+$0x5130];
	[tilespmem:s9+$0x140] =	vst v22;
	v20 =	vadd.f32 v20, v25  }
0xdb: {  	v25 =	vld [tilespmem:s12+$0x100];
	[tilespmem:s9+$0x150] =	vst v21;
	v21 =	vadd.f32 v23, v24  }
0xdc: {  	v27 =	vld [tilespmem:s12+$0x110];
	[tilespmem:s9+$0x160] =	vst v20  }
.Ltmp3:
0xdd: {  	v24 =	vld [tilespmem:s12+$0x120];
	[tilespmem:s9+$0x170] =	vst v21;
	s9 =	smov.u32 s12;
	(pc) =	sbr.rel @p0 .LBB2_8-.Ltmp3, $4  }
0xde: {  	v23 =	vld [tilespmem:s9+$0x130]  }
0xdf: {  	v22 =	vld [tilespmem:s9+$0x140]  }
0xe0: {  	v26 =	vmul.f32 v25, v11;
	v21 =	vld [tilespmem:s9+$0x150]  }
0xe1: {  	s11 =	sadd.s32 $0x200, s11;
	v25 =	vmul.f32 v27, v13;
	v20 =	vld [tilespmem:s9+$0x160]  }
0xe2: {  	v11 =	vadd.f32 v26, v15;
	v13 =	vld [tilespmem:s9+$0x170];
	v10 =	vmul.f32 v24, v10  }
0xe3: {  	v56 =	vld [tilespmem:s9+$0x5140];
	v14 =	vadd.f32 v25, v14;
	v8 =	vmul.f32 v23, v8  }
0xe4: {  	v57 =	vld [tilespmem:s9+$0x5150];
	v11 =	vadd.f32 v11, v19;
	v10 =	vadd.f32 v10, v12;
	v6 =	vmul.f32 v22, v6  }
0xe5: {  	v58 =	vld [tilespmem:s9+$0x5160];
	v14 =	vadd.f32 v14, v18;
	v8 =	vadd.f32 v8, v9;
	v4 =	vmul.f32 v21, v4  }
0xe6: {  	v60 =	vld [tilespmem:s9+$0x5170];
	[tilespmem:s9+$0x100] =	vst v11;
	v59 =	vadd.f32 v10, v17;
	v6 =	vadd.f32 v6, v7;
	v2 =	vmul.f32 v20, v2  }
0xe7: {  	[tilespmem:s9+$0x110] =	vst v14;
	v8 =	vadd.f32 v8, v16;
	v4 =	vadd.f32 v4, v5;
	v0 =	vmul.f32 v13, v0  }
0xe8: {  	[tilespmem:s9+$0x120] =	vst v59;
	v61 =	vadd.f32 v6, v56;
	v2 =	vadd.f32 v2, v3  }
0xe9: {  	[tilespmem:s9+$0x130] =	vst v8;
	v62 =	vadd.f32 v4, v57;
	v0 =	vadd.f32 v0, v1  }
0xea: {  	[tilespmem:s9+$0x140] =	vst v61;
	v63 =	vadd.f32 v2, v58  }
0xeb: {  	[tilespmem:s9+$0x150] =	vst v62;
	v0 =	vadd.f32 v0, v60  }
0xec: {  	[tilespmem:s9+$0x160] =	vst v63  }
0xed: {  	s21 =	rddreg [dreg:$0xb];
	[tilespmem:s9+$0x170] =	vst v0  }
0xee: {  	[hbm4b:s21+s6] =	stream.linear.scatter [tilespmem:s24], [sflag:$0x3], $0x2800, $0x38;
	[tilespmem:$0x1E200] =	vst v63  }
0xef: {  	_ = 	snop  }
0xf0: {  	[spmem:s4] =	stream.indirect.scatter.add.f32 [tilespmem:s24], [sflag:$0x5], $0x80, s6, s31, $0xb8;
	[tilespmem:$0x1E200] =	vst v63  }
0xf1: {  	_ =	swait.ge [sflag:s20], $0x2800  }
0xf2: {  	[sflag:s20] =	ssyncset.done $0x0  }
0xf3: {  	[sflag:s20] =	ssyncadd.s32 $0xFFFFD800  }
0xf4: {  	_ =	swait.ge [sflag:s0], $0x2800  }
0xf5: {  	s19 =	sadd.s32 $0x1, s19;
	[sflag:s0] =	ssyncset.done $0x0  }
0xf6: {  	p0 =	sne.s32 s19, s18;
	[sflag:s0] =	ssyncadd.s32 $0xFFFFD800  }
.Ltmp4:
0xf7: {  	[bflag:$0x0] =	sbarrier.arrive $0xFFFF;
	(pc) =	sbr.rel @p0 .LBB2_1-.Ltmp4, $4  }
0xf8: {  	[hbm:s17], [sflag:s22] =	dma.local [spmem:s23], $0x2800  }
0xf9: {  	_ =	swait.ge [sflag:s20], $0x2800  }
0xfa: {  	[sflag:s20] =	ssyncset.done $0x0  }
0xfb: {  	[sflag:s20] =	ssyncadd.s32 $0xFFFFD800  }
0xfc: {  	_ =	sfence.sel $0x180000  }
0xfd: {  	[bflag:$0x0] =	sbarrier.arrive $0xFFFF  }
0xfe: {  	_ =	strace $0x9000004A  }
0xff: {  	s0 =	stileid.u32;
	[bflag:$0x2] =	sbarrier.arrive $0xFFFF  }
0x100: {  	p0 =	sne.s32 s0, $0x0;
	s0 =	rddreg [dreg:$0x5]  }
0x101: {  	s0 =	sadd.s32 @!p0 $0x100000, s0  }
0x102: {  	[sflag:s0] =	ssyncadd.tile.s32 @!p0 $0x1;
	_ =	shalt  }
.Lfunc_end2:
_tile_overlayer_lowered:
.L_overlay_start_2:
0x103: {  	(tag) =	ssettag $0x2  }
0x104: {  	s0 =	rddreg [dreg:$0x0];
	s2 =	stileid.u32  }
0x105: {  	s1 =	rddreg [dreg:$0x1];
	p0 =	sne.s32 s2, $0x0  }
0x106: {  	s3 =	rddreg [dreg:$0x2];
	[bflag:$0x3] =	sbarrier.arrive $0xFFFF;
	s2 =	simm.s32 @!p0 $0x1C05  }
0x107: {  	[timem:s3], [sflag:s2] =	dma.local @!p0 [hbm:s0], s1  }
0x108: {  	s0 =	simm.s32 @!p0 $0x5  }
0x109: {  	_ =	swait.ge @!p0 [sflag:s0], s1  }
0x10a: {  	s1 =	ssub.s32 @!p0 $0x0, s1;
	[sflag:s0] =	ssyncset.done @!p0 $0x0  }
0x10b: {  	[sflag:s0] =	ssyncadd.s32 @!p0 s1  }
0x10c: {  	[bflag:$0x3] =	sbarrier.arrive $0xFFFF  }
0x10d: {  	_ =	shalt  }

</sc_bundles>
